<compile_context>
chip_gen: v7x
topology: tpu7x:2x2x1
jax: 0.10.2.dev20260603
libtpu: 0.0.44.dev20260713+nightly
codegen_flags: <defaults>
</compile_context>

<pallas_src>
import functools

import jax
import jax.numpy as jnp
from jax import lax
from jax.experimental import pallas as pl
from jax.experimental.pallas import tpu as pltpu
from jax.experimental.pallas import tpu_sc as plsc

VOCAB = 1000000
PRETRAIN_DIM = 64
EMBED_DIM = 32
OOV_IDX = 999997


_SUB = 4096
_PACK = 4
_BLK = _SUB * _PACK
_GRID = -(-VOCAB // _BLK)
_DROWS = _GRID * _SUB
_VPAD = _DROWS * _PACK


_GDIM = PRETRAIN_DIM + EMBED_DIM
_OUTW = _PACK * EMBED_DIM


def _combine_body(pt_ref, it_ref, wf_ref, o_ref):
    i = pl.program_id(0)
    ptb = pt_ref[...].astype(jnp.bfloat16)
    itb = it_ref[...].astype(jnp.bfloat16)

    def slot_dots(j):
        proj = lax.dot_general(
            ptb[:, j * _SUB:(j + 1) * _SUB],
            wf_ref[j * _GDIM:j * _GDIM + PRETRAIN_DIM, :],
            dimension_numbers=(((0,), (0,)), ((), ())),
            preferred_element_type=jnp.float32,
        )
        idt = lax.dot_general(
            itb[:, j * _SUB:(j + 1) * _SUB],
            wf_ref[j * _GDIM + PRETRAIN_DIM:(j + 1) * _GDIM, :],
            dimension_numbers=(((0,), (0,)), ((), ())),
            preferred_element_type=jnp.float32,
        )
        return proj + idt

    @pl.when(i < _GRID - 1)
    def _():
        acc = None
        for j in range(_PACK):
            s = slot_dots(j)
            acc = s if acc is None else acc + s
        o_ref[...] = acc

    @pl.when(i == _GRID - 1)
    def _():
        s0 = slot_dots(0)
        col = lax.broadcasted_iota(jnp.int32, (_SUB, _OUTW), 1)
        v0 = i * _PACK * _SUB + lax.broadcasted_iota(
            jnp.int32, (_SUB, _OUTW), 0)
        keep = (col < EMBED_DIM) & (v0 <= OOV_IDX)
        o_ref[...] = jnp.where(keep, s0, 0.0)


def _combine(pretrain_table, id_table, W_proj):
    w96 = jnp.concatenate(
        [W_proj.T, jnp.eye(EMBED_DIM, dtype=jnp.float32)], axis=0)
    wfull = jnp.kron(
        jnp.eye(_PACK, dtype=jnp.float32), w96).astype(jnp.bfloat16)
    packed = pl.pallas_call(
        _combine_body,
        grid=(_GRID,),
        in_specs=[
            pl.BlockSpec((PRETRAIN_DIM, _BLK), lambda i: (0, i)),
            pl.BlockSpec((EMBED_DIM, _BLK), lambda i: (0, i)),
            pl.BlockSpec((_PACK * _GDIM, _OUTW), lambda i: (0, 0)),
        ],
        out_specs=pl.BlockSpec((_SUB, _OUTW), lambda i: (i, 0)),
        out_shape=jax.ShapeDtypeStruct((_DROWS, _OUTW), jnp.float32),
    )(pretrain_table.T, id_table.T, wfull)
    return packed.reshape(_VPAD, EMBED_DIM)



_IDXW = 128
_STREAMS = 4
_CHUNK = _IDXW * _STREAMS


_UNROLL = 16
_TPAD = _CHUNK + 8


def _make_gather(b, l):
    n_tokens = b * l
    info = plsc.get_sparse_core_info()
    nc, ns = info.num_cores, info.num_subcores
    nw = nc * ns
    b_per_w = n_tokens // nw
    n_outer = b_per_w // _CHUNK
    chunks_per_l = b // _CHUNK
    mesh = plsc.VectorSubcoreMesh(core_axis_name="c", subcore_axis_name="s")

    @functools.partial(
        pl.kernel,
        mesh=mesh,
        out_type=jax.ShapeDtypeStruct((l, EMBED_DIM, b), jnp.float32),
        scratch_types=[
            pltpu.VMEM((_STREAMS, _IDXW), jnp.int32),
            pltpu.VMEM((_STREAMS, _IDXW), jnp.int32),
            pltpu.VMEM((_CHUNK, EMBED_DIM), jnp.float32),
            pltpu.VMEM((_CHUNK, EMBED_DIM), jnp.float32),
            pltpu.VMEM((EMBED_DIM * _TPAD,), jnp.float32),
            pltpu.VMEM((EMBED_DIM * _TPAD,), jnp.float32),
            pltpu.SemaphoreType.DMA,
            pltpu.SemaphoreType.DMA,
            pltpu.SemaphoreType.DMA,
            pltpu.SemaphoreType.DMA,
            pltpu.SemaphoreType.DMA,
            pltpu.SemaphoreType.DMA,
        ],
        compiler_params=pltpu.CompilerParams(
            use_tc_tiling_on_sc=False, needs_layout_passes=False),
    )
    def gather_k(table_hbm, idx_hbm, out_hbm, idx0, idx1, rows0, rows1,
                 t0, t1, si0, si1, sg0, sg1, so0, so1):
        idx = (idx0, idx1)
        rows = (rows0, rows1)
        t = (t0, t1)
        si = (si0, si1)
        sg = (sg0, sg1)
        so = (so0, so1)
        wid = lax.axis_index("s") * nc + lax.axis_index("c")
        irow_base = wid * (b_per_w // _IDXW)
        lane = lax.iota(jnp.int32, 16)
        col0 = lane * _TPAD
        col1 = col0 + 16 * _TPAD
        n = n_outer

        def idx_slice(i):
            return idx_hbm.at[
                pl.ds(pl.multiple_of(irow_base + i * _STREAMS, _STREAMS),
                      _STREAMS)]

        def fire_idx(i, p):
            pltpu.async_copy(idx_slice(i), idx[p], si[p])

        def wait_idx(i, p):
            pltpu.make_async_copy(idx_slice(i), idx[p], si[p]).wait()

        def fire_gathers(p):
            for j in range(_STREAMS):
                pltpu.async_copy(
                    table_hbm.at[idx[p].at[j]],
                    rows[p].at[pl.ds(j * _IDXW, _IDXW)],
                    sg[p],
                )

        def wait_gathers(p):
            pltpu.make_async_copy(
                table_hbm.at[pl.ds(0, _CHUNK)], rows[p], sg[p]).wait()

        def drain_out(p):
            pltpu.make_async_copy(
                out_hbm.at[0, 0], t[p].at[pl.ds(0, EMBED_DIM * _CHUNK)],
                so[p]).wait()

        def chunk_pos(i):
            c = wid * n + i
            return c // chunks_per_l, (c % chunks_per_l) * _CHUNK

        def fire_out(i, p):
            li, b0 = chunk_pos(i)
            b0 = pl.multiple_of(b0, _CHUNK)
            for e in range(EMBED_DIM):
                pltpu.async_copy(
                    t[p].at[pl.ds(e * _TPAD, _CHUNK)],
                    out_hbm.at[li, e, pl.ds(b0, _CHUNK)],
                    so[p],
                )

        def transpose(p):
            rv, tv = rows[p], t[p]

            @plsc.parallel_loop(0, _CHUNK, unroll=_UNROLL)
            def trow(rr):
                x0 = rv[rr, pl.ds(0, 16)]
                x1 = rv[rr, pl.ds(16, 16)]
                plsc.store_scatter(tv, [col0 + rr], x0)
                plsc.store_scatter(tv, [col1 + rr], x1)

        fire_idx(0, 0)
        fire_idx(1, 1)
        wait_idx(0, 0)
        fire_gathers(0)

        def step(g, _):
            for p in range(2):
                i = 2 * g + p
                q = 1 - p

                with jax.named_scope("fg"):
                    @pl.when(i + 1 < n)
                    def _():
                        wait_idx(i + 1, q)
                        fire_gathers(q)

                with jax.named_scope("gw"):
                    wait_gathers(p)

                    @pl.when(i + 2 < n)
                    def _():
                        fire_idx(i + 2, p)

                    @pl.when(i >= 2)
                    def _():
                        drain_out(p)

                with jax.named_scope("tr"):
                    transpose(p)
                with jax.named_scope("fo"):
                    fire_out(i, p)
            return _

        lax.fori_loop(0, n // 2, step, None)
        drain_out(0)
        drain_out(1)

    return gather_k


def kernel(inputs, pretrain_table, id_table, W_proj):
    b, l = inputs.shape
    n_tokens = b * l
    table = _combine(pretrain_table, id_table, W_proj)
    v = inputs.T.astype(jnp.int32)
    blk = v // _SUB
    k = ((blk // _PACK) * _SUB + v % _SUB) * _PACK + blk % _PACK
    idx2d = k.reshape(n_tokens // _IDXW, _IDXW)
    out_t = _make_gather(b, l)(table, idx2d)
    return out_t.transpose(2, 0, 1)

# --- scband reference (transcript-rebuilt; emitter-appended) ---
"""Pipeline reference for scband-pretrained-embedding-17738214933193 (READ-ONLY COPY).

The authoritative reference and input builder live on the scoring server;
editing this copy changes nothing except your own understanding.
"""

import jax, jax.numpy as jnp
import numpy as np

VOCAB = 1000000
PRETRAIN_DIM = 64
EMBED_DIM = 32
OOV_IDX = 999997
B = 16384
L = 50


def setup_inputs(seed: int = 0) -> dict:
    key = jax.random.key(seed)
    k1, k2, k3, k4 = jax.random.split(key, 4)
    inputs = jax.random.randint(k1, (B, L), 0, VOCAB)
    # pretrained embedding table (loaded from file in original; random stand-in with same init scale)
    pretrain_table = jax.random.normal(k2, (VOCAB, PRETRAIN_DIM), dtype=jnp.float32) * 0.0001
    # id embedding table (pretrain_usage='sum' branch)
    id_table = jax.random.normal(k3, (VOCAB, EMBED_DIM), dtype=jnp.float32) * 0.01
    # proj: nn.Linear(pretrain_dim, embedding_dim, bias=False); torch weight shape [out, in]
    W_proj = jax.random.normal(k4, (EMBED_DIM, PRETRAIN_DIM), dtype=jnp.float32) * (1.0 / np.sqrt(PRETRAIN_DIM))
    return {"inputs": inputs, "pretrain_table": pretrain_table, "id_table": id_table, "W_proj": W_proj}


def reference(inputs, pretrain_table, id_table, W_proj):
    # mask = (inputs <= oov_idx).float()
    mask = (inputs <= OOV_IDX).astype(jnp.float32)
    # pretrain_emb = self.pretrain_embedding(inputs); freeze_emb=False so mask applied
    pretrain_emb = jnp.take(pretrain_table, inputs, axis=0)
    pretrain_emb = pretrain_emb * mask[..., None]
    # pretrain_usage == 'sum' branch
    id_emb = jnp.take(id_table, inputs, axis=0)
    id_emb = id_emb * mask[..., None]
    # proj is not None since embedding_dim(32) != pretrain_dim(64)
    feature_emb = jnp.einsum('bld,ed->ble', pretrain_emb, W_proj) + id_emb
    return feature_emb

if __name__ == "__main__":
    import jax
    _d = setup_inputs()
    print(jax.jit(kernel)(*tuple(_d.values())))

</pallas_src>

<mosaic_0001>
#map = affine_map<(d0, d1) -> (0, 0)>
#map1 = affine_map<(d0, d1) -> (0, 0, 0)>
module attributes {stable_mosaic.version = 14 : i64} {
  func.func @gather_k(%arg0: i32, %arg1: i32, %arg2: memref<1015808x32xf32, #tpu.memory_space<hbm>>, %arg3: memref<6400x128xi32, #tpu.memory_space<hbm>>, %arg4: memref<50x32x16384xf32, #tpu.memory_space<hbm>>, %arg5: memref<4x128xi32, #tpu.memory_space<vmem>>, %arg6: memref<4x128xi32, #tpu.memory_space<vmem>>, %arg7: memref<512x32xf32, #tpu.memory_space<vmem>>, %arg8: memref<512x32xf32, #tpu.memory_space<vmem>>, %arg9: memref<16640xf32, #tpu.memory_space<vmem>>, %arg10: memref<16640xf32, #tpu.memory_space<vmem>>, %arg11: memref<!tpu.dma_semaphore, #tpu.memory_space<semaphore_mem>>, %arg12: memref<!tpu.dma_semaphore, #tpu.memory_space<semaphore_mem>>, %arg13: memref<!tpu.dma_semaphore, #tpu.memory_space<semaphore_mem>>, %arg14: memref<!tpu.dma_semaphore, #tpu.memory_space<semaphore_mem>>, %arg15: memref<!tpu.dma_semaphore, #tpu.memory_space<semaphore_mem>>, %arg16: memref<!tpu.dma_semaphore, #tpu.memory_space<semaphore_mem>>) attributes {dimension_semantics = [#tpu.dimension_semantics<core_parallel>, #tpu.dimension_semantics<subcore_parallel>], iteration_bounds = array<i64: 2, 16>, scalar_prefetch = 0 : i64, scratch_operands = 12 : i64, tpu.core_type = #tpu.core_type<sc_vector_subcore>, window_params = [{transform_indices = #map}, {transform_indices = #map}, {transform_indices = #map1}]} {
    %mul3A = arith.constant 2 : i32
    %mul3A_0 = arith.muli %arg1, %mul3A : i32
    %add3A = arith.addi %mul3A_0, %arg0 : i32
    %mul3A_1 = arith.constant 200 : i32
    %mul3A_2 = arith.muli %add3A, %mul3A_1 : i32
    %iota3A = tpu.iota {dimensions = array<i32: 0>} : vector<16xi32>
    %mul3A_3 = arith.constant 520 : i32
    %mul3A_4 = vector.broadcast %mul3A_3 : i32 to vector<16xi32>
    %mul3A_5 = arith.muli %iota3A, %mul3A_4 : vector<16xi32>
    %add3A_6 = arith.constant 8320 : i32
    %add3A_7 = vector.broadcast %add3A_6 : i32 to vector<16xi32>
    %add3A_8 = arith.addi %mul3A_5, %add3A_7 : vector<16xi32>
    %add3A_9 = arith.constant 0 : i32
    %add3A_10 = arith.addi %mul3A_2, %add3A_9 : i32
    %multiple_of3A = tpu.assume_multiple %add3A_10, 4 : i32
    %dma_start3A = arith.constant 0 : i32
    %dma_start3A_11 = tpu.memref_slice %arg3[%multiple_of3A, %dma_start3A] : memref<6400x128xi32, #tpu.memory_space<hbm>> -> memref<4x128xi32, #tpu.memory_space<hbm>>
    %dma_start3A_12 = arith.constant 0 : i32
    %dma_start3A_13 = tpu.memref_slice %arg3[%multiple_of3A, %dma_start3A_12] : memref<6400x128xi32, #tpu.memory_space<hbm>> -> memref<4x128xi32, #tpu.memory_space<hbm>>
    tpu.enqueue_dma source(%dma_start3A_13 : memref<4x128xi32, #tpu.memory_space<hbm>>) target(%arg5 : memref<4x128xi32, #tpu.memory_space<vmem>>) target_semaphore(%arg11 : memref<!tpu.dma_semaphore, #tpu.memory_space<semaphore_mem>>)
    %add3A_14 = arith.constant 4 : i32
    %add3A_15 = arith.addi %mul3A_2, %add3A_14 : i32
    %multiple_of3A_16 = tpu.assume_multiple %add3A_15, 4 : i32
    %dma_start3A_17 = arith.constant 0 : i32
    %dma_start3A_18 = tpu.memref_slice %arg3[%multiple_of3A_16, %dma_start3A_17] : memref<6400x128xi32, #tpu.memory_space<hbm>> -> memref<4x128xi32, #tpu.memory_space<hbm>>
    %dma_start3A_19 = arith.constant 0 : i32
    %dma_start3A_20 = tpu.memref_slice %arg3[%multiple_of3A_16, %dma_start3A_19] : memref<6400x128xi32, #tpu.memory_space<hbm>> -> memref<4x128xi32, #tpu.memory_space<hbm>>
    tpu.enqueue_dma source(%dma_start3A_20 : memref<4x128xi32, #tpu.memory_space<hbm>>) target(%arg6 : memref<4x128xi32, #tpu.memory_space<vmem>>) target_semaphore(%arg12 : memref<!tpu.dma_semaphore, #tpu.memory_space<semaphore_mem>>)
    %add3A_21 = arith.constant 0 : i32
    %add3A_22 = arith.addi %mul3A_2, %add3A_21 : i32
    %multiple_of3A_23 = tpu.assume_multiple %add3A_22, 4 : i32
    %dma_wait3A = arith.constant 0 : i32
    %dma_wait3A_24 = tpu.memref_slice %arg3[%multiple_of3A_23, %dma_wait3A] : memref<6400x128xi32, #tpu.memory_space<hbm>> -> memref<4x128xi32, #tpu.memory_space<hbm>>
    %dma_wait3A_25 = arith.constant 0 : i32
    %dma_wait3A_26 = tpu.memref_slice %arg3[%multiple_of3A_23, %dma_wait3A_25] : memref<6400x128xi32, #tpu.memory_space<hbm>> -> memref<4x128xi32, #tpu.memory_space<hbm>>
    tpu.wait_dma2 semaphore(%arg11 : memref<!tpu.dma_semaphore, #tpu.memory_space<semaphore_mem>>) src(%dma_wait3A_26 : memref<4x128xi32, #tpu.memory_space<hbm>>) dst(%arg5 : memref<4x128xi32, #tpu.memory_space<vmem>>)
    %dma_start3A_27 = arith.constant 0 : i32
    %dma_start3A_28 = arith.constant 0 : i32
    %dma_start3A_29 = arith.constant 0 : i32
    %dma_start3A_30 = tpu.memref_slice %arg7[%dma_start3A_28, %dma_start3A_29] : memref<512x32xf32, #tpu.memory_space<vmem>> -> memref<128x32xf32, #tpu.memory_space<vmem>>
    %dma_start3A_31 = arith.constant 0 : i32
    %dma_start3A_32 = tpu.memref_slice %arg5[%dma_start3A_27, %dma_start3A_31] : memref<4x128xi32, #tpu.memory_space<vmem>> -> memref<1x128xi32, #tpu.memory_space<vmem>>
    %dma_start3A_33 = tpu.memref_squeeze %dma_start3A_32 : memref<1x128xi32, #tpu.memory_space<vmem>> -> memref<128xi32, #tpu.memory_space<vmem>>
    %dma_start3A_34 = arith.constant 0 : i32
    %dma_start3A_35 = arith.constant 0 : i32
    %dma_start3A_36 = tpu.memref_slice %arg2[%dma_start3A_34, %dma_start3A_35] : memref<1015808x32xf32, #tpu.memory_space<hbm>> -> memref<1015808x32xf32, #tpu.memory_space<hbm>>
    tpu.enqueue_indirect_dma source(%dma_start3A_36 : memref<1015808x32xf32, #tpu.memory_space<hbm>>) target(%dma_start3A_30 : memref<128x32xf32, #tpu.memory_space<vmem>>) offsets(%dma_start3A_33 : memref<128xi32, #tpu.memory_space<vmem>>) semaphore(%arg13 : memref<!tpu.dma_semaphore, #tpu.memory_space<semaphore_mem>>)
    %dma_start3A_37 = arith.constant 1 : i32
    %dma_start3A_38 = arith.constant 128 : i32
    %dma_start3A_39 = arith.constant 0 : i32
    %dma_start3A_40 = tpu.memref_slice %arg7[%dma_start3A_38, %dma_start3A_39] : memref<512x32xf32, #tpu.memory_space<vmem>> -> memref<128x32xf32, #tpu.memory_space<vmem>>
    %dma_start3A_41 = arith.constant 0 : i32
    %dma_start3A_42 = tpu.memref_slice %arg5[%dma_start3A_37, %dma_start3A_41] : memref<4x128xi32, #tpu.memory_space<vmem>> -> memref<1x128xi32, #tpu.memory_space<vmem>>
    %dma_start3A_43 = tpu.memref_squeeze %dma_start3A_42 : memref<1x128xi32, #tpu.memory_space<vmem>> -> memref<128xi32, #tpu.memory_space<vmem>>
    %dma_start3A_44 = arith.constant 0 : i32
    %dma_start3A_45 = arith.constant 0 : i32
    %dma_start3A_46 = tpu.memref_slice %arg2[%dma_start3A_44, %dma_start3A_45] : memref<1015808x32xf32, #tpu.memory_space<hbm>> -> memref<1015808x32xf32, #tpu.memory_space<hbm>>
    tpu.enqueue_indirect_dma source(%dma_start3A_46 : memref<1015808x32xf32, #tpu.memory_space<hbm>>) target(%dma_start3A_40 : memref<128x32xf32, #tpu.memory_space<vmem>>) offsets(%dma_start3A_43 : memref<128xi32, #tpu.memory_space<vmem>>) semaphore(%arg13 : memref<!tpu.dma_semaphore, #tpu.memory_space<semaphore_mem>>)
    %dma_start3A_47 = arith.constant 2 : i32
    %dma_start3A_48 = arith.constant 256 : i32
    %dma_start3A_49 = arith.constant 0 : i32
    %dma_start3A_50 = tpu.memref_slice %arg7[%dma_start3A_48, %dma_start3A_49] : memref<512x32xf32, #tpu.memory_space<vmem>> -> memref<128x32xf32, #tpu.memory_space<vmem>>
    %dma_start3A_51 = arith.constant 0 : i32
    %dma_start3A_52 = tpu.memref_slice %arg5[%dma_start3A_47, %dma_start3A_51] : memref<4x128xi32, #tpu.memory_space<vmem>> -> memref<1x128xi32, #tpu.memory_space<vmem>>
    %dma_start3A_53 = tpu.memref_squeeze %dma_start3A_52 : memref<1x128xi32, #tpu.memory_space<vmem>> -> memref<128xi32, #tpu.memory_space<vmem>>
    %dma_start3A_54 = arith.constant 0 : i32
    %dma_start3A_55 = arith.constant 0 : i32
    %dma_start3A_56 = tpu.memref_slice %arg2[%dma_start3A_54, %dma_start3A_55] : memref<1015808x32xf32, #tpu.memory_space<hbm>> -> memref<1015808x32xf32, #tpu.memory_space<hbm>>
    tpu.enqueue_indirect_dma source(%dma_start3A_56 : memref<1015808x32xf32, #tpu.memory_space<hbm>>) target(%dma_start3A_50 : memref<128x32xf32, #tpu.memory_space<vmem>>) offsets(%dma_start3A_53 : memref<128xi32, #tpu.memory_space<vmem>>) semaphore(%arg13 : memref<!tpu.dma_semaphore, #tpu.memory_space<semaphore_mem>>)
    %dma_start3A_57 = arith.constant 3 : i32
    %dma_start3A_58 = arith.constant 384 : i32
    %dma_start3A_59 = arith.constant 0 : i32
    %dma_start3A_60 = tpu.memref_slice %arg7[%dma_start3A_58, %dma_start3A_59] : memref<512x32xf32, #tpu.memory_space<vmem>> -> memref<128x32xf32, #tpu.memory_space<vmem>>
    %dma_start3A_61 = arith.constant 0 : i32
    %dma_start3A_62 = tpu.memref_slice %arg5[%dma_start3A_57, %dma_start3A_61] : memref<4x128xi32, #tpu.memory_space<vmem>> -> memref<1x128xi32, #tpu.memory_space<vmem>>
    %dma_start3A_63 = tpu.memref_squeeze %dma_start3A_62 : memref<1x128xi32, #tpu.memory_space<vmem>> -> memref<128xi32, #tpu.memory_space<vmem>>
    %dma_start3A_64 = arith.constant 0 : i32
    %dma_start3A_65 = arith.constant 0 : i32
    %dma_start3A_66 = tpu.memref_slice %arg2[%dma_start3A_64, %dma_start3A_65] : memref<1015808x32xf32, #tpu.memory_space<hbm>> -> memref<1015808x32xf32, #tpu.memory_space<hbm>>
    tpu.enqueue_indirect_dma source(%dma_start3A_66 : memref<1015808x32xf32, #tpu.memory_space<hbm>>) target(%dma_start3A_60 : memref<128x32xf32, #tpu.memory_space<vmem>>) offsets(%dma_start3A_63 : memref<128xi32, #tpu.memory_space<vmem>>) semaphore(%arg13 : memref<!tpu.dma_semaphore, #tpu.memory_space<semaphore_mem>>)
    %scan3A = arith.constant 0 : i32
    %scan3A_67 = arith.constant 25 : i32
    %scan3A_68 = arith.addi %scan3A, %scan3A_67 : i32
    %scan3A_69 = arith.constant 1 : i32
    scf.for %scan3A_95 = %scan3A to %scan3A_68 step %scan3A_69  : i32 {
      %mul3A_96 = arith.constant 2 : i32
      %mul3A_97 = arith.muli %mul3A_96, %scan3A_95 : i32
      %add3A_98 = arith.constant 0 : i32
      %add3A_99 = arith.addi %mul3A_97, %add3A_98 : i32
      "tpu.trace_start"() <{level = 10 : i32, message = "fg"}> : () -> ()
      %add3A_100 = arith.constant 1 : i32
      %add3A_101 = arith.addi %add3A_99, %add3A_100 : i32
      %lt3A = arith.constant 50 : i32
      %lt3A_102 = arith.cmpi slt, %add3A_101, %lt3A : i32
      %convert_element_type3A = arith.extui %lt3A_102 : i1 to i32
      %cond3A = arith.constant 0 : i32
      %cond3A_103 = arith.cmpi ne, %convert_element_type3A, %cond3A : i32
      scf.if %cond3A_103 {
        %add3A_814 = arith.constant 1 : i32
        %add3A_815 = arith.addi %add3A_99, %add3A_814 : i32
        %mul3A_816 = arith.constant 4 : i32
        %mul3A_817 = arith.muli %add3A_815, %mul3A_816 : i32
        %add3A_818 = arith.addi %mul3A_2, %mul3A_817 : i32
        %multiple_of3A_819 = tpu.assume_multiple %add3A_818, 4 : i32
        %dma_wait3A_820 = arith.constant 0 : i32
        %dma_wait3A_821 = tpu.memref_slice %arg3[%multiple_of3A_819, %dma_wait3A_820] : memref<6400x128xi32, #tpu.memory_space<hbm>> -> memref<4x128xi32, #tpu.memory_space<hbm>>
        %dma_wait3A_822 = arith.constant 0 : i32
        %dma_wait3A_823 = tpu.memref_slice %arg3[%multiple_of3A_819, %dma_wait3A_822] : memref<6400x128xi32, #tpu.memory_space<hbm>> -> memref<4x128xi32, #tpu.memory_space<hbm>>
        tpu.wait_dma2 semaphore(%arg12 : memref<!tpu.dma_semaphore, #tpu.memory_space<semaphore_mem>>) src(%dma_wait3A_823 : memref<4x128xi32, #tpu.memory_space<hbm>>) dst(%arg6 : memref<4x128xi32, #tpu.memory_space<vmem>>)
        %dma_start3A_824 = arith.constant 0 : i32
        %dma_start3A_825 = arith.constant 0 : i32
        %dma_start3A_826 = arith.constant 0 : i32
        %dma_start3A_827 = tpu.memref_slice %arg8[%dma_start3A_825, %dma_start3A_826] : memref<512x32xf32, #tpu.memory_space<vmem>> -> memref<128x32xf32, #tpu.memory_space<vmem>>
        %dma_start3A_828 = arith.constant 0 : i32
        %dma_start3A_829 = tpu.memref_slice %arg6[%dma_start3A_824, %dma_start3A_828] : memref<4x128xi32, #tpu.memory_space<vmem>> -> memref<1x128xi32, #tpu.memory_space<vmem>>
        %dma_start3A_830 = tpu.memref_squeeze %dma_start3A_829 : memref<1x128xi32, #tpu.memory_space<vmem>> -> memref<128xi32, #tpu.memory_space<vmem>>
        %dma_start3A_831 = arith.constant 0 : i32
        %dma_start3A_832 = arith.constant 0 : i32
        %dma_start3A_833 = tpu.memref_slice %arg2[%dma_start3A_831, %dma_start3A_832] : memref<1015808x32xf32, #tpu.memory_space<hbm>> -> memref<1015808x32xf32, #tpu.memory_space<hbm>>
        tpu.enqueue_indirect_dma source(%dma_start3A_833 : memref<1015808x32xf32, #tpu.memory_space<hbm>>) target(%dma_start3A_827 : memref<128x32xf32, #tpu.memory_space<vmem>>) offsets(%dma_start3A_830 : memref<128xi32, #tpu.memory_space<vmem>>) semaphore(%arg14 : memref<!tpu.dma_semaphore, #tpu.memory_space<semaphore_mem>>)
        %dma_start3A_834 = arith.constant 1 : i32
        %dma_start3A_835 = arith.constant 128 : i32
        %dma_start3A_836 = arith.constant 0 : i32
        %dma_start3A_837 = tpu.memref_slice %arg8[%dma_start3A_835, %dma_start3A_836] : memref<512x32xf32, #tpu.memory_space<vmem>> -> memref<128x32xf32, #tpu.memory_space<vmem>>
        %dma_start3A_838 = arith.constant 0 : i32
        %dma_start3A_839 = tpu.memref_slice %arg6[%dma_start3A_834, %dma_start3A_838] : memref<4x128xi32, #tpu.memory_space<vmem>> -> memref<1x128xi32, #tpu.memory_space<vmem>>
        %dma_start3A_840 = tpu.memref_squeeze %dma_start3A_839 : memref<1x128xi32, #tpu.memory_space<vmem>> -> memref<128xi32, #tpu.memory_space<vmem>>
        %dma_start3A_841 = arith.constant 0 : i32
        %dma_start3A_842 = arith.constant 0 : i32
        %dma_start3A_843 = tpu.memref_slice %arg2[%dma_start3A_841, %dma_start3A_842] : memref<1015808x32xf32, #tpu.memory_space<hbm>> -> memref<1015808x32xf32, #tpu.memory_space<hbm>>
        tpu.enqueue_indirect_dma source(%dma_start3A_843 : memref<1015808x32xf32, #tpu.memory_space<hbm>>) target(%dma_start3A_837 : memref<128x32xf32, #tpu.memory_space<vmem>>) offsets(%dma_start3A_840 : memref<128xi32, #tpu.memory_space<vmem>>) semaphore(%arg14 : memref<!tpu.dma_semaphore, #tpu.memory_space<semaphore_mem>>)
        %dma_start3A_844 = arith.constant 2 : i32
        %dma_start3A_845 = arith.constant 256 : i32
        %dma_start3A_846 = arith.constant 0 : i32
        %dma_start3A_847 = tpu.memref_slice %arg8[%dma_start3A_845, %dma_start3A_846] : memref<512x32xf32, #tpu.memory_space<vmem>> -> memref<128x32xf32, #tpu.memory_space<vmem>>
        %dma_start3A_848 = arith.constant 0 : i32
        %dma_start3A_849 = tpu.memref_slice %arg6[%dma_start3A_844, %dma_start3A_848] : memref<4x128xi32, #tpu.memory_space<vmem>> -> memref<1x128xi32, #tpu.memory_space<vmem>>
        %dma_start3A_850 = tpu.memref_squeeze %dma_start3A_849 : memref<1x128xi32, #tpu.memory_space<vmem>> -> memref<128xi32, #tpu.memory_space<vmem>>
        %dma_start3A_851 = arith.constant 0 : i32
        %dma_start3A_852 = arith.constant 0 : i32
        %dma_start3A_853 = tpu.memref_slice %arg2[%dma_start3A_851, %dma_start3A_852] : memref<1015808x32xf32, #tpu.memory_space<hbm>> -> memref<1015808x32xf32, #tpu.memory_space<hbm>>
        tpu.enqueue_indirect_dma source(%dma_start3A_853 : memref<1015808x32xf32, #tpu.memory_space<hbm>>) target(%dma_start3A_847 : memref<128x32xf32, #tpu.memory_space<vmem>>) offsets(%dma_start3A_850 : memref<128xi32, #tpu.memory_space<vmem>>) semaphore(%arg14 : memref<!tpu.dma_semaphore, #tpu.memory_space<semaphore_mem>>)
        %dma_start3A_854 = arith.constant 3 : i32
        %dma_start3A_855 = arith.constant 384 : i32
        %dma_start3A_856 = arith.constant 0 : i32
        %dma_start3A_857 = tpu.memref_slice %arg8[%dma_start3A_855, %dma_start3A_856] : memref<512x32xf32, #tpu.memory_space<vmem>> -> memref<128x32xf32, #tpu.memory_space<vmem>>
        %dma_start3A_858 = arith.constant 0 : i32
        %dma_start3A_859 = tpu.memref_slice %arg6[%dma_start3A_854, %dma_start3A_858] : memref<4x128xi32, #tpu.memory_space<vmem>> -> memref<1x128xi32, #tpu.memory_space<vmem>>
        %dma_start3A_860 = tpu.memref_squeeze %dma_start3A_859 : memref<1x128xi32, #tpu.memory_space<vmem>> -> memref<128xi32, #tpu.memory_space<vmem>>
        %dma_start3A_861 = arith.constant 0 : i32
        %dma_start3A_862 = arith.constant 0 : i32
        %dma_start3A_863 = tpu.memref_slice %arg2[%dma_start3A_861, %dma_start3A_862] : memref<1015808x32xf32, #tpu.memory_space<hbm>> -> memref<1015808x32xf32, #tpu.memory_space<hbm>>
        tpu.enqueue_indirect_dma source(%dma_start3A_863 : memref<1015808x32xf32, #tpu.memory_space<hbm>>) target(%dma_start3A_857 : memref<128x32xf32, #tpu.memory_space<vmem>>) offsets(%dma_start3A_860 : memref<128xi32, #tpu.memory_space<vmem>>) semaphore(%arg14 : memref<!tpu.dma_semaphore, #tpu.memory_space<semaphore_mem>>)
      } else {
      }
      "tpu.trace_stop"() : () -> ()
      "tpu.trace_start"() <{level = 10 : i32, message = "gw"}> : () -> ()
      %dma_wait3A_104 = arith.constant 0 : i32
      %dma_wait3A_105 = arith.constant 0 : i32
      %dma_wait3A_106 = tpu.memref_slice %arg2[%dma_wait3A_104, %dma_wait3A_105] : memref<1015808x32xf32, #tpu.memory_space<hbm>> -> memref<512x32xf32, #tpu.memory_space<hbm>>
      %dma_wait3A_107 = arith.constant 0 : i32
      %dma_wait3A_108 = arith.constant 0 : i32
      %dma_wait3A_109 = tpu.memref_slice %arg2[%dma_wait3A_107, %dma_wait3A_108] : memref<1015808x32xf32, #tpu.memory_space<hbm>> -> memref<512x32xf32, #tpu.memory_space<hbm>>
      tpu.wait_dma2 semaphore(%arg13 : memref<!tpu.dma_semaphore, #tpu.memory_space<semaphore_mem>>) src(%dma_wait3A_109 : memref<512x32xf32, #tpu.memory_space<hbm>>) dst(%arg7 : memref<512x32xf32, #tpu.memory_space<vmem>>)
      %add3A_110 = arith.constant 2 : i32
      %add3A_111 = arith.addi %add3A_99, %add3A_110 : i32
      %lt3A_112 = arith.constant 50 : i32
      %lt3A_113 = arith.cmpi slt, %add3A_111, %lt3A_112 : i32
      %convert_element_type3A_114 = arith.extui %lt3A_113 : i1 to i32
      %cond3A_115 = arith.constant 0 : i32
      %cond3A_116 = arith.cmpi ne, %convert_element_type3A_114, %cond3A_115 : i32
      scf.if %cond3A_116 {
        %add3A_814 = arith.constant 2 : i32
        %add3A_815 = arith.addi %add3A_99, %add3A_814 : i32
        %mul3A_816 = arith.constant 4 : i32
        %mul3A_817 = arith.muli %add3A_815, %mul3A_816 : i32
        %add3A_818 = arith.addi %mul3A_2, %mul3A_817 : i32
        %multiple_of3A_819 = tpu.assume_multiple %add3A_818, 4 : i32
        %dma_start3A_820 = arith.constant 0 : i32
        %dma_start3A_821 = tpu.memref_slice %arg3[%multiple_of3A_819, %dma_start3A_820] : memref<6400x128xi32, #tpu.memory_space<hbm>> -> memref<4x128xi32, #tpu.memory_space<hbm>>
        %dma_start3A_822 = arith.constant 0 : i32
        %dma_start3A_823 = tpu.memref_slice %arg3[%multiple_of3A_819, %dma_start3A_822] : memref<6400x128xi32, #tpu.memory_space<hbm>> -> memref<4x128xi32, #tpu.memory_space<hbm>>
        tpu.enqueue_dma source(%dma_start3A_823 : memref<4x128xi32, #tpu.memory_space<hbm>>) target(%arg5 : memref<4x128xi32, #tpu.memory_space<vmem>>) target_semaphore(%arg11 : memref<!tpu.dma_semaphore, #tpu.memory_space<semaphore_mem>>)
      } else {
      }
      %ge3A = arith.constant 2 : i32
      %ge3A_117 = arith.cmpi sge, %add3A_99, %ge3A : i32
      %convert_element_type3A_118 = arith.extui %ge3A_117 : i1 to i32
      %cond3A_119 = arith.constant 0 : i32
      %cond3A_120 = arith.cmpi ne, %convert_element_type3A_118, %cond3A_119 : i32
      scf.if %cond3A_120 {
        %dma_wait3A_814 = arith.constant 0 : i32
        %dma_wait3A_815 = arith.constant 0 : i32
        %dma_wait3A_816 = arith.constant 0 : i32
        %dma_wait3A_817 = tpu.memref_slice %arg9[%dma_wait3A_816] : memref<16640xf32, #tpu.memory_space<vmem>> -> memref<16384xf32, #tpu.memory_space<vmem>>
        %dma_wait3A_818 = arith.constant 0 : i32
        %dma_wait3A_819 = tpu.memref_slice %arg4[%dma_wait3A_814, %dma_wait3A_815, %dma_wait3A_818] : memref<50x32x16384xf32, #tpu.memory_space<hbm>> -> memref<1x1x16384xf32, #tpu.memory_space<hbm>>
        %dma_wait3A_820 = tpu.memref_squeeze %dma_wait3A_819 : memref<1x1x16384xf32, #tpu.memory_space<hbm>> -> memref<16384xf32, #tpu.memory_space<hbm>>
        %dma_wait3A_821 = arith.constant 0 : i32
        %dma_wait3A_822 = tpu.memref_slice %arg9[%dma_wait3A_821] : memref<16640xf32, #tpu.memory_space<vmem>> -> memref<16384xf32, #tpu.memory_space<vmem>>
        %dma_wait3A_823 = arith.constant 0 : i32
        %dma_wait3A_824 = tpu.memref_slice %arg4[%dma_wait3A_814, %dma_wait3A_815, %dma_wait3A_823] : memref<50x32x16384xf32, #tpu.memory_space<hbm>> -> memref<1x1x16384xf32, #tpu.memory_space<hbm>>
        %dma_wait3A_825 = tpu.memref_squeeze %dma_wait3A_824 : memref<1x1x16384xf32, #tpu.memory_space<hbm>> -> memref<16384xf32, #tpu.memory_space<hbm>>
        tpu.wait_dma2 semaphore(%arg15 : memref<!tpu.dma_semaphore, #tpu.memory_space<semaphore_mem>>) src(%dma_wait3A_825 : memref<16384xf32, #tpu.memory_space<hbm>>) dst(%dma_wait3A_822 : memref<16384xf32, #tpu.memory_space<vmem>>)
      } else {
      }
      %parallel_loop3A = arith.constant 0 : i32
      %parallel_loop3A_121 = arith.constant 512 : i32
      %parallel_loop3A_122 = arith.constant 1 : i32
      "tpu.trace_stop"() : () -> ()
      "tpu.trace_start"() <{level = 10 : i32, message = "tr"}> : () -> ()
      scf.for %parallel_loop3A_814 = %parallel_loop3A to %parallel_loop3A_121 step %parallel_loop3A_122  : i32 {
        %parallel_loop3A_815 = arith.index_cast %parallel_loop3A_814 : i32 to index
        %parallel_loop3A_816 = arith.constant 0 : index
        %parallel_loop3A_817 = tpu.vector_load %arg7[%parallel_loop3A_815, %parallel_loop3A_816] {strides = array<i32>} : memref<512x32xf32, #tpu.memory_space<vmem>>, vector<16xf32>,
        %parallel_loop3A_818 = arith.index_cast %parallel_loop3A_814 : i32 to index
        %parallel_loop3A_819 = arith.constant 16 : index
        %parallel_loop3A_820 = tpu.vector_load %arg7[%parallel_loop3A_818, %parallel_loop3A_819] {strides = array<i32>} : memref<512x32xf32, #tpu.memory_space<vmem>>, vector<16xf32>,
        %parallel_loop3A_821 = vector.broadcast %parallel_loop3A_814 : i32 to vector<16xi32>
        %parallel_loop3A_822 = arith.addi %mul3A_5, %parallel_loop3A_821 : vector<16xi32>
        tpu.vector_store_idx %arg9[%parallel_loop3A_822], %parallel_loop3A_817 : memref<16640xf32, #tpu.memory_space<vmem>>[vector<16xi32>], vector<16xf32>,
        %parallel_loop3A_823 = vector.broadcast %parallel_loop3A_814 : i32 to vector<16xi32>
        %parallel_loop3A_824 = arith.addi %add3A_8, %parallel_loop3A_823 : vector<16xi32>
        tpu.vector_store_idx %arg9[%parallel_loop3A_824], %parallel_loop3A_820 : memref<16640xf32, #tpu.memory_space<vmem>>[vector<16xi32>], vector<16xf32>,
      } {sc.loop_unroll_factor = 16 : i64, sc.parallel_access}
      "tpu.trace_stop"() : () -> ()
      "tpu.trace_start"() <{level = 10 : i32, message = "fo"}> : () -> ()
      %mul3A_123 = arith.constant 50 : i32
      %mul3A_124 = arith.muli %add3A, %mul3A_123 : i32
      %add3A_125 = arith.addi %mul3A_124, %add3A_99 : i32
      %jit3A = arith.constant 32 : i32
      %div3A = arith.divsi %add3A_125, %jit3A : i32
      %sign3A = arith.constant 0 : i32
      %sign3A_126 = arith.cmpi sgt, %add3A_125, %sign3A : i32
      %sign3A_127 = arith.extui %sign3A_126 : i1 to i32
      %sign3A_128 = arith.constant 0 : i32
      %sign3A_129 = arith.cmpi slt, %add3A_125, %sign3A_128 : i32
      %sign3A_130 = arith.extui %sign3A_129 : i1 to i32
      %sign3A_131 = arith.subi %sign3A_127, %sign3A_130 : i32
      %sign3A_132 = arith.constant 0 : i32
      %sign3A_133 = arith.cmpi sgt, %jit3A, %sign3A_132 : i32
      %sign3A_134 = arith.extui %sign3A_133 : i1 to i32
      %sign3A_135 = arith.constant 0 : i32
      %sign3A_136 = arith.cmpi slt, %jit3A, %sign3A_135 : i32
      %sign3A_137 = arith.extui %sign3A_136 : i1 to i32
      %sign3A_138 = arith.subi %sign3A_134, %sign3A_137 : i32
      %ne3A = arith.cmpi ne, %sign3A_131, %sign3A_138 : i32
      %rem3A = arith.remsi %add3A_125, %jit3A : i32
      %ne3A_139 = arith.constant 0 : i32
      %ne3A_140 = arith.cmpi ne, %rem3A, %ne3A_139 : i32
      %and3A = arith.andi %ne3A, %ne3A_140 : i1
      %sub3A = arith.constant 1 : i32
      %sub3A_141 = arith.subi %div3A, %sub3A : i32
      %select_n3A = arith.select %and3A, %sub3A_141, %div3A : i32
      %jit3A_142 = arith.constant 32 : i32
      %eq3A = arith.constant 0 : i32
      %eq3A_143 = arith.cmpi eq, %jit3A_142, %eq3A : i32
      %jit3A_144 = arith.constant 1 : i32
      %select_n3A_145 = arith.select %eq3A_143, %jit3A_144, %jit3A_142 : i32
      %rem3A_146 = arith.remsi %add3A_125, %select_n3A_145 : i32
      %ne3A_147 = arith.constant 0 : i32
      %ne3A_148 = arith.cmpi ne, %rem3A_146, %ne3A_147 : i32
      %lt3A_149 = arith.constant 0 : i32
      %lt3A_150 = arith.cmpi slt, %rem3A_146, %lt3A_149 : i32
      %lt3A_151 = arith.constant 0 : i32
      %lt3A_152 = arith.cmpi slt, %select_n3A_145, %lt3A_151 : i32
      %ne3A_153 = arith.xori %lt3A_150, %lt3A_152 : i1
      %and3A_154 = arith.andi %ne3A_153, %ne3A_148 : i1
      %add3A_155 = arith.addi %rem3A_146, %select_n3A_145 : i32
      %select_n3A_156 = arith.select %and3A_154, %add3A_155, %rem3A_146 : i32
      %mul3A_157 = arith.constant 512 : i32
      %mul3A_158 = arith.muli %select_n3A_156, %mul3A_157 : i32
      %multiple_of3A_159 = tpu.assume_multiple %mul3A_158, 512 : i32
      %dma_start3A_160 = arith.constant 0 : i32
      %dma_start3A_161 = arith.constant 0 : i32
      %dma_start3A_162 = tpu.memref_slice %arg9[%dma_start3A_161] : memref<16640xf32, #tpu.memory_space<vmem>> -> memref<512xf32, #tpu.memory_space<vmem>>
      %dma_start3A_163 = tpu.memref_slice %arg4[%select_n3A, %dma_start3A_160, %multiple_of3A_159] : memref<50x32x16384xf32, #tpu.memory_space<hbm>> -> memref<1x1x512xf32, #tpu.memory_space<hbm>>
      %dma_start3A_164 = tpu.memref_squeeze %dma_start3A_163 : memref<1x1x512xf32, #tpu.memory_space<hbm>> -> memref<512xf32, #tpu.memory_space<hbm>>
      %dma_start3A_165 = tpu.memref_slice %arg4[%select_n3A, %dma_start3A_160, %multiple_of3A_159] : memref<50x32x16384xf32, #tpu.memory_space<hbm>> -> memref<1x1x512xf32, #tpu.memory_space<hbm>>
      %dma_start3A_166 = tpu.memref_squeeze %dma_start3A_165 : memref<1x1x512xf32, #tpu.memory_space<hbm>> -> memref<512xf32, #tpu.memory_space<hbm>>
      %dma_start3A_167 = arith.constant 0 : i32
      %dma_start3A_168 = tpu.memref_slice %arg9[%dma_start3A_167] : memref<16640xf32, #tpu.memory_space<vmem>> -> memref<512xf32, #tpu.memory_space<vmem>>
      tpu.enqueue_dma source(%dma_start3A_168 : memref<512xf32, #tpu.memory_space<vmem>>) target(%dma_start3A_166 : memref<512xf32, #tpu.memory_space<hbm>>) target_semaphore(%arg15 : memref<!tpu.dma_semaphore, #tpu.memory_space<semaphore_mem>>)
      %dma_start3A_169 = arith.constant 1 : i32
      %dma_start3A_170 = arith.constant 520 : i32
      %dma_start3A_171 = tpu.memref_slice %arg9[%dma_start3A_170] : memref<16640xf32, #tpu.memory_space<vmem>> -> memref<512xf32, #tpu.memory_space<vmem>>
      %dma_start3A_172 = tpu.memref_slice %arg4[%select_n3A, %dma_start3A_169, %multiple_of3A_159] : memref<50x32x16384xf32, #tpu.memory_space<hbm>> -> memref<1x1x512xf32, #tpu.memory_space<hbm>>
      %dma_start3A_173 = tpu.memref_squeeze %dma_start3A_172 : memref<1x1x512xf32, #tpu.memory_space<hbm>> -> memref<512xf32, #tpu.memory_space<hbm>>
      %dma_start3A_174 = tpu.memref_slice %arg4[%select_n3A, %dma_start3A_169, %multiple_of3A_159] : memref<50x32x16384xf32, #tpu.memory_space<hbm>> -> memref<1x1x512xf32, #tpu.memory_space<hbm>>
      %dma_start3A_175 = tpu.memref_squeeze %dma_start3A_174 : memref<1x1x512xf32, #tpu.memory_space<hbm>> -> memref<512xf32, #tpu.memory_space<hbm>>
      %dma_start3A_176 = arith.constant 520 : i32
      %dma_start3A_177 = tpu.memref_slice %arg9[%dma_start3A_176] : memref<16640xf32, #tpu.memory_space<vmem>> -> memref<512xf32, #tpu.memory_space<vmem>>
      tpu.enqueue_dma source(%dma_start3A_177 : memref<512xf32, #tpu.memory_space<vmem>>) target(%dma_start3A_175 : memref<512xf32, #tpu.memory_space<hbm>>) target_semaphore(%arg15 : memref<!tpu.dma_semaphore, #tpu.memory_space<semaphore_mem>>)
      %dma_start3A_178 = arith.constant 2 : i32
      %dma_start3A_179 = arith.constant 1040 : i32
      %dma_start3A_180 = tpu.memref_slice %arg9[%dma_start3A_179] : memref<16640xf32, #tpu.memory_space<vmem>> -> memref<512xf32, #tpu.memory_space<vmem>>
      %dma_start3A_181 = tpu.memref_slice %arg4[%select_n3A, %dma_start3A_178, %multiple_of3A_159] : memref<50x32x16384xf32, #tpu.memory_space<hbm>> -> memref<1x1x512xf32, #tpu.memory_space<hbm>>
      %dma_start3A_182 = tpu.memref_squeeze %dma_start3A_181 : memref<1x1x512xf32, #tpu.memory_space<hbm>> -> memref<512xf32, #tpu.memory_space<hbm>>
      %dma_start3A_183 = tpu.memref_slice %arg4[%select_n3A, %dma_start3A_178, %multiple_of3A_159] : memref<50x32x16384xf32, #tpu.memory_space<hbm>> -> memref<1x1x512xf32, #tpu.memory_space<hbm>>
      %dma_start3A_184 = tpu.memref_squeeze %dma_start3A_183 : memref<1x1x512xf32, #tpu.memory_space<hbm>> -> memref<512xf32, #tpu.memory_space<hbm>>
      %dma_start3A_185 = arith.constant 1040 : i32
      %dma_start3A_186 = tpu.memref_slice %arg9[%dma_start3A_185] : memref<16640xf32, #tpu.memory_space<vmem>> -> memref<512xf32, #tpu.memory_space<vmem>>
      tpu.enqueue_dma source(%dma_start3A_186 : memref<512xf32, #tpu.memory_space<vmem>>) target(%dma_start3A_184 : memref<512xf32, #tpu.memory_space<hbm>>) target_semaphore(%arg15 : memref<!tpu.dma_semaphore, #tpu.memory_space<semaphore_mem>>)
      %dma_start3A_187 = arith.constant 3 : i32
      %dma_start3A_188 = arith.constant 1560 : i32
      %dma_start3A_189 = tpu.memref_slice %arg9[%dma_start3A_188] : memref<16640xf32, #tpu.memory_space<vmem>> -> memref<512xf32, #tpu.memory_space<vmem>>
      %dma_start3A_190 = tpu.memref_slice %arg4[%select_n3A, %dma_start3A_187, %multiple_of3A_159] : memref<50x32x16384xf32, #tpu.memory_space<hbm>> -> memref<1x1x512xf32, #tpu.memory_space<hbm>>
      %dma_start3A_191 = tpu.memref_squeeze %dma_start3A_190 : memref<1x1x512xf32, #tpu.memory_space<hbm>> -> memref<512xf32, #tpu.memory_space<hbm>>
      %dma_start3A_192 = tpu.memref_slice %arg4[%select_n3A, %dma_start3A_187, %multiple_of3A_159] : memref<50x32x16384xf32, #tpu.memory_space<hbm>> -> memref<1x1x512xf32, #tpu.memory_space<hbm>>
      %dma_start3A_193 = tpu.memref_squeeze %dma_start3A_192 : memref<1x1x512xf32, #tpu.memory_space<hbm>> -> memref<512xf32, #tpu.memory_space<hbm>>
      %dma_start3A_194 = arith.constant 1560 : i32
      %dma_start3A_195 = tpu.memref_slice %arg9[%dma_start3A_194] : memref<16640xf32, #tpu.memory_space<vmem>> -> memref<512xf32, #tpu.memory_space<vmem>>
      tpu.enqueue_dma source(%dma_start3A_195 : memref<512xf32, #tpu.memory_space<vmem>>) target(%dma_start3A_193 : memref<512xf32, #tpu.memory_space<hbm>>) target_semaphore(%arg15 : memref<!tpu.dma_semaphore, #tpu.memory_space<semaphore_mem>>)
      %dma_start3A_196 = arith.constant 4 : i32
      %dma_start3A_197 = arith.constant 2080 : i32
      %dma_start3A_198 = tpu.memref_slice %arg9[%dma_start3A_197] : memref<16640xf32, #tpu.memory_space<vmem>> -> memref<512xf32, #tpu.memory_space<vmem>>
      %dma_start3A_199 = tpu.memref_slice %arg4[%select_n3A, %dma_start3A_196, %multiple_of3A_159] : memref<50x32x16384xf32, #tpu.memory_space<hbm>> -> memref<1x1x512xf32, #tpu.memory_space<hbm>>
      %dma_start3A_200 = tpu.memref_squeeze %dma_start3A_199 : memref<1x1x512xf32, #tpu.memory_space<hbm>> -> memref<512xf32, #tpu.memory_space<hbm>>
      %dma_start3A_201 = tpu.memref_slice %arg4[%select_n3A, %dma_start3A_196, %multiple_of3A_159] : memref<50x32x16384xf32, #tpu.memory_space<hbm>> -> memref<1x1x512xf32, #tpu.memory_space<hbm>>
      %dma_start3A_202 = tpu.memref_squeeze %dma_start3A_201 : memref<1x1x512xf32, #tpu.memory_space<hbm>> -> memref<512xf32, #tpu.memory_space<hbm>>
      %dma_start3A_203 = arith.constant 2080 : i32
      %dma_start3A_204 = tpu.memref_slice %arg9[%dma_start3A_203] : memref<16640xf32, #tpu.memory_space<vmem>> -> memref<512xf32, #tpu.memory_space<vmem>>
      tpu.enqueue_dma source(%dma_start3A_204 : memref<512xf32, #tpu.memory_space<vmem>>) target(%dma_start3A_202 : memref<512xf32, #tpu.memory_space<hbm>>) target_semaphore(%arg15 : memref<!tpu.dma_semaphore, #tpu.memory_space<semaphore_mem>>)
      %dma_start3A_205 = arith.constant 5 : i32
      %dma_start3A_206 = arith.constant 2600 : i32
      %dma_start3A_207 = tpu.memref_slice %arg9[%dma_start3A_206] : memref<16640xf32, #tpu.memory_space<vmem>> -> memref<512xf32, #tpu.memory_space<vmem>>
      %dma_start3A_208 = tpu.memref_slice %arg4[%select_n3A, %dma_start3A_205, %multiple_of3A_159] : memref<50x32x16384xf32, #tpu.memory_space<hbm>> -> memref<1x1x512xf32, #tpu.memory_space<hbm>>
      %dma_start3A_209 = tpu.memref_squeeze %dma_start3A_208 : memref<1x1x512xf32, #tpu.memory_space<hbm>> -> memref<512xf32, #tpu.memory_space<hbm>>
      %dma_start3A_210 = tpu.memref_slice %arg4[%select_n3A, %dma_start3A_205, %multiple_of3A_159] : memref<50x32x16384xf32, #tpu.memory_space<hbm>> -> memref<1x1x512xf32, #tpu.memory_space<hbm>>
      %dma_start3A_211 = tpu.memref_squeeze %dma_start3A_210 : memref<1x1x512xf32, #tpu.memory_space<hbm>> -> memref<512xf32, #tpu.memory_space<hbm>>
      %dma_start3A_212 = arith.constant 2600 : i32
      %dma_start3A_213 = tpu.memref_slice %arg9[%dma_start3A_212] : memref<16640xf32, #tpu.memory_space<vmem>> -> memref<512xf32, #tpu.memory_space<vmem>>
      tpu.enqueue_dma source(%dma_start3A_213 : memref<512xf32, #tpu.memory_space<vmem>>) target(%dma_start3A_211 : memref<512xf32, #tpu.memory_space<hbm>>) target_semaphore(%arg15 : memref<!tpu.dma_semaphore, #tpu.memory_space<semaphore_mem>>)
      %dma_start3A_214 = arith.constant 6 : i32
      %dma_start3A_215 = arith.constant 3120 : i32
      %dma_start3A_216 = tpu.memref_slice %arg9[%dma_start3A_215] : memref<16640xf32, #tpu.memory_space<vmem>> -> memref<512xf32, #tpu.memory_space<vmem>>
      %dma_start3A_217 = tpu.memref_slice %arg4[%select_n3A, %dma_start3A_214, %multiple_of3A_159] : memref<50x32x16384xf32, #tpu.memory_space<hbm>> -> memref<1x1x512xf32, #tpu.memory_space<hbm>>
      %dma_start3A_218 = tpu.memref_squeeze %dma_start3A_217 : memref<1x1x512xf32, #tpu.memory_space<hbm>> -> memref<512xf32, #tpu.memory_space<hbm>>
      %dma_start3A_219 = tpu.memref_slice %arg4[%select_n3A, %dma_start3A_214, %multiple_of3A_159] : memref<50x32x16384xf32, #tpu.memory_space<hbm>> -> memref<1x1x512xf32, #tpu.memory_space<hbm>>
      %dma_start3A_220 = tpu.memref_squeeze %dma_start3A_219 : memref<1x1x512xf32, #tpu.memory_space<hbm>> -> memref<512xf32, #tpu.memory_space<hbm>>
      %dma_start3A_221 = arith.constant 3120 : i32
      %dma_start3A_222 = tpu.memref_slice %arg9[%dma_start3A_221] : memref<16640xf32, #tpu.memory_space<vmem>> -> memref<512xf32, #tpu.memory_space<vmem>>
      tpu.enqueue_dma source(%dma_start3A_222 : memref<512xf32, #tpu.memory_space<vmem>>) target(%dma_start3A_220 : memref<512xf32, #tpu.memory_space<hbm>>) target_semaphore(%arg15 : memref<!tpu.dma_semaphore, #tpu.memory_space<semaphore_mem>>)
      %dma_start3A_223 = arith.constant 7 : i32
      %dma_start3A_224 = arith.constant 3640 : i32
      %dma_start3A_225 = tpu.memref_slice %arg9[%dma_start3A_224] : memref<16640xf32, #tpu.memory_space<vmem>> -> memref<512xf32, #tpu.memory_space<vmem>>
      %dma_start3A_226 = tpu.memref_slice %arg4[%select_n3A, %dma_start3A_223, %multiple_of3A_159] : memref<50x32x16384xf32, #tpu.memory_space<hbm>> -> memref<1x1x512xf32, #tpu.memory_space<hbm>>
      %dma_start3A_227 = tpu.memref_squeeze %dma_start3A_226 : memref<1x1x512xf32, #tpu.memory_space<hbm>> -> memref<512xf32, #tpu.memory_space<hbm>>
      %dma_start3A_228 = tpu.memref_slice %arg4[%select_n3A, %dma_start3A_223, %multiple_of3A_159] : memref<50x32x16384xf32, #tpu.memory_space<hbm>> -> memref<1x1x512xf32, #tpu.memory_space<hbm>>
      %dma_start3A_229 = tpu.memref_squeeze %dma_start3A_228 : memref<1x1x512xf32, #tpu.memory_space<hbm>> -> memref<512xf32, #tpu.memory_space<hbm>>
      %dma_start3A_230 = arith.constant 3640 : i32
      %dma_start3A_231 = tpu.memref_slice %arg9[%dma_start3A_230] : memref<16640xf32, #tpu.memory_space<vmem>> -> memref<512xf32, #tpu.memory_space<vmem>>
      tpu.enqueue_dma source(%dma_start3A_231 : memref<512xf32, #tpu.memory_space<vmem>>) target(%dma_start3A_229 : memref<512xf32, #tpu.memory_space<hbm>>) target_semaphore(%arg15 : memref<!tpu.dma_semaphore, #tpu.memory_space<semaphore_mem>>)
      %dma_start3A_232 = arith.constant 8 : i32
      %dma_start3A_233 = arith.constant 4160 : i32
      %dma_start3A_234 = tpu.memref_slice %arg9[%dma_start3A_233] : memref<16640xf32, #tpu.memory_space<vmem>> -> memref<512xf32, #tpu.memory_space<vmem>>
      %dma_start3A_235 = tpu.memref_slice %arg4[%select_n3A, %dma_start3A_232, %multiple_of3A_159] : memref<50x32x16384xf32, #tpu.memory_space<hbm>> -> memref<1x1x512xf32, #tpu.memory_space<hbm>>
      %dma_start3A_236 = tpu.memref_squeeze %dma_start3A_235 : memref<1x1x512xf32, #tpu.memory_space<hbm>> -> memref<512xf32, #tpu.memory_space<hbm>>
      %dma_start3A_237 = tpu.memref_slice %arg4[%select_n3A, %dma_start3A_232, %multiple_of3A_159] : memref<50x32x16384xf32, #tpu.memory_space<hbm>> -> memref<1x1x512xf32, #tpu.memory_space<hbm>>
      %dma_start3A_238 = tpu.memref_squeeze %dma_start3A_237 : memref<1x1x512xf32, #tpu.memory_space<hbm>> -> memref<512xf32, #tpu.memory_space<hbm>>
      %dma_start3A_239 = arith.constant 4160 : i32
      %dma_start3A_240 = tpu.memref_slice %arg9[%dma_start3A_239] : memref<16640xf32, #tpu.memory_space<vmem>> -> memref<512xf32, #tpu.memory_space<vmem>>
      tpu.enqueue_dma source(%dma_start3A_240 : memref<512xf32, #tpu.memory_space<vmem>>) target(%dma_start3A_238 : memref<512xf32, #tpu.memory_space<hbm>>) target_semaphore(%arg15 : memref<!tpu.dma_semaphore, #tpu.memory_space<semaphore_mem>>)
      %dma_start3A_241 = arith.constant 9 : i32
      %dma_start3A_242 = arith.constant 4680 : i32
      %dma_start3A_243 = tpu.memref_slice %arg9[%dma_start3A_242] : memref<16640xf32, #tpu.memory_space<vmem>> -> memref<512xf32, #tpu.memory_space<vmem>>
      %dma_start3A_244 = tpu.memref_slice %arg4[%select_n3A, %dma_start3A_241, %multiple_of3A_159] : memref<50x32x16384xf32, #tpu.memory_space<hbm>> -> memref<1x1x512xf32, #tpu.memory_space<hbm>>
      %dma_start3A_245 = tpu.memref_squeeze %dma_start3A_244 : memref<1x1x512xf32, #tpu.memory_space<hbm>> -> memref<512xf32, #tpu.memory_space<hbm>>
      %dma_start3A_246 = tpu.memref_slice %arg4[%select_n3A, %dma_start3A_241, %multiple_of3A_159] : memref<50x32x16384xf32, #tpu.memory_space<hbm>> -> memref<1x1x512xf32, #tpu.memory_space<hbm>>
      %dma_start3A_247 = tpu.memref_squeeze %dma_start3A_246 : memref<1x1x512xf32, #tpu.memory_space<hbm>> -> memref<512xf32, #tpu.memory_space<hbm>>
      %dma_start3A_248 = arith.constant 4680 : i32
      %dma_start3A_249 = tpu.memref_slice %arg9[%dma_start3A_248] : memref<16640xf32, #tpu.memory_space<vmem>> -> memref<512xf32, #tpu.memory_space<vmem>>
      tpu.enqueue_dma source(%dma_start3A_249 : memref<512xf32, #tpu.memory_space<vmem>>) target(%dma_start3A_247 : memref<512xf32, #tpu.memory_space<hbm>>) target_semaphore(%arg15 : memref<!tpu.dma_semaphore, #tpu.memory_space<semaphore_mem>>)
      %dma_start3A_250 = arith.constant 10 : i32
      %dma_start3A_251 = arith.constant 5200 : i32
      %dma_start3A_252 = tpu.memref_slice %arg9[%dma_start3A_251] : memref<16640xf32, #tpu.memory_space<vmem>> -> memref<512xf32, #tpu.memory_space<vmem>>
      %dma_start3A_253 = tpu.memref_slice %arg4[%select_n3A, %dma_start3A_250, %multiple_of3A_159] : memref<50x32x16384xf32, #tpu.memory_space<hbm>> -> memref<1x1x512xf32, #tpu.memory_space<hbm>>
      %dma_start3A_254 = tpu.memref_squeeze %dma_start3A_253 : memref<1x1x512xf32, #tpu.memory_space<hbm>> -> memref<512xf32, #tpu.memory_space<hbm>>
      %dma_start3A_255 = tpu.memref_slice %arg4[%select_n3A, %dma_start3A_250, %multiple_of3A_159] : memref<50x32x16384xf32, #tpu.memory_space<hbm>> -> memref<1x1x512xf32, #tpu.memory_space<hbm>>
      %dma_start3A_256 = tpu.memref_squeeze %dma_start3A_255 : memref<1x1x512xf32, #tpu.memory_space<hbm>> -> memref<512xf32, #tpu.memory_space<hbm>>
      %dma_start3A_257 = arith.constant 5200 : i32
      %dma_start3A_258 = tpu.memref_slice %arg9[%dma_start3A_257] : memref<16640xf32, #tpu.memory_space<vmem>> -> memref<512xf32, #tpu.memory_space<vmem>>
      tpu.enqueue_dma source(%dma_start3A_258 : memref<512xf32, #tpu.memory_space<vmem>>) target(%dma_start3A_256 : memref<512xf32, #tpu.memory_space<hbm>>) target_semaphore(%arg15 : memref<!tpu.dma_semaphore, #tpu.memory_space<semaphore_mem>>)
      %dma_start3A_259 = arith.constant 11 : i32
      %dma_start3A_260 = arith.constant 5720 : i32
      %dma_start3A_261 = tpu.memref_slice %arg9[%dma_start3A_260] : memref<16640xf32, #tpu.memory_space<vmem>> -> memref<512xf32, #tpu.memory_space<vmem>>
      %dma_start3A_262 = tpu.memref_slice %arg4[%select_n3A, %dma_start3A_259, %multiple_of3A_159] : memref<50x32x16384xf32, #tpu.memory_space<hbm>> -> memref<1x1x512xf32, #tpu.memory_space<hbm>>
      %dma_start3A_263 = tpu.memref_squeeze %dma_start3A_262 : memref<1x1x512xf32, #tpu.memory_space<hbm>> -> memref<512xf32, #tpu.memory_space<hbm>>
      %dma_start3A_264 = tpu.memref_slice %arg4[%select_n3A, %dma_start3A_259, %multiple_of3A_159] : memref<50x32x16384xf32, #tpu.memory_space<hbm>> -> memref<1x1x512xf32, #tpu.memory_space<hbm>>
      %dma_start3A_265 = tpu.memref_squeeze %dma_start3A_264 : memref<1x1x512xf32, #tpu.memory_space<hbm>> -> memref<512xf32, #tpu.memory_space<hbm>>
      %dma_start3A_266 = arith.constant 5720 : i32
      %dma_start3A_267 = tpu.memref_slice %arg9[%dma_start3A_266] : memref<16640xf32, #tpu.memory_space<vmem>> -> memref<512xf32, #tpu.memory_space<vmem>>
      tpu.enqueue_dma source(%dma_start3A_267 : memref<512xf32, #tpu.memory_space<vmem>>) target(%dma_start3A_265 : memref<512xf32, #tpu.memory_space<hbm>>) target_semaphore(%arg15 : memref<!tpu.dma_semaphore, #tpu.memory_space<semaphore_mem>>)
      %dma_start3A_268 = arith.constant 12 : i32
      %dma_start3A_269 = arith.constant 6240 : i32
      %dma_start3A_270 = tpu.memref_slice %arg9[%dma_start3A_269] : memref<16640xf32, #tpu.memory_space<vmem>> -> memref<512xf32, #tpu.memory_space<vmem>>
      %dma_start3A_271 = tpu.memref_slice %arg4[%select_n3A, %dma_start3A_268, %multiple_of3A_159] : memref<50x32x16384xf32, #tpu.memory_space<hbm>> -> memref<1x1x512xf32, #tpu.memory_space<hbm>>
      %dma_start3A_272 = tpu.memref_squeeze %dma_start3A_271 : memref<1x1x512xf32, #tpu.memory_space<hbm>> -> memref<512xf32, #tpu.memory_space<hbm>>
      %dma_start3A_273 = tpu.memref_slice %arg4[%select_n3A, %dma_start3A_268, %multiple_of3A_159] : memref<50x32x16384xf32, #tpu.memory_space<hbm>> -> memref<1x1x512xf32, #tpu.memory_space<hbm>>
      %dma_start3A_274 = tpu.memref_squeeze %dma_start3A_273 : memref<1x1x512xf32, #tpu.memory_space<hbm>> -> memref<512xf32, #tpu.memory_space<hbm>>
      %dma_start3A_275 = arith.constant 6240 : i32
      %dma_start3A_276 = tpu.memref_slice %arg9[%dma_start3A_275] : memref<16640xf32, #tpu.memory_space<vmem>> -> memref<512xf32, #tpu.memory_space<vmem>>
      tpu.enqueue_dma source(%dma_start3A_276 : memref<512xf32, #tpu.memory_space<vmem>>) target(%dma_start3A_274 : memref<512xf32, #tpu.memory_space<hbm>>) target_semaphore(%arg15 : memref<!tpu.dma_semaphore, #tpu.memory_space<semaphore_mem>>)
      %dma_start3A_277 = arith.constant 13 : i32
      %dma_start3A_278 = arith.constant 6760 : i32
      %dma_start3A_279 = tpu.memref_slice %arg9[%dma_start3A_278] : memref<16640xf32, #tpu.memory_space<vmem>> -> memref<512xf32, #tpu.memory_space<vmem>>
      %dma_start3A_280 = tpu.memref_slice %arg4[%select_n3A, %dma_start3A_277, %multiple_of3A_159] : memref<50x32x16384xf32, #tpu.memory_space<hbm>> -> memref<1x1x512xf32, #tpu.memory_space<hbm>>
      %dma_start3A_281 = tpu.memref_squeeze %dma_start3A_280 : memref<1x1x512xf32, #tpu.memory_space<hbm>> -> memref<512xf32, #tpu.memory_space<hbm>>
      %dma_start3A_282 = tpu.memref_slice %arg4[%select_n3A, %dma_start3A_277, %multiple_of3A_159] : memref<50x32x16384xf32, #tpu.memory_space<hbm>> -> memref<1x1x512xf32, #tpu.memory_space<hbm>>
      %dma_start3A_283 = tpu.memref_squeeze %dma_start3A_282 : memref<1x1x512xf32, #tpu.memory_space<hbm>> -> memref<512xf32, #tpu.memory_space<hbm>>
      %dma_start3A_284 = arith.constant 6760 : i32
      %dma_start3A_285 = tpu.memref_slice %arg9[%dma_start3A_284] : memref<16640xf32, #tpu.memory_space<vmem>> -> memref<512xf32, #tpu.memory_space<vmem>>
      tpu.enqueue_dma source(%dma_start3A_285 : memref<512xf32, #tpu.memory_space<vmem>>) target(%dma_start3A_283 : memref<512xf32, #tpu.memory_space<hbm>>) target_semaphore(%arg15 : memref<!tpu.dma_semaphore, #tpu.memory_space<semaphore_mem>>)
      %dma_start3A_286 = arith.constant 14 : i32
      %dma_start3A_287 = arith.constant 7280 : i32
      %dma_start3A_288 = tpu.memref_slice %arg9[%dma_start3A_287] : memref<16640xf32, #tpu.memory_space<vmem>> -> memref<512xf32, #tpu.memory_space<vmem>>
      %dma_start3A_289 = tpu.memref_slice %arg4[%select_n3A, %dma_start3A_286, %multiple_of3A_159] : memref<50x32x16384xf32, #tpu.memory_space<hbm>> -> memref<1x1x512xf32, #tpu.memory_space<hbm>>
      %dma_start3A_290 = tpu.memref_squeeze %dma_start3A_289 : memref<1x1x512xf32, #tpu.memory_space<hbm>> -> memref<512xf32, #tpu.memory_space<hbm>>
      %dma_start3A_291 = tpu.memref_slice %arg4[%select_n3A, %dma_start3A_286, %multiple_of3A_159] : memref<50x32x16384xf32, #tpu.memory_space<hbm>> -> memref<1x1x512xf32, #tpu.memory_space<hbm>>
      %dma_start3A_292 = tpu.memref_squeeze %dma_start3A_291 : memref<1x1x512xf32, #tpu.memory_space<hbm>> -> memref<512xf32, #tpu.memory_space<hbm>>
      %dma_start3A_293 = arith.constant 7280 : i32
      %dma_start3A_294 = tpu.memref_slice %arg9[%dma_start3A_293] : memref<16640xf32, #tpu.memory_space<vmem>> -> memref<512xf32, #tpu.memory_space<vmem>>
      tpu.enqueue_dma source(%dma_start3A_294 : memref<512xf32, #tpu.memory_space<vmem>>) target(%dma_start3A_292 : memref<512xf32, #tpu.memory_space<hbm>>) target_semaphore(%arg15 : memref<!tpu.dma_semaphore, #tpu.memory_space<semaphore_mem>>)
      %dma_start3A_295 = arith.constant 15 : i32
      %dma_start3A_296 = arith.constant 7800 : i32
      %dma_start3A_297 = tpu.memref_slice %arg9[%dma_start3A_296] : memref<16640xf32, #tpu.memory_space<vmem>> -> memref<512xf32, #tpu.memory_space<vmem>>
      %dma_start3A_298 = tpu.memref_slice %arg4[%select_n3A, %dma_start3A_295, %multiple_of3A_159] : memref<50x32x16384xf32, #tpu.memory_space<hbm>> -> memref<1x1x512xf32, #tpu.memory_space<hbm>>
      %dma_start3A_299 = tpu.memref_squeeze %dma_start3A_298 : memref<1x1x512xf32, #tpu.memory_space<hbm>> -> memref<512xf32, #tpu.memory_space<hbm>>
      %dma_start3A_300 = tpu.memref_slice %arg4[%select_n3A, %dma_start3A_295, %multiple_of3A_159] : memref<50x32x16384xf32, #tpu.memory_space<hbm>> -> memref<1x1x512xf32, #tpu.memory_space<hbm>>
      %dma_start3A_301 = tpu.memref_squeeze %dma_start3A_300 : memref<1x1x512xf32, #tpu.memory_space<hbm>> -> memref<512xf32, #tpu.memory_space<hbm>>
      %dma_start3A_302 = arith.constant 7800 : i32
      %dma_start3A_303 = tpu.memref_slice %arg9[%dma_start3A_302] : memref<16640xf32, #tpu.memory_space<vmem>> -> memref<512xf32, #tpu.memory_space<vmem>>
      tpu.enqueue_dma source(%dma_start3A_303 : memref<512xf32, #tpu.memory_space<vmem>>) target(%dma_start3A_301 : memref<512xf32, #tpu.memory_space<hbm>>) target_semaphore(%arg15 : memref<!tpu.dma_semaphore, #tpu.memory_space<semaphore_mem>>)
      %dma_start3A_304 = arith.constant 16 : i32
      %dma_start3A_305 = arith.constant 8320 : i32
      %dma_start3A_306 = tpu.memref_slice %arg9[%dma_start3A_305] : memref<16640xf32, #tpu.memory_space<vmem>> -> memref<512xf32, #tpu.memory_space<vmem>>
      %dma_start3A_307 = tpu.memref_slice %arg4[%select_n3A, %dma_start3A_304, %multiple_of3A_159] : memref<50x32x16384xf32, #tpu.memory_space<hbm>> -> memref<1x1x512xf32, #tpu.memory_space<hbm>>
      %dma_start3A_308 = tpu.memref_squeeze %dma_start3A_307 : memref<1x1x512xf32, #tpu.memory_space<hbm>> -> memref<512xf32, #tpu.memory_space<hbm>>
      %dma_start3A_309 = tpu.memref_slice %arg4[%select_n3A, %dma_start3A_304, %multiple_of3A_159] : memref<50x32x16384xf32, #tpu.memory_space<hbm>> -> memref<1x1x512xf32, #tpu.memory_space<hbm>>
      %dma_start3A_310 = tpu.memref_squeeze %dma_start3A_309 : memref<1x1x512xf32, #tpu.memory_space<hbm>> -> memref<512xf32, #tpu.memory_space<hbm>>
      %dma_start3A_311 = arith.constant 8320 : i32
      %dma_start3A_312 = tpu.memref_slice %arg9[%dma_start3A_311] : memref<16640xf32, #tpu.memory_space<vmem>> -> memref<512xf32, #tpu.memory_space<vmem>>
      tpu.enqueue_dma source(%dma_start3A_312 : memref<512xf32, #tpu.memory_space<vmem>>) target(%dma_start3A_310 : memref<512xf32, #tpu.memory_space<hbm>>) target_semaphore(%arg15 : memref<!tpu.dma_semaphore, #tpu.memory_space<semaphore_mem>>)
      %dma_start3A_313 = arith.constant 17 : i32
      %dma_start3A_314 = arith.constant 8840 : i32
      %dma_start3A_315 = tpu.memref_slice %arg9[%dma_start3A_314] : memref<16640xf32, #tpu.memory_space<vmem>> -> memref<512xf32, #tpu.memory_space<vmem>>
      %dma_start3A_316 = tpu.memref_slice %arg4[%select_n3A, %dma_start3A_313, %multiple_of3A_159] : memref<50x32x16384xf32, #tpu.memory_space<hbm>> -> memref<1x1x512xf32, #tpu.memory_space<hbm>>
      %dma_start3A_317 = tpu.memref_squeeze %dma_start3A_316 : memref<1x1x512xf32, #tpu.memory_space<hbm>> -> memref<512xf32, #tpu.memory_space<hbm>>
      %dma_start3A_318 = tpu.memref_slice %arg4[%select_n3A, %dma_start3A_313, %multiple_of3A_159] : memref<50x32x16384xf32, #tpu.memory_space<hbm>> -> memref<1x1x512xf32, #tpu.memory_space<hbm>>
      %dma_start3A_319 = tpu.memref_squeeze %dma_start3A_318 : memref<1x1x512xf32, #tpu.memory_space<hbm>> -> memref<512xf32, #tpu.memory_space<hbm>>
      %dma_start3A_320 = arith.constant 8840 : i32
      %dma_start3A_321 = tpu.memref_slice %arg9[%dma_start3A_320] : memref<16640xf32, #tpu.memory_space<vmem>> -> memref<512xf32, #tpu.memory_space<vmem>>
      tpu.enqueue_dma source(%dma_start3A_321 : memref<512xf32, #tpu.memory_space<vmem>>) target(%dma_start3A_319 : memref<512xf32, #tpu.memory_space<hbm>>) target_semaphore(%arg15 : memref<!tpu.dma_semaphore, #tpu.memory_space<semaphore_mem>>)
      %dma_start3A_322 = arith.constant 18 : i32
      %dma_start3A_323 = arith.constant 9360 : i32
      %dma_start3A_324 = tpu.memref_slice %arg9[%dma_start3A_323] : memref<16640xf32, #tpu.memory_space<vmem>> -> memref<512xf32, #tpu.memory_space<vmem>>
      %dma_start3A_325 = tpu.memref_slice %arg4[%select_n3A, %dma_start3A_322, %multiple_of3A_159] : memref<50x32x16384xf32, #tpu.memory_space<hbm>> -> memref<1x1x512xf32, #tpu.memory_space<hbm>>
      %dma_start3A_326 = tpu.memref_squeeze %dma_start3A_325 : memref<1x1x512xf32, #tpu.memory_space<hbm>> -> memref<512xf32, #tpu.memory_space<hbm>>
      %dma_start3A_327 = tpu.memref_slice %arg4[%select_n3A, %dma_start3A_322, %multiple_of3A_159] : memref<50x32x16384xf32, #tpu.memory_space<hbm>> -> memref<1x1x512xf32, #tpu.memory_space<hbm>>
      %dma_start3A_328 = tpu.memref_squeeze %dma_start3A_327 : memref<1x1x512xf32, #tpu.memory_space<hbm>> -> memref<512xf32, #tpu.memory_space<hbm>>
      %dma_start3A_329 = arith.constant 9360 : i32
      %dma_start3A_330 = tpu.memref_slice %arg9[%dma_start3A_329] : memref<16640xf32, #tpu.memory_space<vmem>> -> memref<512xf32, #tpu.memory_space<vmem>>
      tpu.enqueue_dma source(%dma_start3A_330 : memref<512xf32, #tpu.memory_space<vmem>>) target(%dma_start3A_328 : memref<512xf32, #tpu.memory_space<hbm>>) target_semaphore(%arg15 : memref<!tpu.dma_semaphore, #tpu.memory_space<semaphore_mem>>)
      %dma_start3A_331 = arith.constant 19 : i32
      %dma_start3A_332 = arith.constant 9880 : i32
      %dma_start3A_333 = tpu.memref_slice %arg9[%dma_start3A_332] : memref<16640xf32, #tpu.memory_space<vmem>> -> memref<512xf32, #tpu.memory_space<vmem>>
      %dma_start3A_334 = tpu.memref_slice %arg4[%select_n3A, %dma_start3A_331, %multiple_of3A_159] : memref<50x32x16384xf32, #tpu.memory_space<hbm>> -> memref<1x1x512xf32, #tpu.memory_space<hbm>>
      %dma_start3A_335 = tpu.memref_squeeze %dma_start3A_334 : memref<1x1x512xf32, #tpu.memory_space<hbm>> -> memref<512xf32, #tpu.memory_space<hbm>>
      %dma_start3A_336 = tpu.memref_slice %arg4[%select_n3A, %dma_start3A_331, %multiple_of3A_159] : memref<50x32x16384xf32, #tpu.memory_space<hbm>> -> memref<1x1x512xf32, #tpu.memory_space<hbm>>
      %dma_start3A_337 = tpu.memref_squeeze %dma_start3A_336 : memref<1x1x512xf32, #tpu.memory_space<hbm>> -> memref<512xf32, #tpu.memory_space<hbm>>
      %dma_start3A_338 = arith.constant 9880 : i32
      %dma_start3A_339 = tpu.memref_slice %arg9[%dma_start3A_338] : memref<16640xf32, #tpu.memory_space<vmem>> -> memref<512xf32, #tpu.memory_space<vmem>>
      tpu.enqueue_dma source(%dma_start3A_339 : memref<512xf32, #tpu.memory_space<vmem>>) target(%dma_start3A_337 : memref<512xf32, #tpu.memory_space<hbm>>) target_semaphore(%arg15 : memref<!tpu.dma_semaphore, #tpu.memory_space<semaphore_mem>>)
      %dma_start3A_340 = arith.constant 20 : i32
      %dma_start3A_341 = arith.constant 10400 : i32
      %dma_start3A_342 = tpu.memref_slice %arg9[%dma_start3A_341] : memref<16640xf32, #tpu.memory_space<vmem>> -> memref<512xf32, #tpu.memory_space<vmem>>
      %dma_start3A_343 = tpu.memref_slice %arg4[%select_n3A, %dma_start3A_340, %multiple_of3A_159] : memref<50x32x16384xf32, #tpu.memory_space<hbm>> -> memref<1x1x512xf32, #tpu.memory_space<hbm>>
      %dma_start3A_344 = tpu.memref_squeeze %dma_start3A_343 : memref<1x1x512xf32, #tpu.memory_space<hbm>> -> memref<512xf32, #tpu.memory_space<hbm>>
      %dma_start3A_345 = tpu.memref_slice %arg4[%select_n3A, %dma_start3A_340, %multiple_of3A_159] : memref<50x32x16384xf32, #tpu.memory_space<hbm>> -> memref<1x1x512xf32, #tpu.memory_space<hbm>>
      %dma_start3A_346 = tpu.memref_squeeze %dma_start3A_345 : memref<1x1x512xf32, #tpu.memory_space<hbm>> -> memref<512xf32, #tpu.memory_space<hbm>>
      %dma_start3A_347 = arith.constant 10400 : i32
      %dma_start3A_348 = tpu.memref_slice %arg9[%dma_start3A_347] : memref<16640xf32, #tpu.memory_space<vmem>> -> memref<512xf32, #tpu.memory_space<vmem>>
      tpu.enqueue_dma source(%dma_start3A_348 : memref<512xf32, #tpu.memory_space<vmem>>) target(%dma_start3A_346 : memref<512xf32, #tpu.memory_space<hbm>>) target_semaphore(%arg15 : memref<!tpu.dma_semaphore, #tpu.memory_space<semaphore_mem>>)
      %dma_start3A_349 = arith.constant 21 : i32
      %dma_start3A_350 = arith.constant 10920 : i32
      %dma_start3A_351 = tpu.memref_slice %arg9[%dma_start3A_350] : memref<16640xf32, #tpu.memory_space<vmem>> -> memref<512xf32, #tpu.memory_space<vmem>>
      %dma_start3A_352 = tpu.memref_slice %arg4[%select_n3A, %dma_start3A_349, %multiple_of3A_159] : memref<50x32x16384xf32, #tpu.memory_space<hbm>> -> memref<1x1x512xf32, #tpu.memory_space<hbm>>
      %dma_start3A_353 = tpu.memref_squeeze %dma_start3A_352 : memref<1x1x512xf32, #tpu.memory_space<hbm>> -> memref<512xf32, #tpu.memory_space<hbm>>
      %dma_start3A_354 = tpu.memref_slice %arg4[%select_n3A, %dma_start3A_349, %multiple_of3A_159] : memref<50x32x16384xf32, #tpu.memory_space<hbm>> -> memref<1x1x512xf32, #tpu.memory_space<hbm>>
      %dma_start3A_355 = tpu.memref_squeeze %dma_start3A_354 : memref<1x1x512xf32, #tpu.memory_space<hbm>> -> memref<512xf32, #tpu.memory_space<hbm>>
      %dma_start3A_356 = arith.constant 10920 : i32
      %dma_start3A_357 = tpu.memref_slice %arg9[%dma_start3A_356] : memref<16640xf32, #tpu.memory_space<vmem>> -> memref<512xf32, #tpu.memory_space<vmem>>
      tpu.enqueue_dma source(%dma_start3A_357 : memref<512xf32, #tpu.memory_space<vmem>>) target(%dma_start3A_355 : memref<512xf32, #tpu.memory_space<hbm>>) target_semaphore(%arg15 : memref<!tpu.dma_semaphore, #tpu.memory_space<semaphore_mem>>)
      %dma_start3A_358 = arith.constant 22 : i32
      %dma_start3A_359 = arith.constant 11440 : i32
      %dma_start3A_360 = tpu.memref_slice %arg9[%dma_start3A_359] : memref<16640xf32, #tpu.memory_space<vmem>> -> memref<512xf32, #tpu.memory_space<vmem>>
      %dma_start3A_361 = tpu.memref_slice %arg4[%select_n3A, %dma_start3A_358, %multiple_of3A_159] : memref<50x32x16384xf32, #tpu.memory_space<hbm>> -> memref<1x1x512xf32, #tpu.memory_space<hbm>>
      %dma_start3A_362 = tpu.memref_squeeze %dma_start3A_361 : memref<1x1x512xf32, #tpu.memory_space<hbm>> -> memref<512xf32, #tpu.memory_space<hbm>>
      %dma_start3A_363 = tpu.memref_slice %arg4[%select_n3A, %dma_start3A_358, %multiple_of3A_159] : memref<50x32x16384xf32, #tpu.memory_space<hbm>> -> memref<1x1x512xf32, #tpu.memory_space<hbm>>
      %dma_start3A_364 = tpu.memref_squeeze %dma_start3A_363 : memref<1x1x512xf32, #tpu.memory_space<hbm>> -> memref<512xf32, #tpu.memory_space<hbm>>
      %dma_start3A_365 = arith.constant 11440 : i32
      %dma_start3A_366 = tpu.memref_slice %arg9[%dma_start3A_365] : memref<16640xf32, #tpu.memory_space<vmem>> -> memref<512xf32, #tpu.memory_space<vmem>>
      tpu.enqueue_dma source(%dma_start3A_366 : memref<512xf32, #tpu.memory_space<vmem>>) target(%dma_start3A_364 : memref<512xf32, #tpu.memory_space<hbm>>) target_semaphore(%arg15 : memref<!tpu.dma_semaphore, #tpu.memory_space<semaphore_mem>>)
      %dma_start3A_367 = arith.constant 23 : i32
      %dma_start3A_368 = arith.constant 11960 : i32
      %dma_start3A_369 = tpu.memref_slice %arg9[%dma_start3A_368] : memref<16640xf32, #tpu.memory_space<vmem>> -> memref<512xf32, #tpu.memory_space<vmem>>
      %dma_start3A_370 = tpu.memref_slice %arg4[%select_n3A, %dma_start3A_367, %multiple_of3A_159] : memref<50x32x16384xf32, #tpu.memory_space<hbm>> -> memref<1x1x512xf32, #tpu.memory_space<hbm>>
      %dma_start3A_371 = tpu.memref_squeeze %dma_start3A_370 : memref<1x1x512xf32, #tpu.memory_space<hbm>> -> memref<512xf32, #tpu.memory_space<hbm>>
      %dma_start3A_372 = tpu.memref_slice %arg4[%select_n3A, %dma_start3A_367, %multiple_of3A_159] : memref<50x32x16384xf32, #tpu.memory_space<hbm>> -> memref<1x1x512xf32, #tpu.memory_space<hbm>>
      %dma_start3A_373 = tpu.memref_squeeze %dma_start3A_372 : memref<1x1x512xf32, #tpu.memory_space<hbm>> -> memref<512xf32, #tpu.memory_space<hbm>>
      %dma_start3A_374 = arith.constant 11960 : i32
      %dma_start3A_375 = tpu.memref_slice %arg9[%dma_start3A_374] : memref<16640xf32, #tpu.memory_space<vmem>> -> memref<512xf32, #tpu.memory_space<vmem>>
      tpu.enqueue_dma source(%dma_start3A_375 : memref<512xf32, #tpu.memory_space<vmem>>) target(%dma_start3A_373 : memref<512xf32, #tpu.memory_space<hbm>>) target_semaphore(%arg15 : memref<!tpu.dma_semaphore, #tpu.memory_space<semaphore_mem>>)
      %dma_start3A_376 = arith.constant 24 : i32
      %dma_start3A_377 = arith.constant 12480 : i32
      %dma_start3A_378 = tpu.memref_slice %arg9[%dma_start3A_377] : memref<16640xf32, #tpu.memory_space<vmem>> -> memref<512xf32, #tpu.memory_space<vmem>>
      %dma_start3A_379 = tpu.memref_slice %arg4[%select_n3A, %dma_start3A_376, %multiple_of3A_159] : memref<50x32x16384xf32, #tpu.memory_space<hbm>> -> memref<1x1x512xf32, #tpu.memory_space<hbm>>
      %dma_start3A_380 = tpu.memref_squeeze %dma_start3A_379 : memref<1x1x512xf32, #tpu.memory_space<hbm>> -> memref<512xf32, #tpu.memory_space<hbm>>
      %dma_start3A_381 = tpu.memref_slice %arg4[%select_n3A, %dma_start3A_376, %multiple_of3A_159] : memref<50x32x16384xf32, #tpu.memory_space<hbm>> -> memref<1x1x512xf32, #tpu.memory_space<hbm>>
      %dma_start3A_382 = tpu.memref_squeeze %dma_start3A_381 : memref<1x1x512xf32, #tpu.memory_space<hbm>> -> memref<512xf32, #tpu.memory_space<hbm>>
      %dma_start3A_383 = arith.constant 12480 : i32
      %dma_start3A_384 = tpu.memref_slice %arg9[%dma_start3A_383] : memref<16640xf32, #tpu.memory_space<vmem>> -> memref<512xf32, #tpu.memory_space<vmem>>
      tpu.enqueue_dma source(%dma_start3A_384 : memref<512xf32, #tpu.memory_space<vmem>>) target(%dma_start3A_382 : memref<512xf32, #tpu.memory_space<hbm>>) target_semaphore(%arg15 : memref<!tpu.dma_semaphore, #tpu.memory_space<semaphore_mem>>)
      %dma_start3A_385 = arith.constant 25 : i32
      %dma_start3A_386 = arith.constant 13000 : i32
      %dma_start3A_387 = tpu.memref_slice %arg9[%dma_start3A_386] : memref<16640xf32, #tpu.memory_space<vmem>> -> memref<512xf32, #tpu.memory_space<vmem>>
      %dma_start3A_388 = tpu.memref_slice %arg4[%select_n3A, %dma_start3A_385, %multiple_of3A_159] : memref<50x32x16384xf32, #tpu.memory_space<hbm>> -> memref<1x1x512xf32, #tpu.memory_space<hbm>>
      %dma_start3A_389 = tpu.memref_squeeze %dma_start3A_388 : memref<1x1x512xf32, #tpu.memory_space<hbm>> -> memref<512xf32, #tpu.memory_space<hbm>>
      %dma_start3A_390 = tpu.memref_slice %arg4[%select_n3A, %dma_start3A_385, %multiple_of3A_159] : memref<50x32x16384xf32, #tpu.memory_space<hbm>> -> memref<1x1x512xf32, #tpu.memory_space<hbm>>
      %dma_start3A_391 = tpu.memref_squeeze %dma_start3A_390 : memref<1x1x512xf32, #tpu.memory_space<hbm>> -> memref<512xf32, #tpu.memory_space<hbm>>
      %dma_start3A_392 = arith.constant 13000 : i32
      %dma_start3A_393 = tpu.memref_slice %arg9[%dma_start3A_392] : memref<16640xf32, #tpu.memory_space<vmem>> -> memref<512xf32, #tpu.memory_space<vmem>>
      tpu.enqueue_dma source(%dma_start3A_393 : memref<512xf32, #tpu.memory_space<vmem>>) target(%dma_start3A_391 : memref<512xf32, #tpu.memory_space<hbm>>) target_semaphore(%arg15 : memref<!tpu.dma_semaphore, #tpu.memory_space<semaphore_mem>>)
      %dma_start3A_394 = arith.constant 26 : i32
      %dma_start3A_395 = arith.constant 13520 : i32
      %dma_start3A_396 = tpu.memref_slice %arg9[%dma_start3A_395] : memref<16640xf32, #tpu.memory_space<vmem>> -> memref<512xf32, #tpu.memory_space<vmem>>
      %dma_start3A_397 = tpu.memref_slice %arg4[%select_n3A, %dma_start3A_394, %multiple_of3A_159] : memref<50x32x16384xf32, #tpu.memory_space<hbm>> -> memref<1x1x512xf32, #tpu.memory_space<hbm>>
      %dma_start3A_398 = tpu.memref_squeeze %dma_start3A_397 : memref<1x1x512xf32, #tpu.memory_space<hbm>> -> memref<512xf32, #tpu.memory_space<hbm>>
      %dma_start3A_399 = tpu.memref_slice %arg4[%select_n3A, %dma_start3A_394, %multiple_of3A_159] : memref<50x32x16384xf32, #tpu.memory_space<hbm>> -> memref<1x1x512xf32, #tpu.memory_space<hbm>>
      %dma_start3A_400 = tpu.memref_squeeze %dma_start3A_399 : memref<1x1x512xf32, #tpu.memory_space<hbm>> -> memref<512xf32, #tpu.memory_space<hbm>>
      %dma_start3A_401 = arith.constant 13520 : i32
      %dma_start3A_402 = tpu.memref_slice %arg9[%dma_start3A_401] : memref<16640xf32, #tpu.memory_space<vmem>> -> memref<512xf32, #tpu.memory_space<vmem>>
      tpu.enqueue_dma source(%dma_start3A_402 : memref<512xf32, #tpu.memory_space<vmem>>) target(%dma_start3A_400 : memref<512xf32, #tpu.memory_space<hbm>>) target_semaphore(%arg15 : memref<!tpu.dma_semaphore, #tpu.memory_space<semaphore_mem>>)
      %dma_start3A_403 = arith.constant 27 : i32
      %dma_start3A_404 = arith.constant 14040 : i32
      %dma_start3A_405 = tpu.memref_slice %arg9[%dma_start3A_404] : memref<16640xf32, #tpu.memory_space<vmem>> -> memref<512xf32, #tpu.memory_space<vmem>>
      %dma_start3A_406 = tpu.memref_slice %arg4[%select_n3A, %dma_start3A_403, %multiple_of3A_159] : memref<50x32x16384xf32, #tpu.memory_space<hbm>> -> memref<1x1x512xf32, #tpu.memory_space<hbm>>
      %dma_start3A_407 = tpu.memref_squeeze %dma_start3A_406 : memref<1x1x512xf32, #tpu.memory_space<hbm>> -> memref<512xf32, #tpu.memory_space<hbm>>
      %dma_start3A_408 = tpu.memref_slice %arg4[%select_n3A, %dma_start3A_403, %multiple_of3A_159] : memref<50x32x16384xf32, #tpu.memory_space<hbm>> -> memref<1x1x512xf32, #tpu.memory_space<hbm>>
      %dma_start3A_409 = tpu.memref_squeeze %dma_start3A_408 : memref<1x1x512xf32, #tpu.memory_space<hbm>> -> memref<512xf32, #tpu.memory_space<hbm>>
      %dma_start3A_410 = arith.constant 14040 : i32
      %dma_start3A_411 = tpu.memref_slice %arg9[%dma_start3A_410] : memref<16640xf32, #tpu.memory_space<vmem>> -> memref<512xf32, #tpu.memory_space<vmem>>
      tpu.enqueue_dma source(%dma_start3A_411 : memref<512xf32, #tpu.memory_space<vmem>>) target(%dma_start3A_409 : memref<512xf32, #tpu.memory_space<hbm>>) target_semaphore(%arg15 : memref<!tpu.dma_semaphore, #tpu.memory_space<semaphore_mem>>)
      %dma_start3A_412 = arith.constant 28 : i32
      %dma_start3A_413 = arith.constant 14560 : i32
      %dma_start3A_414 = tpu.memref_slice %arg9[%dma_start3A_413] : memref<16640xf32, #tpu.memory_space<vmem>> -> memref<512xf32, #tpu.memory_space<vmem>>
      %dma_start3A_415 = tpu.memref_slice %arg4[%select_n3A, %dma_start3A_412, %multiple_of3A_159] : memref<50x32x16384xf32, #tpu.memory_space<hbm>> -> memref<1x1x512xf32, #tpu.memory_space<hbm>>
      %dma_start3A_416 = tpu.memref_squeeze %dma_start3A_415 : memref<1x1x512xf32, #tpu.memory_space<hbm>> -> memref<512xf32, #tpu.memory_space<hbm>>
      %dma_start3A_417 = tpu.memref_slice %arg4[%select_n3A, %dma_start3A_412, %multiple_of3A_159] : memref<50x32x16384xf32, #tpu.memory_space<hbm>> -> memref<1x1x512xf32, #tpu.memory_space<hbm>>
      %dma_start3A_418 = tpu.memref_squeeze %dma_start3A_417 : memref<1x1x512xf32, #tpu.memory_space<hbm>> -> memref<512xf32, #tpu.memory_space<hbm>>
      %dma_start3A_419 = arith.constant 14560 : i32
      %dma_start3A_420 = tpu.memref_slice %arg9[%dma_start3A_419] : memref<16640xf32, #tpu.memory_space<vmem>> -> memref<512xf32, #tpu.memory_space<vmem>>
      tpu.enqueue_dma source(%dma_start3A_420 : memref<512xf32, #tpu.memory_space<vmem>>) target(%dma_start3A_418 : memref<512xf32, #tpu.memory_space<hbm>>) target_semaphore(%arg15 : memref<!tpu.dma_semaphore, #tpu.memory_space<semaphore_mem>>)
      %dma_start3A_421 = arith.constant 29 : i32
      %dma_start3A_422 = arith.constant 15080 : i32
      %dma_start3A_423 = tpu.memref_slice %arg9[%dma_start3A_422] : memref<16640xf32, #tpu.memory_space<vmem>> -> memref<512xf32, #tpu.memory_space<vmem>>
      %dma_start3A_424 = tpu.memref_slice %arg4[%select_n3A, %dma_start3A_421, %multiple_of3A_159] : memref<50x32x16384xf32, #tpu.memory_space<hbm>> -> memref<1x1x512xf32, #tpu.memory_space<hbm>>
      %dma_start3A_425 = tpu.memref_squeeze %dma_start3A_424 : memref<1x1x512xf32, #tpu.memory_space<hbm>> -> memref<512xf32, #tpu.memory_space<hbm>>
      %dma_start3A_426 = tpu.memref_slice %arg4[%select_n3A, %dma_start3A_421, %multiple_of3A_159] : memref<50x32x16384xf32, #tpu.memory_space<hbm>> -> memref<1x1x512xf32, #tpu.memory_space<hbm>>
      %dma_start3A_427 = tpu.memref_squeeze %dma_start3A_426 : memref<1x1x512xf32, #tpu.memory_space<hbm>> -> memref<512xf32, #tpu.memory_space<hbm>>
      %dma_start3A_428 = arith.constant 15080 : i32
      %dma_start3A_429 = tpu.memref_slice %arg9[%dma_start3A_428] : memref<16640xf32, #tpu.memory_space<vmem>> -> memref<512xf32, #tpu.memory_space<vmem>>
      tpu.enqueue_dma source(%dma_start3A_429 : memref<512xf32, #tpu.memory_space<vmem>>) target(%dma_start3A_427 : memref<512xf32, #tpu.memory_space<hbm>>) target_semaphore(%arg15 : memref<!tpu.dma_semaphore, #tpu.memory_space<semaphore_mem>>)
      %dma_start3A_430 = arith.constant 30 : i32
      %dma_start3A_431 = arith.constant 15600 : i32
      %dma_start3A_432 = tpu.memref_slice %arg9[%dma_start3A_431] : memref<16640xf32, #tpu.memory_space<vmem>> -> memref<512xf32, #tpu.memory_space<vmem>>
      %dma_start3A_433 = tpu.memref_slice %arg4[%select_n3A, %dma_start3A_430, %multiple_of3A_159] : memref<50x32x16384xf32, #tpu.memory_space<hbm>> -> memref<1x1x512xf32, #tpu.memory_space<hbm>>
      %dma_start3A_434 = tpu.memref_squeeze %dma_start3A_433 : memref<1x1x512xf32, #tpu.memory_space<hbm>> -> memref<512xf32, #tpu.memory_space<hbm>>
      %dma_start3A_435 = tpu.memref_slice %arg4[%select_n3A, %dma_start3A_430, %multiple_of3A_159] : memref<50x32x16384xf32, #tpu.memory_space<hbm>> -> memref<1x1x512xf32, #tpu.memory_space<hbm>>
      %dma_start3A_436 = tpu.memref_squeeze %dma_start3A_435 : memref<1x1x512xf32, #tpu.memory_space<hbm>> -> memref<512xf32, #tpu.memory_space<hbm>>
      %dma_start3A_437 = arith.constant 15600 : i32
      %dma_start3A_438 = tpu.memref_slice %arg9[%dma_start3A_437] : memref<16640xf32, #tpu.memory_space<vmem>> -> memref<512xf32, #tpu.memory_space<vmem>>
      tpu.enqueue_dma source(%dma_start3A_438 : memref<512xf32, #tpu.memory_space<vmem>>) target(%dma_start3A_436 : memref<512xf32, #tpu.memory_space<hbm>>) target_semaphore(%arg15 : memref<!tpu.dma_semaphore, #tpu.memory_space<semaphore_mem>>)
      %dma_start3A_439 = arith.constant 31 : i32
      %dma_start3A_440 = arith.constant 16120 : i32
      %dma_start3A_441 = tpu.memref_slice %arg9[%dma_start3A_440] : memref<16640xf32, #tpu.memory_space<vmem>> -> memref<512xf32, #tpu.memory_space<vmem>>
      %dma_start3A_442 = tpu.memref_slice %arg4[%select_n3A, %dma_start3A_439, %multiple_of3A_159] : memref<50x32x16384xf32, #tpu.memory_space<hbm>> -> memref<1x1x512xf32, #tpu.memory_space<hbm>>
      %dma_start3A_443 = tpu.memref_squeeze %dma_start3A_442 : memref<1x1x512xf32, #tpu.memory_space<hbm>> -> memref<512xf32, #tpu.memory_space<hbm>>
      %dma_start3A_444 = tpu.memref_slice %arg4[%select_n3A, %dma_start3A_439, %multiple_of3A_159] : memref<50x32x16384xf32, #tpu.memory_space<hbm>> -> memref<1x1x512xf32, #tpu.memory_space<hbm>>
      %dma_start3A_445 = tpu.memref_squeeze %dma_start3A_444 : memref<1x1x512xf32, #tpu.memory_space<hbm>> -> memref<512xf32, #tpu.memory_space<hbm>>
      %dma_start3A_446 = arith.constant 16120 : i32
      %dma_start3A_447 = tpu.memref_slice %arg9[%dma_start3A_446] : memref<16640xf32, #tpu.memory_space<vmem>> -> memref<512xf32, #tpu.memory_space<vmem>>
      tpu.enqueue_dma source(%dma_start3A_447 : memref<512xf32, #tpu.memory_space<vmem>>) target(%dma_start3A_445 : memref<512xf32, #tpu.memory_space<hbm>>) target_semaphore(%arg15 : memref<!tpu.dma_semaphore, #tpu.memory_space<semaphore_mem>>)
      "tpu.trace_stop"() : () -> ()
      %mul3A_448 = arith.constant 2 : i32
      %mul3A_449 = arith.muli %mul3A_448, %scan3A_95 : i32
      %add3A_450 = arith.constant 1 : i32
      %add3A_451 = arith.addi %mul3A_449, %add3A_450 : i32
      "tpu.trace_start"() <{level = 10 : i32, message = "fg"}> : () -> ()
      %add3A_452 = arith.constant 1 : i32
      %add3A_453 = arith.addi %add3A_451, %add3A_452 : i32
      %lt3A_454 = arith.constant 50 : i32
      %lt3A_455 = arith.cmpi slt, %add3A_453, %lt3A_454 : i32
      %convert_element_type3A_456 = arith.extui %lt3A_455 : i1 to i32
      %cond3A_457 = arith.constant 0 : i32
      %cond3A_458 = arith.cmpi ne, %convert_element_type3A_456, %cond3A_457 : i32
      scf.if %cond3A_458 {
        %add3A_814 = arith.constant 1 : i32
        %add3A_815 = arith.addi %add3A_451, %add3A_814 : i32
        %mul3A_816 = arith.constant 4 : i32
        %mul3A_817 = arith.muli %add3A_815, %mul3A_816 : i32
        %add3A_818 = arith.addi %mul3A_2, %mul3A_817 : i32
        %multiple_of3A_819 = tpu.assume_multiple %add3A_818, 4 : i32
        %dma_wait3A_820 = arith.constant 0 : i32
        %dma_wait3A_821 = tpu.memref_slice %arg3[%multiple_of3A_819, %dma_wait3A_820] : memref<6400x128xi32, #tpu.memory_space<hbm>> -> memref<4x128xi32, #tpu.memory_space<hbm>>
        %dma_wait3A_822 = arith.constant 0 : i32
        %dma_wait3A_823 = tpu.memref_slice %arg3[%multiple_of3A_819, %dma_wait3A_822] : memref<6400x128xi32, #tpu.memory_space<hbm>> -> memref<4x128xi32, #tpu.memory_space<hbm>>
        tpu.wait_dma2 semaphore(%arg11 : memref<!tpu.dma_semaphore, #tpu.memory_space<semaphore_mem>>) src(%dma_wait3A_823 : memref<4x128xi32, #tpu.memory_space<hbm>>) dst(%arg5 : memref<4x128xi32, #tpu.memory_space<vmem>>)
        %dma_start3A_824 = arith.constant 0 : i32
        %dma_start3A_825 = arith.constant 0 : i32
        %dma_start3A_826 = arith.constant 0 : i32
        %dma_start3A_827 = tpu.memref_slice %arg7[%dma_start3A_825, %dma_start3A_826] : memref<512x32xf32, #tpu.memory_space<vmem>> -> memref<128x32xf32, #tpu.memory_space<vmem>>
        %dma_start3A_828 = arith.constant 0 : i32
        %dma_start3A_829 = tpu.memref_slice %arg5[%dma_start3A_824, %dma_start3A_828] : memref<4x128xi32, #tpu.memory_space<vmem>> -> memref<1x128xi32, #tpu.memory_space<vmem>>
        %dma_start3A_830 = tpu.memref_squeeze %dma_start3A_829 : memref<1x128xi32, #tpu.memory_space<vmem>> -> memref<128xi32, #tpu.memory_space<vmem>>
        %dma_start3A_831 = arith.constant 0 : i32
        %dma_start3A_832 = arith.constant 0 : i32
        %dma_start3A_833 = tpu.memref_slice %arg2[%dma_start3A_831, %dma_start3A_832] : memref<1015808x32xf32, #tpu.memory_space<hbm>> -> memref<1015808x32xf32, #tpu.memory_space<hbm>>
        tpu.enqueue_indirect_dma source(%dma_start3A_833 : memref<1015808x32xf32, #tpu.memory_space<hbm>>) target(%dma_start3A_827 : memref<128x32xf32, #tpu.memory_space<vmem>>) offsets(%dma_start3A_830 : memref<128xi32, #tpu.memory_space<vmem>>) semaphore(%arg13 : memref<!tpu.dma_semaphore, #tpu.memory_space<semaphore_mem>>)
        %dma_start3A_834 = arith.constant 1 : i32
        %dma_start3A_835 = arith.constant 128 : i32
        %dma_start3A_836 = arith.constant 0 : i32
        %dma_start3A_837 = tpu.memref_slice %arg7[%dma_start3A_835, %dma_start3A_836] : memref<512x32xf32, #tpu.memory_space<vmem>> -> memref<128x32xf32, #tpu.memory_space<vmem>>
        %dma_start3A_838 = arith.constant 0 : i32
        %dma_start3A_839 = tpu.memref_slice %arg5[%dma_start3A_834, %dma_start3A_838] : memref<4x128xi32, #tpu.memory_space<vmem>> -> memref<1x128xi32, #tpu.memory_space<vmem>>
        %dma_start3A_840 = tpu.memref_squeeze %dma_start3A_839 : memref<1x128xi32, #tpu.memory_space<vmem>> -> memref<128xi32, #tpu.memory_space<vmem>>
        %dma_start3A_841 = arith.constant 0 : i32
        %dma_start3A_842 = arith.constant 0 : i32
        %dma_start3A_843 = tpu.memref_slice %arg2[%dma_start3A_841, %dma_start3A_842] : memref<1015808x32xf32, #tpu.memory_space<hbm>> -> memref<1015808x32xf32, #tpu.memory_space<hbm>>
        tpu.enqueue_indirect_dma source(%dma_start3A_843 : memref<1015808x32xf32, #tpu.memory_space<hbm>>) target(%dma_start3A_837 : memref<128x32xf32, #tpu.memory_space<vmem>>) offsets(%dma_start3A_840 : memref<128xi32, #tpu.memory_space<vmem>>) semaphore(%arg13 : memref<!tpu.dma_semaphore, #tpu.memory_space<semaphore_mem>>)
        %dma_start3A_844 = arith.constant 2 : i32
        %dma_start3A_845 = arith.constant 256 : i32
        %dma_start3A_846 = arith.constant 0 : i32
        %dma_start3A_847 = tpu.memref_slice %arg7[%dma_start3A_845, %dma_start3A_846] : memref<512x32xf32, #tpu.memory_space<vmem>> -> memref<128x32xf32, #tpu.memory_space<vmem>>
        %dma_start3A_848 = arith.constant 0 : i32
        %dma_start3A_849 = tpu.memref_slice %arg5[%dma_start3A_844, %dma_start3A_848] : memref<4x128xi32, #tpu.memory_space<vmem>> -> memref<1x128xi32, #tpu.memory_space<vmem>>
        %dma_start3A_850 = tpu.memref_squeeze %dma_start3A_849 : memref<1x128xi32, #tpu.memory_space<vmem>> -> memref<128xi32, #tpu.memory_space<vmem>>
        %dma_start3A_851 = arith.constant 0 : i32
        %dma_start3A_852 = arith.constant 0 : i32
        %dma_start3A_853 = tpu.memref_slice %arg2[%dma_start3A_851, %dma_start3A_852] : memref<1015808x32xf32, #tpu.memory_space<hbm>> -> memref<1015808x32xf32, #tpu.memory_space<hbm>>
        tpu.enqueue_indirect_dma source(%dma_start3A_853 : memref<1015808x32xf32, #tpu.memory_space<hbm>>) target(%dma_start3A_847 : memref<128x32xf32, #tpu.memory_space<vmem>>) offsets(%dma_start3A_850 : memref<128xi32, #tpu.memory_space<vmem>>) semaphore(%arg13 : memref<!tpu.dma_semaphore, #tpu.memory_space<semaphore_mem>>)
        %dma_start3A_854 = arith.constant 3 : i32
        %dma_start3A_855 = arith.constant 384 : i32
        %dma_start3A_856 = arith.constant 0 : i32
        %dma_start3A_857 = tpu.memref_slice %arg7[%dma_start3A_855, %dma_start3A_856] : memref<512x32xf32, #tpu.memory_space<vmem>> -> memref<128x32xf32, #tpu.memory_space<vmem>>
        %dma_start3A_858 = arith.constant 0 : i32
        %dma_start3A_859 = tpu.memref_slice %arg5[%dma_start3A_854, %dma_start3A_858] : memref<4x128xi32, #tpu.memory_space<vmem>> -> memref<1x128xi32, #tpu.memory_space<vmem>>
        %dma_start3A_860 = tpu.memref_squeeze %dma_start3A_859 : memref<1x128xi32, #tpu.memory_space<vmem>> -> memref<128xi32, #tpu.memory_space<vmem>>
        %dma_start3A_861 = arith.constant 0 : i32
        %dma_start3A_862 = arith.constant 0 : i32
        %dma_start3A_863 = tpu.memref_slice %arg2[%dma_start3A_861, %dma_start3A_862] : memref<1015808x32xf32, #tpu.memory_space<hbm>> -> memref<1015808x32xf32, #tpu.memory_space<hbm>>
        tpu.enqueue_indirect_dma source(%dma_start3A_863 : memref<1015808x32xf32, #tpu.memory_space<hbm>>) target(%dma_start3A_857 : memref<128x32xf32, #tpu.memory_space<vmem>>) offsets(%dma_start3A_860 : memref<128xi32, #tpu.memory_space<vmem>>) semaphore(%arg13 : memref<!tpu.dma_semaphore, #tpu.memory_space<semaphore_mem>>)
      } else {
      }
      "tpu.trace_stop"() : () -> ()
      "tpu.trace_start"() <{level = 10 : i32, message = "gw"}> : () -> ()
      %dma_wait3A_459 = arith.constant 0 : i32
      %dma_wait3A_460 = arith.constant 0 : i32
      %dma_wait3A_461 = tpu.memref_slice %arg2[%dma_wait3A_459, %dma_wait3A_460] : memref<1015808x32xf32, #tpu.memory_space<hbm>> -> memref<512x32xf32, #tpu.memory_space<hbm>>
      %dma_wait3A_462 = arith.constant 0 : i32
      %dma_wait3A_463 = arith.constant 0 : i32
      %dma_wait3A_464 = tpu.memref_slice %arg2[%dma_wait3A_462, %dma_wait3A_463] : memref<1015808x32xf32, #tpu.memory_space<hbm>> -> memref<512x32xf32, #tpu.memory_space<hbm>>
      tpu.wait_dma2 semaphore(%arg14 : memref<!tpu.dma_semaphore, #tpu.memory_space<semaphore_mem>>) src(%dma_wait3A_464 : memref<512x32xf32, #tpu.memory_space<hbm>>) dst(%arg8 : memref<512x32xf32, #tpu.memory_space<vmem>>)
      %add3A_465 = arith.constant 2 : i32
      %add3A_466 = arith.addi %add3A_451, %add3A_465 : i32
      %lt3A_467 = arith.constant 50 : i32
      %lt3A_468 = arith.cmpi slt, %add3A_466, %lt3A_467 : i32
      %convert_element_type3A_469 = arith.extui %lt3A_468 : i1 to i32
      %cond3A_470 = arith.constant 0 : i32
      %cond3A_471 = arith.cmpi ne, %convert_element_type3A_469, %cond3A_470 : i32
      scf.if %cond3A_471 {
        %add3A_814 = arith.constant 2 : i32
        %add3A_815 = arith.addi %add3A_451, %add3A_814 : i32
        %mul3A_816 = arith.constant 4 : i32
        %mul3A_817 = arith.muli %add3A_815, %mul3A_816 : i32
        %add3A_818 = arith.addi %mul3A_2, %mul3A_817 : i32
        %multiple_of3A_819 = tpu.assume_multiple %add3A_818, 4 : i32
        %dma_start3A_820 = arith.constant 0 : i32
        %dma_start3A_821 = tpu.memref_slice %arg3[%multiple_of3A_819, %dma_start3A_820] : memref<6400x128xi32, #tpu.memory_space<hbm>> -> memref<4x128xi32, #tpu.memory_space<hbm>>
        %dma_start3A_822 = arith.constant 0 : i32
        %dma_start3A_823 = tpu.memref_slice %arg3[%multiple_of3A_819, %dma_start3A_822] : memref<6400x128xi32, #tpu.memory_space<hbm>> -> memref<4x128xi32, #tpu.memory_space<hbm>>
        tpu.enqueue_dma source(%dma_start3A_823 : memref<4x128xi32, #tpu.memory_space<hbm>>) target(%arg6 : memref<4x128xi32, #tpu.memory_space<vmem>>) target_semaphore(%arg12 : memref<!tpu.dma_semaphore, #tpu.memory_space<semaphore_mem>>)
      } else {
      }
      %ge3A_472 = arith.constant 2 : i32
      %ge3A_473 = arith.cmpi sge, %add3A_451, %ge3A_472 : i32
      %convert_element_type3A_474 = arith.extui %ge3A_473 : i1 to i32
      %cond3A_475 = arith.constant 0 : i32
      %cond3A_476 = arith.cmpi ne, %convert_element_type3A_474, %cond3A_475 : i32
      scf.if %cond3A_476 {
        %dma_wait3A_814 = arith.constant 0 : i32
        %dma_wait3A_815 = arith.constant 0 : i32
        %dma_wait3A_816 = arith.constant 0 : i32
        %dma_wait3A_817 = tpu.memref_slice %arg10[%dma_wait3A_816] : memref<16640xf32, #tpu.memory_space<vmem>> -> memref<16384xf32, #tpu.memory_space<vmem>>
        %dma_wait3A_818 = arith.constant 0 : i32
        %dma_wait3A_819 = tpu.memref_slice %arg4[%dma_wait3A_814, %dma_wait3A_815, %dma_wait3A_818] : memref<50x32x16384xf32, #tpu.memory_space<hbm>> -> memref<1x1x16384xf32, #tpu.memory_space<hbm>>
        %dma_wait3A_820 = tpu.memref_squeeze %dma_wait3A_819 : memref<1x1x16384xf32, #tpu.memory_space<hbm>> -> memref<16384xf32, #tpu.memory_space<hbm>>
        %dma_wait3A_821 = arith.constant 0 : i32
        %dma_wait3A_822 = tpu.memref_slice %arg10[%dma_wait3A_821] : memref<16640xf32, #tpu.memory_space<vmem>> -> memref<16384xf32, #tpu.memory_space<vmem>>
        %dma_wait3A_823 = arith.constant 0 : i32
        %dma_wait3A_824 = tpu.memref_slice %arg4[%dma_wait3A_814, %dma_wait3A_815, %dma_wait3A_823] : memref<50x32x16384xf32, #tpu.memory_space<hbm>> -> memref<1x1x16384xf32, #tpu.memory_space<hbm>>
        %dma_wait3A_825 = tpu.memref_squeeze %dma_wait3A_824 : memref<1x1x16384xf32, #tpu.memory_space<hbm>> -> memref<16384xf32, #tpu.memory_space<hbm>>
        tpu.wait_dma2 semaphore(%arg16 : memref<!tpu.dma_semaphore, #tpu.memory_space<semaphore_mem>>) src(%dma_wait3A_825 : memref<16384xf32, #tpu.memory_space<hbm>>) dst(%dma_wait3A_822 : memref<16384xf32, #tpu.memory_space<vmem>>)
      } else {
      }
      %parallel_loop3A_477 = arith.constant 0 : i32
      %parallel_loop3A_478 = arith.constant 512 : i32
      %parallel_loop3A_479 = arith.constant 1 : i32
      "tpu.trace_stop"() : () -> ()
      "tpu.trace_start"() <{level = 10 : i32, message = "tr"}> : () -> ()
      scf.for %parallel_loop3A_814 = %parallel_loop3A_477 to %parallel_loop3A_478 step %parallel_loop3A_479  : i32 {
        %parallel_loop3A_815 = arith.index_cast %parallel_loop3A_814 : i32 to index
        %parallel_loop3A_816 = arith.constant 0 : index
        %parallel_loop3A_817 = tpu.vector_load %arg8[%parallel_loop3A_815, %parallel_loop3A_816] {strides = array<i32>} : memref<512x32xf32, #tpu.memory_space<vmem>>, vector<16xf32>,
        %parallel_loop3A_818 = arith.index_cast %parallel_loop3A_814 : i32 to index
        %parallel_loop3A_819 = arith.constant 16 : index
        %parallel_loop3A_820 = tpu.vector_load %arg8[%parallel_loop3A_818, %parallel_loop3A_819] {strides = array<i32>} : memref<512x32xf32, #tpu.memory_space<vmem>>, vector<16xf32>,
        %parallel_loop3A_821 = vector.broadcast %parallel_loop3A_814 : i32 to vector<16xi32>
        %parallel_loop3A_822 = arith.addi %mul3A_5, %parallel_loop3A_821 : vector<16xi32>
        tpu.vector_store_idx %arg10[%parallel_loop3A_822], %parallel_loop3A_817 : memref<16640xf32, #tpu.memory_space<vmem>>[vector<16xi32>], vector<16xf32>,
        %parallel_loop3A_823 = vector.broadcast %parallel_loop3A_814 : i32 to vector<16xi32>
        %parallel_loop3A_824 = arith.addi %add3A_8, %parallel_loop3A_823 : vector<16xi32>
        tpu.vector_store_idx %arg10[%parallel_loop3A_824], %parallel_loop3A_820 : memref<16640xf32, #tpu.memory_space<vmem>>[vector<16xi32>], vector<16xf32>,
      } {sc.loop_unroll_factor = 16 : i64, sc.parallel_access}
      "tpu.trace_stop"() : () -> ()
      "tpu.trace_start"() <{level = 10 : i32, message = "fo"}> : () -> ()
      %mul3A_480 = arith.constant 50 : i32
      %mul3A_481 = arith.muli %add3A, %mul3A_480 : i32
      %add3A_482 = arith.addi %mul3A_481, %add3A_451 : i32
      %jit3A_483 = arith.constant 32 : i32
      %div3A_484 = arith.divsi %add3A_482, %jit3A_483 : i32
      %sign3A_485 = arith.constant 0 : i32
      %sign3A_486 = arith.cmpi sgt, %add3A_482, %sign3A_485 : i32
      %sign3A_487 = arith.extui %sign3A_486 : i1 to i32
      %sign3A_488 = arith.constant 0 : i32
      %sign3A_489 = arith.cmpi slt, %add3A_482, %sign3A_488 : i32
      %sign3A_490 = arith.extui %sign3A_489 : i1 to i32
      %sign3A_491 = arith.subi %sign3A_487, %sign3A_490 : i32
      %sign3A_492 = arith.constant 0 : i32
      %sign3A_493 = arith.cmpi sgt, %jit3A_483, %sign3A_492 : i32
      %sign3A_494 = arith.extui %sign3A_493 : i1 to i32
      %sign3A_495 = arith.constant 0 : i32
      %sign3A_496 = arith.cmpi slt, %jit3A_483, %sign3A_495 : i32
      %sign3A_497 = arith.extui %sign3A_496 : i1 to i32
      %sign3A_498 = arith.subi %sign3A_494, %sign3A_497 : i32
      %ne3A_499 = arith.cmpi ne, %sign3A_491, %sign3A_498 : i32
      %rem3A_500 = arith.remsi %add3A_482, %jit3A_483 : i32
      %ne3A_501 = arith.constant 0 : i32
      %ne3A_502 = arith.cmpi ne, %rem3A_500, %ne3A_501 : i32
      %and3A_503 = arith.andi %ne3A_499, %ne3A_502 : i1
      %sub3A_504 = arith.constant 1 : i32
      %sub3A_505 = arith.subi %div3A_484, %sub3A_504 : i32
      %select_n3A_506 = arith.select %and3A_503, %sub3A_505, %div3A_484 : i32
      %jit3A_507 = arith.constant 32 : i32
      %eq3A_508 = arith.constant 0 : i32
      %eq3A_509 = arith.cmpi eq, %jit3A_507, %eq3A_508 : i32
      %jit3A_510 = arith.constant 1 : i32
      %select_n3A_511 = arith.select %eq3A_509, %jit3A_510, %jit3A_507 : i32
      %rem3A_512 = arith.remsi %add3A_482, %select_n3A_511 : i32
      %ne3A_513 = arith.constant 0 : i32
      %ne3A_514 = arith.cmpi ne, %rem3A_512, %ne3A_513 : i32
      %lt3A_515 = arith.constant 0 : i32
      %lt3A_516 = arith.cmpi slt, %rem3A_512, %lt3A_515 : i32
      %lt3A_517 = arith.constant 0 : i32
      %lt3A_518 = arith.cmpi slt, %select_n3A_511, %lt3A_517 : i32
      %ne3A_519 = arith.xori %lt3A_516, %lt3A_518 : i1
      %and3A_520 = arith.andi %ne3A_519, %ne3A_514 : i1
      %add3A_521 = arith.addi %rem3A_512, %select_n3A_511 : i32
      %select_n3A_522 = arith.select %and3A_520, %add3A_521, %rem3A_512 : i32
      %mul3A_523 = arith.constant 512 : i32
      %mul3A_524 = arith.muli %select_n3A_522, %mul3A_523 : i32
      %multiple_of3A_525 = tpu.assume_multiple %mul3A_524, 512 : i32
      %dma_start3A_526 = arith.constant 0 : i32
      %dma_start3A_527 = arith.constant 0 : i32
      %dma_start3A_528 = tpu.memref_slice %arg10[%dma_start3A_527] : memref<16640xf32, #tpu.memory_space<vmem>> -> memref<512xf32, #tpu.memory_space<vmem>>
      %dma_start3A_529 = tpu.memref_slice %arg4[%select_n3A_506, %dma_start3A_526, %multiple_of3A_525] : memref<50x32x16384xf32, #tpu.memory_space<hbm>> -> memref<1x1x512xf32, #tpu.memory_space<hbm>>
      %dma_start3A_530 = tpu.memref_squeeze %dma_start3A_529 : memref<1x1x512xf32, #tpu.memory_space<hbm>> -> memref<512xf32, #tpu.memory_space<hbm>>
      %dma_start3A_531 = tpu.memref_slice %arg4[%select_n3A_506, %dma_start3A_526, %multiple_of3A_525] : memref<50x32x16384xf32, #tpu.memory_space<hbm>> -> memref<1x1x512xf32, #tpu.memory_space<hbm>>
      %dma_start3A_532 = tpu.memref_squeeze %dma_start3A_531 : memref<1x1x512xf32, #tpu.memory_space<hbm>> -> memref<512xf32, #tpu.memory_space<hbm>>
      %dma_start3A_533 = arith.constant 0 : i32
      %dma_start3A_534 = tpu.memref_slice %arg10[%dma_start3A_533] : memref<16640xf32, #tpu.memory_space<vmem>> -> memref<512xf32, #tpu.memory_space<vmem>>
      tpu.enqueue_dma source(%dma_start3A_534 : memref<512xf32, #tpu.memory_space<vmem>>) target(%dma_start3A_532 : memref<512xf32, #tpu.memory_space<hbm>>) target_semaphore(%arg16 : memref<!tpu.dma_semaphore, #tpu.memory_space<semaphore_mem>>)
      %dma_start3A_535 = arith.constant 1 : i32
      %dma_start3A_536 = arith.constant 520 : i32
      %dma_start3A_537 = tpu.memref_slice %arg10[%dma_start3A_536] : memref<16640xf32, #tpu.memory_space<vmem>> -> memref<512xf32, #tpu.memory_space<vmem>>
      %dma_start3A_538 = tpu.memref_slice %arg4[%select_n3A_506, %dma_start3A_535, %multiple_of3A_525] : memref<50x32x16384xf32, #tpu.memory_space<hbm>> -> memref<1x1x512xf32, #tpu.memory_space<hbm>>
      %dma_start3A_539 = tpu.memref_squeeze %dma_start3A_538 : memref<1x1x512xf32, #tpu.memory_space<hbm>> -> memref<512xf32, #tpu.memory_space<hbm>>
      %dma_start3A_540 = tpu.memref_slice %arg4[%select_n3A_506, %dma_start3A_535, %multiple_of3A_525] : memref<50x32x16384xf32, #tpu.memory_space<hbm>> -> memref<1x1x512xf32, #tpu.memory_space<hbm>>
      %dma_start3A_541 = tpu.memref_squeeze %dma_start3A_540 : memref<1x1x512xf32, #tpu.memory_space<hbm>> -> memref<512xf32, #tpu.memory_space<hbm>>
      %dma_start3A_542 = arith.constant 520 : i32
      %dma_start3A_543 = tpu.memref_slice %arg10[%dma_start3A_542] : memref<16640xf32, #tpu.memory_space<vmem>> -> memref<512xf32, #tpu.memory_space<vmem>>
      tpu.enqueue_dma source(%dma_start3A_543 : memref<512xf32, #tpu.memory_space<vmem>>) target(%dma_start3A_541 : memref<512xf32, #tpu.memory_space<hbm>>) target_semaphore(%arg16 : memref<!tpu.dma_semaphore, #tpu.memory_space<semaphore_mem>>)
      %dma_start3A_544 = arith.constant 2 : i32
      %dma_start3A_545 = arith.constant 1040 : i32
      %dma_start3A_546 = tpu.memref_slice %arg10[%dma_start3A_545] : memref<16640xf32, #tpu.memory_space<vmem>> -> memref<512xf32, #tpu.memory_space<vmem>>
      %dma_start3A_547 = tpu.memref_slice %arg4[%select_n3A_506, %dma_start3A_544, %multiple_of3A_525] : memref<50x32x16384xf32, #tpu.memory_space<hbm>> -> memref<1x1x512xf32, #tpu.memory_space<hbm>>
      %dma_start3A_548 = tpu.memref_squeeze %dma_start3A_547 : memref<1x1x512xf32, #tpu.memory_space<hbm>> -> memref<512xf32, #tpu.memory_space<hbm>>
      %dma_start3A_549 = tpu.memref_slice %arg4[%select_n3A_506, %dma_start3A_544, %multiple_of3A_525] : memref<50x32x16384xf32, #tpu.memory_space<hbm>> -> memref<1x1x512xf32, #tpu.memory_space<hbm>>
      %dma_start3A_550 = tpu.memref_squeeze %dma_start3A_549 : memref<1x1x512xf32, #tpu.memory_space<hbm>> -> memref<512xf32, #tpu.memory_space<hbm>>
      %dma_start3A_551 = arith.constant 1040 : i32
      %dma_start3A_552 = tpu.memref_slice %arg10[%dma_start3A_551] : memref<16640xf32, #tpu.memory_space<vmem>> -> memref<512xf32, #tpu.memory_space<vmem>>
      tpu.enqueue_dma source(%dma_start3A_552 : memref<512xf32, #tpu.memory_space<vmem>>) target(%dma_start3A_550 : memref<512xf32, #tpu.memory_space<hbm>>) target_semaphore(%arg16 : memref<!tpu.dma_semaphore, #tpu.memory_space<semaphore_mem>>)
      %dma_start3A_553 = arith.constant 3 : i32
      %dma_start3A_554 = arith.constant 1560 : i32
      %dma_start3A_555 = tpu.memref_slice %arg10[%dma_start3A_554] : memref<16640xf32, #tpu.memory_space<vmem>> -> memref<512xf32, #tpu.memory_space<vmem>>
      %dma_start3A_556 = tpu.memref_slice %arg4[%select_n3A_506, %dma_start3A_553, %multiple_of3A_525] : memref<50x32x16384xf32, #tpu.memory_space<hbm>> -> memref<1x1x512xf32, #tpu.memory_space<hbm>>
      %dma_start3A_557 = tpu.memref_squeeze %dma_start3A_556 : memref<1x1x512xf32, #tpu.memory_space<hbm>> -> memref<512xf32, #tpu.memory_space<hbm>>
      %dma_start3A_558 = tpu.memref_slice %arg4[%select_n3A_506, %dma_start3A_553, %multiple_of3A_525] : memref<50x32x16384xf32, #tpu.memory_space<hbm>> -> memref<1x1x512xf32, #tpu.memory_space<hbm>>
      %dma_start3A_559 = tpu.memref_squeeze %dma_start3A_558 : memref<1x1x512xf32, #tpu.memory_space<hbm>> -> memref<512xf32, #tpu.memory_space<hbm>>
      %dma_start3A_560 = arith.constant 1560 : i32
      %dma_start3A_561 = tpu.memref_slice %arg10[%dma_start3A_560] : memref<16640xf32, #tpu.memory_space<vmem>> -> memref<512xf32, #tpu.memory_space<vmem>>
      tpu.enqueue_dma source(%dma_start3A_561 : memref<512xf32, #tpu.memory_space<vmem>>) target(%dma_start3A_559 : memref<512xf32, #tpu.memory_space<hbm>>) target_semaphore(%arg16 : memref<!tpu.dma_semaphore, #tpu.memory_space<semaphore_mem>>)
      %dma_start3A_562 = arith.constant 4 : i32
      %dma_start3A_563 = arith.constant 2080 : i32
      %dma_start3A_564 = tpu.memref_slice %arg10[%dma_start3A_563] : memref<16640xf32, #tpu.memory_space<vmem>> -> memref<512xf32, #tpu.memory_space<vmem>>
      %dma_start3A_565 = tpu.memref_slice %arg4[%select_n3A_506, %dma_start3A_562, %multiple_of3A_525] : memref<50x32x16384xf32, #tpu.memory_space<hbm>> -> memref<1x1x512xf32, #tpu.memory_space<hbm>>
      %dma_start3A_566 = tpu.memref_squeeze %dma_start3A_565 : memref<1x1x512xf32, #tpu.memory_space<hbm>> -> memref<512xf32, #tpu.memory_space<hbm>>
      %dma_start3A_567 = tpu.memref_slice %arg4[%select_n3A_506, %dma_start3A_562, %multiple_of3A_525] : memref<50x32x16384xf32, #tpu.memory_space<hbm>> -> memref<1x1x512xf32, #tpu.memory_space<hbm>>
      %dma_start3A_568 = tpu.memref_squeeze %dma_start3A_567 : memref<1x1x512xf32, #tpu.memory_space<hbm>> -> memref<512xf32, #tpu.memory_space<hbm>>
      %dma_start3A_569 = arith.constant 2080 : i32
      %dma_start3A_570 = tpu.memref_slice %arg10[%dma_start3A_569] : memref<16640xf32, #tpu.memory_space<vmem>> -> memref<512xf32, #tpu.memory_space<vmem>>
      tpu.enqueue_dma source(%dma_start3A_570 : memref<512xf32, #tpu.memory_space<vmem>>) target(%dma_start3A_568 : memref<512xf32, #tpu.memory_space<hbm>>) target_semaphore(%arg16 : memref<!tpu.dma_semaphore, #tpu.memory_space<semaphore_mem>>)
      %dma_start3A_571 = arith.constant 5 : i32
      %dma_start3A_572 = arith.constant 2600 : i32
      %dma_start3A_573 = tpu.memref_slice %arg10[%dma_start3A_572] : memref<16640xf32, #tpu.memory_space<vmem>> -> memref<512xf32, #tpu.memory_space<vmem>>
      %dma_start3A_574 = tpu.memref_slice %arg4[%select_n3A_506, %dma_start3A_571, %multiple_of3A_525] : memref<50x32x16384xf32, #tpu.memory_space<hbm>> -> memref<1x1x512xf32, #tpu.memory_space<hbm>>
      %dma_start3A_575 = tpu.memref_squeeze %dma_start3A_574 : memref<1x1x512xf32, #tpu.memory_space<hbm>> -> memref<512xf32, #tpu.memory_space<hbm>>
      %dma_start3A_576 = tpu.memref_slice %arg4[%select_n3A_506, %dma_start3A_571, %multiple_of3A_525] : memref<50x32x16384xf32, #tpu.memory_space<hbm>> -> memref<1x1x512xf32, #tpu.memory_space<hbm>>
      %dma_start3A_577 = tpu.memref_squeeze %dma_start3A_576 : memref<1x1x512xf32, #tpu.memory_space<hbm>> -> memref<512xf32, #tpu.memory_space<hbm>>
      %dma_start3A_578 = arith.constant 2600 : i32
      %dma_start3A_579 = tpu.memref_slice %arg10[%dma_start3A_578] : memref<16640xf32, #tpu.memory_space<vmem>> -> memref<512xf32, #tpu.memory_space<vmem>>
      tpu.enqueue_dma source(%dma_start3A_579 : memref<512xf32, #tpu.memory_space<vmem>>) target(%dma_start3A_577 : memref<512xf32, #tpu.memory_space<hbm>>) target_semaphore(%arg16 : memref<!tpu.dma_semaphore, #tpu.memory_space<semaphore_mem>>)
      %dma_start3A_580 = arith.constant 6 : i32
      %dma_start3A_581 = arith.constant 3120 : i32
      %dma_start3A_582 = tpu.memref_slice %arg10[%dma_start3A_581] : memref<16640xf32, #tpu.memory_space<vmem>> -> memref<512xf32, #tpu.memory_space<vmem>>
      %dma_start3A_583 = tpu.memref_slice %arg4[%select_n3A_506, %dma_start3A_580, %multiple_of3A_525] : memref<50x32x16384xf32, #tpu.memory_space<hbm>> -> memref<1x1x512xf32, #tpu.memory_space<hbm>>
      %dma_start3A_584 = tpu.memref_squeeze %dma_start3A_583 : memref<1x1x512xf32, #tpu.memory_space<hbm>> -> memref<512xf32, #tpu.memory_space<hbm>>
      %dma_start3A_585 = tpu.memref_slice %arg4[%select_n3A_506, %dma_start3A_580, %multiple_of3A_525] : memref<50x32x16384xf32, #tpu.memory_space<hbm>> -> memref<1x1x512xf32, #tpu.memory_space<hbm>>
      %dma_start3A_586 = tpu.memref_squeeze %dma_start3A_585 : memref<1x1x512xf32, #tpu.memory_space<hbm>> -> memref<512xf32, #tpu.memory_space<hbm>>
      %dma_start3A_587 = arith.constant 3120 : i32
      %dma_start3A_588 = tpu.memref_slice %arg10[%dma_start3A_587] : memref<16640xf32, #tpu.memory_space<vmem>> -> memref<512xf32, #tpu.memory_space<vmem>>
      tpu.enqueue_dma source(%dma_start3A_588 : memref<512xf32, #tpu.memory_space<vmem>>) target(%dma_start3A_586 : memref<512xf32, #tpu.memory_space<hbm>>) target_semaphore(%arg16 : memref<!tpu.dma_semaphore, #tpu.memory_space<semaphore_mem>>)
      %dma_start3A_589 = arith.constant 7 : i32
      %dma_start3A_590 = arith.constant 3640 : i32
      %dma_start3A_591 = tpu.memref_slice %arg10[%dma_start3A_590] : memref<16640xf32, #tpu.memory_space<vmem>> -> memref<512xf32, #tpu.memory_space<vmem>>
      %dma_start3A_592 = tpu.memref_slice %arg4[%select_n3A_506, %dma_start3A_589, %multiple_of3A_525] : memref<50x32x16384xf32, #tpu.memory_space<hbm>> -> memref<1x1x512xf32, #tpu.memory_space<hbm>>
      %dma_start3A_593 = tpu.memref_squeeze %dma_start3A_592 : memref<1x1x512xf32, #tpu.memory_space<hbm>> -> memref<512xf32, #tpu.memory_space<hbm>>
      %dma_start3A_594 = tpu.memref_slice %arg4[%select_n3A_506, %dma_start3A_589, %multiple_of3A_525] : memref<50x32x16384xf32, #tpu.memory_space<hbm>> -> memref<1x1x512xf32, #tpu.memory_space<hbm>>
      %dma_start3A_595 = tpu.memref_squeeze %dma_start3A_594 : memref<1x1x512xf32, #tpu.memory_space<hbm>> -> memref<512xf32, #tpu.memory_space<hbm>>
      %dma_start3A_596 = arith.constant 3640 : i32
      %dma_start3A_597 = tpu.memref_slice %arg10[%dma_start3A_596] : memref<16640xf32, #tpu.memory_space<vmem>> -> memref<512xf32, #tpu.memory_space<vmem>>
      tpu.enqueue_dma source(%dma_start3A_597 : memref<512xf32, #tpu.memory_space<vmem>>) target(%dma_start3A_595 : memref<512xf32, #tpu.memory_space<hbm>>) target_semaphore(%arg16 : memref<!tpu.dma_semaphore, #tpu.memory_space<semaphore_mem>>)
      %dma_start3A_598 = arith.constant 8 : i32
      %dma_start3A_599 = arith.constant 4160 : i32
      %dma_start3A_600 = tpu.memref_slice %arg10[%dma_start3A_599] : memref<16640xf32, #tpu.memory_space<vmem>> -> memref<512xf32, #tpu.memory_space<vmem>>
      %dma_start3A_601 = tpu.memref_slice %arg4[%select_n3A_506, %dma_start3A_598, %multiple_of3A_525] : memref<50x32x16384xf32, #tpu.memory_space<hbm>> -> memref<1x1x512xf32, #tpu.memory_space<hbm>>
      %dma_start3A_602 = tpu.memref_squeeze %dma_start3A_601 : memref<1x1x512xf32, #tpu.memory_space<hbm>> -> memref<512xf32, #tpu.memory_space<hbm>>
      %dma_start3A_603 = tpu.memref_slice %arg4[%select_n3A_506, %dma_start3A_598, %multiple_of3A_525] : memref<50x32x16384xf32, #tpu.memory_space<hbm>> -> memref<1x1x512xf32, #tpu.memory_space<hbm>>
      %dma_start3A_604 = tpu.memref_squeeze %dma_start3A_603 : memref<1x1x512xf32, #tpu.memory_space<hbm>> -> memref<512xf32, #tpu.memory_space<hbm>>
      %dma_start3A_605 = arith.constant 4160 : i32
      %dma_start3A_606 = tpu.memref_slice %arg10[%dma_start3A_605] : memref<16640xf32, #tpu.memory_space<vmem>> -> memref<512xf32, #tpu.memory_space<vmem>>
      tpu.enqueue_dma source(%dma_start3A_606 : memref<512xf32, #tpu.memory_space<vmem>>) target(%dma_start3A_604 : memref<512xf32, #tpu.memory_space<hbm>>) target_semaphore(%arg16 : memref<!tpu.dma_semaphore, #tpu.memory_space<semaphore_mem>>)
      %dma_start3A_607 = arith.constant 9 : i32
      %dma_start3A_608 = arith.constant 4680 : i32
      %dma_start3A_609 = tpu.memref_slice %arg10[%dma_start3A_608] : memref<16640xf32, #tpu.memory_space<vmem>> -> memref<512xf32, #tpu.memory_space<vmem>>
      %dma_start3A_610 = tpu.memref_slice %arg4[%select_n3A_506, %dma_start3A_607, %multiple_of3A_525] : memref<50x32x16384xf32, #tpu.memory_space<hbm>> -> memref<1x1x512xf32, #tpu.memory_space<hbm>>
      %dma_start3A_611 = tpu.memref_squeeze %dma_start3A_610 : memref<1x1x512xf32, #tpu.memory_space<hbm>> -> memref<512xf32, #tpu.memory_space<hbm>>
      %dma_start3A_612 = tpu.memref_slice %arg4[%select_n3A_506, %dma_start3A_607, %multiple_of3A_525] : memref<50x32x16384xf32, #tpu.memory_space<hbm>> -> memref<1x1x512xf32, #tpu.memory_space<hbm>>
      %dma_start3A_613 = tpu.memref_squeeze %dma_start3A_612 : memref<1x1x512xf32, #tpu.memory_space<hbm>> -> memref<512xf32, #tpu.memory_space<hbm>>
      %dma_start3A_614 = arith.constant 4680 : i32
      %dma_start3A_615 = tpu.memref_slice %arg10[%dma_start3A_614] : memref<16640xf32, #tpu.memory_space<vmem>> -> memref<512xf32, #tpu.memory_space<vmem>>
      tpu.enqueue_dma source(%dma_start3A_615 : memref<512xf32, #tpu.memory_space<vmem>>) target(%dma_start3A_613 : memref<512xf32, #tpu.memory_space<hbm>>) target_semaphore(%arg16 : memref<!tpu.dma_semaphore, #tpu.memory_space<semaphore_mem>>)
      %dma_start3A_616 = arith.constant 10 : i32
      %dma_start3A_617 = arith.constant 5200 : i32
      %dma_start3A_618 = tpu.memref_slice %arg10[%dma_start3A_617] : memref<16640xf32, #tpu.memory_space<vmem>> -> memref<512xf32, #tpu.memory_space<vmem>>
      %dma_start3A_619 = tpu.memref_slice %arg4[%select_n3A_506, %dma_start3A_616, %multiple_of3A_525] : memref<50x32x16384xf32, #tpu.memory_space<hbm>> -> memref<1x1x512xf32, #tpu.memory_space<hbm>>
      %dma_start3A_620 = tpu.memref_squeeze %dma_start3A_619 : memref<1x1x512xf32, #tpu.memory_space<hbm>> -> memref<512xf32, #tpu.memory_space<hbm>>
      %dma_start3A_621 = tpu.memref_slice %arg4[%select_n3A_506, %dma_start3A_616, %multiple_of3A_525] : memref<50x32x16384xf32, #tpu.memory_space<hbm>> -> memref<1x1x512xf32, #tpu.memory_space<hbm>>
      %dma_start3A_622 = tpu.memref_squeeze %dma_start3A_621 : memref<1x1x512xf32, #tpu.memory_space<hbm>> -> memref<512xf32, #tpu.memory_space<hbm>>
      %dma_start3A_623 = arith.constant 5200 : i32
      %dma_start3A_624 = tpu.memref_slice %arg10[%dma_start3A_623] : memref<16640xf32, #tpu.memory_space<vmem>> -> memref<512xf32, #tpu.memory_space<vmem>>
      tpu.enqueue_dma source(%dma_start3A_624 : memref<512xf32, #tpu.memory_space<vmem>>) target(%dma_start3A_622 : memref<512xf32, #tpu.memory_space<hbm>>) target_semaphore(%arg16 : memref<!tpu.dma_semaphore, #tpu.memory_space<semaphore_mem>>)
      %dma_start3A_625 = arith.constant 11 : i32
      %dma_start3A_626 = arith.constant 5720 : i32
      %dma_start3A_627 = tpu.memref_slice %arg10[%dma_start3A_626] : memref<16640xf32, #tpu.memory_space<vmem>> -> memref<512xf32, #tpu.memory_space<vmem>>
      %dma_start3A_628 = tpu.memref_slice %arg4[%select_n3A_506, %dma_start3A_625, %multiple_of3A_525] : memref<50x32x16384xf32, #tpu.memory_space<hbm>> -> memref<1x1x512xf32, #tpu.memory_space<hbm>>
      %dma_start3A_629 = tpu.memref_squeeze %dma_start3A_628 : memref<1x1x512xf32, #tpu.memory_space<hbm>> -> memref<512xf32, #tpu.memory_space<hbm>>
      %dma_start3A_630 = tpu.memref_slice %arg4[%select_n3A_506, %dma_start3A_625, %multiple_of3A_525] : memref<50x32x16384xf32, #tpu.memory_space<hbm>> -> memref<1x1x512xf32, #tpu.memory_space<hbm>>
      %dma_start3A_631 = tpu.memref_squeeze %dma_start3A_630 : memref<1x1x512xf32, #tpu.memory_space<hbm>> -> memref<512xf32, #tpu.memory_space<hbm>>
      %dma_start3A_632 = arith.constant 5720 : i32
      %dma_start3A_633 = tpu.memref_slice %arg10[%dma_start3A_632] : memref<16640xf32, #tpu.memory_space<vmem>> -> memref<512xf32, #tpu.memory_space<vmem>>
      tpu.enqueue_dma source(%dma_start3A_633 : memref<512xf32, #tpu.memory_space<vmem>>) target(%dma_start3A_631 : memref<512xf32, #tpu.memory_space<hbm>>) target_semaphore(%arg16 : memref<!tpu.dma_semaphore, #tpu.memory_space<semaphore_mem>>)
      %dma_start3A_634 = arith.constant 12 : i32
      %dma_start3A_635 = arith.constant 6240 : i32
      %dma_start3A_636 = tpu.memref_slice %arg10[%dma_start3A_635] : memref<16640xf32, #tpu.memory_space<vmem>> -> memref<512xf32, #tpu.memory_space<vmem>>
      %dma_start3A_637 = tpu.memref_slice %arg4[%select_n3A_506, %dma_start3A_634, %multiple_of3A_525] : memref<50x32x16384xf32, #tpu.memory_space<hbm>> -> memref<1x1x512xf32, #tpu.memory_space<hbm>>
      %dma_start3A_638 = tpu.memref_squeeze %dma_start3A_637 : memref<1x1x512xf32, #tpu.memory_space<hbm>> -> memref<512xf32, #tpu.memory_space<hbm>>
      %dma_start3A_639 = tpu.memref_slice %arg4[%select_n3A_506, %dma_start3A_634, %multiple_of3A_525] : memref<50x32x16384xf32, #tpu.memory_space<hbm>> -> memref<1x1x512xf32, #tpu.memory_space<hbm>>
      %dma_start3A_640 = tpu.memref_squeeze %dma_start3A_639 : memref<1x1x512xf32, #tpu.memory_space<hbm>> -> memref<512xf32, #tpu.memory_space<hbm>>
      %dma_start3A_641 = arith.constant 6240 : i32
      %dma_start3A_642 = tpu.memref_slice %arg10[%dma_start3A_641] : memref<16640xf32, #tpu.memory_space<vmem>> -> memref<512xf32, #tpu.memory_space<vmem>>
      tpu.enqueue_dma source(%dma_start3A_642 : memref<512xf32, #tpu.memory_space<vmem>>) target(%dma_start3A_640 : memref<512xf32, #tpu.memory_space<hbm>>) target_semaphore(%arg16 : memref<!tpu.dma_semaphore, #tpu.memory_space<semaphore_mem>>)
      %dma_start3A_643 = arith.constant 13 : i32
      %dma_start3A_644 = arith.constant 6760 : i32
      %dma_start3A_645 = tpu.memref_slice %arg10[%dma_start3A_644] : memref<16640xf32, #tpu.memory_space<vmem>> -> memref<512xf32, #tpu.memory_space<vmem>>
      %dma_start3A_646 = tpu.memref_slice %arg4[%select_n3A_506, %dma_start3A_643, %multiple_of3A_525] : memref<50x32x16384xf32, #tpu.memory_space<hbm>> -> memref<1x1x512xf32, #tpu.memory_space<hbm>>
      %dma_start3A_647 = tpu.memref_squeeze %dma_start3A_646 : memref<1x1x512xf32, #tpu.memory_space<hbm>> -> memref<512xf32, #tpu.memory_space<hbm>>
      %dma_start3A_648 = tpu.memref_slice %arg4[%select_n3A_506, %dma_start3A_643, %multiple_of3A_525] : memref<50x32x16384xf32, #tpu.memory_space<hbm>> -> memref<1x1x512xf32, #tpu.memory_space<hbm>>
      %dma_start3A_649 = tpu.memref_squeeze %dma_start3A_648 : memref<1x1x512xf32, #tpu.memory_space<hbm>> -> memref<512xf32, #tpu.memory_space<hbm>>
      %dma_start3A_650 = arith.constant 6760 : i32
      %dma_start3A_651 = tpu.memref_slice %arg10[%dma_start3A_650] : memref<16640xf32, #tpu.memory_space<vmem>> -> memref<512xf32, #tpu.memory_space<vmem>>
      tpu.enqueue_dma source(%dma_start3A_651 : memref<512xf32, #tpu.memory_space<vmem>>) target(%dma_start3A_649 : memref<512xf32, #tpu.memory_space<hbm>>) target_semaphore(%arg16 : memref<!tpu.dma_semaphore, #tpu.memory_space<semaphore_mem>>)
      %dma_start3A_652 = arith.constant 14 : i32
      %dma_start3A_653 = arith.constant 7280 : i32
      %dma_start3A_654 = tpu.memref_slice %arg10[%dma_start3A_653] : memref<16640xf32, #tpu.memory_space<vmem>> -> memref<512xf32, #tpu.memory_space<vmem>>
      %dma_start3A_655 = tpu.memref_slice %arg4[%select_n3A_506, %dma_start3A_652, %multiple_of3A_525] : memref<50x32x16384xf32, #tpu.memory_space<hbm>> -> memref<1x1x512xf32, #tpu.memory_space<hbm>>
      %dma_start3A_656 = tpu.memref_squeeze %dma_start3A_655 : memref<1x1x512xf32, #tpu.memory_space<hbm>> -> memref<512xf32, #tpu.memory_space<hbm>>
      %dma_start3A_657 = tpu.memref_slice %arg4[%select_n3A_506, %dma_start3A_652, %multiple_of3A_525] : memref<50x32x16384xf32, #tpu.memory_space<hbm>> -> memref<1x1x512xf32, #tpu.memory_space<hbm>>
      %dma_start3A_658 = tpu.memref_squeeze %dma_start3A_657 : memref<1x1x512xf32, #tpu.memory_space<hbm>> -> memref<512xf32, #tpu.memory_space<hbm>>
      %dma_start3A_659 = arith.constant 7280 : i32
      %dma_start3A_660 = tpu.memref_slice %arg10[%dma_start3A_659] : memref<16640xf32, #tpu.memory_space<vmem>> -> memref<512xf32, #tpu.memory_space<vmem>>
      tpu.enqueue_dma source(%dma_start3A_660 : memref<512xf32, #tpu.memory_space<vmem>>) target(%dma_start3A_658 : memref<512xf32, #tpu.memory_space<hbm>>) target_semaphore(%arg16 : memref<!tpu.dma_semaphore, #tpu.memory_space<semaphore_mem>>)
      %dma_start3A_661 = arith.constant 15 : i32
      %dma_start3A_662 = arith.constant 7800 : i32
      %dma_start3A_663 = tpu.memref_slice %arg10[%dma_start3A_662] : memref<16640xf32, #tpu.memory_space<vmem>> -> memref<512xf32, #tpu.memory_space<vmem>>
      %dma_start3A_664 = tpu.memref_slice %arg4[%select_n3A_506, %dma_start3A_661, %multiple_of3A_525] : memref<50x32x16384xf32, #tpu.memory_space<hbm>> -> memref<1x1x512xf32, #tpu.memory_space<hbm>>
      %dma_start3A_665 = tpu.memref_squeeze %dma_start3A_664 : memref<1x1x512xf32, #tpu.memory_space<hbm>> -> memref<512xf32, #tpu.memory_space<hbm>>
      %dma_start3A_666 = tpu.memref_slice %arg4[%select_n3A_506, %dma_start3A_661, %multiple_of3A_525] : memref<50x32x16384xf32, #tpu.memory_space<hbm>> -> memref<1x1x512xf32, #tpu.memory_space<hbm>>
      %dma_start3A_667 = tpu.memref_squeeze %dma_start3A_666 : memref<1x1x512xf32, #tpu.memory_space<hbm>> -> memref<512xf32, #tpu.memory_space<hbm>>
      %dma_start3A_668 = arith.constant 7800 : i32
      %dma_start3A_669 = tpu.memref_slice %arg10[%dma_start3A_668] : memref<16640xf32, #tpu.memory_space<vmem>> -> memref<512xf32, #tpu.memory_space<vmem>>
      tpu.enqueue_dma source(%dma_start3A_669 : memref<512xf32, #tpu.memory_space<vmem>>) target(%dma_start3A_667 : memref<512xf32, #tpu.memory_space<hbm>>) target_semaphore(%arg16 : memref<!tpu.dma_semaphore, #tpu.memory_space<semaphore_mem>>)
      %dma_start3A_670 = arith.constant 16 : i32
      %dma_start3A_671 = arith.constant 8320 : i32
      %dma_start3A_672 = tpu.memref_slice %arg10[%dma_start3A_671] : memref<16640xf32, #tpu.memory_space<vmem>> -> memref<512xf32, #tpu.memory_space<vmem>>
      %dma_start3A_673 = tpu.memref_slice %arg4[%select_n3A_506, %dma_start3A_670, %multiple_of3A_525] : memref<50x32x16384xf32, #tpu.memory_space<hbm>> -> memref<1x1x512xf32, #tpu.memory_space<hbm>>
      %dma_start3A_674 = tpu.memref_squeeze %dma_start3A_673 : memref<1x1x512xf32, #tpu.memory_space<hbm>> -> memref<512xf32, #tpu.memory_space<hbm>>
      %dma_start3A_675 = tpu.memref_slice %arg4[%select_n3A_506, %dma_start3A_670, %multiple_of3A_525] : memref<50x32x16384xf32, #tpu.memory_space<hbm>> -> memref<1x1x512xf32, #tpu.memory_space<hbm>>
      %dma_start3A_676 = tpu.memref_squeeze %dma_start3A_675 : memref<1x1x512xf32, #tpu.memory_space<hbm>> -> memref<512xf32, #tpu.memory_space<hbm>>
      %dma_start3A_677 = arith.constant 8320 : i32
      %dma_start3A_678 = tpu.memref_slice %arg10[%dma_start3A_677] : memref<16640xf32, #tpu.memory_space<vmem>> -> memref<512xf32, #tpu.memory_space<vmem>>
      tpu.enqueue_dma source(%dma_start3A_678 : memref<512xf32, #tpu.memory_space<vmem>>) target(%dma_start3A_676 : memref<512xf32, #tpu.memory_space<hbm>>) target_semaphore(%arg16 : memref<!tpu.dma_semaphore, #tpu.memory_space<semaphore_mem>>)
      %dma_start3A_679 = arith.constant 17 : i32
      %dma_start3A_680 = arith.constant 8840 : i32
      %dma_start3A_681 = tpu.memref_slice %arg10[%dma_start3A_680] : memref<16640xf32, #tpu.memory_space<vmem>> -> memref<512xf32, #tpu.memory_space<vmem>>
      %dma_start3A_682 = tpu.memref_slice %arg4[%select_n3A_506, %dma_start3A_679, %multiple_of3A_525] : memref<50x32x16384xf32, #tpu.memory_space<hbm>> -> memref<1x1x512xf32, #tpu.memory_space<hbm>>
      %dma_start3A_683 = tpu.memref_squeeze %dma_start3A_682 : memref<1x1x512xf32, #tpu.memory_space<hbm>> -> memref<512xf32, #tpu.memory_space<hbm>>
      %dma_start3A_684 = tpu.memref_slice %arg4[%select_n3A_506, %dma_start3A_679, %multiple_of3A_525] : memref<50x32x16384xf32, #tpu.memory_space<hbm>> -> memref<1x1x512xf32, #tpu.memory_space<hbm>>
      %dma_start3A_685 = tpu.memref_squeeze %dma_start3A_684 : memref<1x1x512xf32, #tpu.memory_space<hbm>> -> memref<512xf32, #tpu.memory_space<hbm>>
      %dma_start3A_686 = arith.constant 8840 : i32
      %dma_start3A_687 = tpu.memref_slice %arg10[%dma_start3A_686] : memref<16640xf32, #tpu.memory_space<vmem>> -> memref<512xf32, #tpu.memory_space<vmem>>
      tpu.enqueue_dma source(%dma_start3A_687 : memref<512xf32, #tpu.memory_space<vmem>>) target(%dma_start3A_685 : memref<512xf32, #tpu.memory_space<hbm>>) target_semaphore(%arg16 : memref<!tpu.dma_semaphore, #tpu.memory_space<semaphore_mem>>)
      %dma_start3A_688 = arith.constant 18 : i32
      %dma_start3A_689 = arith.constant 9360 : i32
      %dma_start3A_690 = tpu.memref_slice %arg10[%dma_start3A_689] : memref<16640xf32, #tpu.memory_space<vmem>> -> memref<512xf32, #tpu.memory_space<vmem>>
      %dma_start3A_691 = tpu.memref_slice %arg4[%select_n3A_506, %dma_start3A_688, %multiple_of3A_525] : memref<50x32x16384xf32, #tpu.memory_space<hbm>> -> memref<1x1x512xf32, #tpu.memory_space<hbm>>
      %dma_start3A_692 = tpu.memref_squeeze %dma_start3A_691 : memref<1x1x512xf32, #tpu.memory_space<hbm>> -> memref<512xf32, #tpu.memory_space<hbm>>
      %dma_start3A_693 = tpu.memref_slice %arg4[%select_n3A_506, %dma_start3A_688, %multiple_of3A_525] : memref<50x32x16384xf32, #tpu.memory_space<hbm>> -> memref<1x1x512xf32, #tpu.memory_space<hbm>>
      %dma_start3A_694 = tpu.memref_squeeze %dma_start3A_693 : memref<1x1x512xf32, #tpu.memory_space<hbm>> -> memref<512xf32, #tpu.memory_space<hbm>>
      %dma_start3A_695 = arith.constant 9360 : i32
      %dma_start3A_696 = tpu.memref_slice %arg10[%dma_start3A_695] : memref<16640xf32, #tpu.memory_space<vmem>> -> memref<512xf32, #tpu.memory_space<vmem>>
      tpu.enqueue_dma source(%dma_start3A_696 : memref<512xf32, #tpu.memory_space<vmem>>) target(%dma_start3A_694 : memref<512xf32, #tpu.memory_space<hbm>>) target_semaphore(%arg16 : memref<!tpu.dma_semaphore, #tpu.memory_space<semaphore_mem>>)
      %dma_start3A_697 = arith.constant 19 : i32
      %dma_start3A_698 = arith.constant 9880 : i32
      %dma_start3A_699 = tpu.memref_slice %arg10[%dma_start3A_698] : memref<16640xf32, #tpu.memory_space<vmem>> -> memref<512xf32, #tpu.memory_space<vmem>>
      %dma_start3A_700 = tpu.memref_slice %arg4[%select_n3A_506, %dma_start3A_697, %multiple_of3A_525] : memref<50x32x16384xf32, #tpu.memory_space<hbm>> -> memref<1x1x512xf32, #tpu.memory_space<hbm>>
      %dma_start3A_701 = tpu.memref_squeeze %dma_start3A_700 : memref<1x1x512xf32, #tpu.memory_space<hbm>> -> memref<512xf32, #tpu.memory_space<hbm>>
      %dma_start3A_702 = tpu.memref_slice %arg4[%select_n3A_506, %dma_start3A_697, %multiple_of3A_525] : memref<50x32x16384xf32, #tpu.memory_space<hbm>> -> memref<1x1x512xf32, #tpu.memory_space<hbm>>
      %dma_start3A_703 = tpu.memref_squeeze %dma_start3A_702 : memref<1x1x512xf32, #tpu.memory_space<hbm>> -> memref<512xf32, #tpu.memory_space<hbm>>
      %dma_start3A_704 = arith.constant 9880 : i32
      %dma_start3A_705 = tpu.memref_slice %arg10[%dma_start3A_704] : memref<16640xf32, #tpu.memory_space<vmem>> -> memref<512xf32, #tpu.memory_space<vmem>>
      tpu.enqueue_dma source(%dma_start3A_705 : memref<512xf32, #tpu.memory_space<vmem>>) target(%dma_start3A_703 : memref<512xf32, #tpu.memory_space<hbm>>) target_semaphore(%arg16 : memref<!tpu.dma_semaphore, #tpu.memory_space<semaphore_mem>>)
      %dma_start3A_706 = arith.constant 20 : i32
      %dma_start3A_707 = arith.constant 10400 : i32
      %dma_start3A_708 = tpu.memref_slice %arg10[%dma_start3A_707] : memref<16640xf32, #tpu.memory_space<vmem>> -> memref<512xf32, #tpu.memory_space<vmem>>
      %dma_start3A_709 = tpu.memref_slice %arg4[%select_n3A_506, %dma_start3A_706, %multiple_of3A_525] : memref<50x32x16384xf32, #tpu.memory_space<hbm>> -> memref<1x1x512xf32, #tpu.memory_space<hbm>>
      %dma_start3A_710 = tpu.memref_squeeze %dma_start3A_709 : memref<1x1x512xf32, #tpu.memory_space<hbm>> -> memref<512xf32, #tpu.memory_space<hbm>>
      %dma_start3A_711 = tpu.memref_slice %arg4[%select_n3A_506, %dma_start3A_706, %multiple_of3A_525] : memref<50x32x16384xf32, #tpu.memory_space<hbm>> -> memref<1x1x512xf32, #tpu.memory_space<hbm>>
      %dma_start3A_712 = tpu.memref_squeeze %dma_start3A_711 : memref<1x1x512xf32, #tpu.memory_space<hbm>> -> memref<512xf32, #tpu.memory_space<hbm>>
      %dma_start3A_713 = arith.constant 10400 : i32
      %dma_start3A_714 = tpu.memref_slice %arg10[%dma_start3A_713] : memref<16640xf32, #tpu.memory_space<vmem>> -> memref<512xf32, #tpu.memory_space<vmem>>
      tpu.enqueue_dma source(%dma_start3A_714 : memref<512xf32, #tpu.memory_space<vmem>>) target(%dma_start3A_712 : memref<512xf32, #tpu.memory_space<hbm>>) target_semaphore(%arg16 : memref<!tpu.dma_semaphore, #tpu.memory_space<semaphore_mem>>)
      %dma_start3A_715 = arith.constant 21 : i32
      %dma_start3A_716 = arith.constant 10920 : i32
      %dma_start3A_717 = tpu.memref_slice %arg10[%dma_start3A_716] : memref<16640xf32, #tpu.memory_space<vmem>> -> memref<512xf32, #tpu.memory_space<vmem>>
      %dma_start3A_718 = tpu.memref_slice %arg4[%select_n3A_506, %dma_start3A_715, %multiple_of3A_525] : memref<50x32x16384xf32, #tpu.memory_space<hbm>> -> memref<1x1x512xf32, #tpu.memory_space<hbm>>
      %dma_start3A_719 = tpu.memref_squeeze %dma_start3A_718 : memref<1x1x512xf32, #tpu.memory_space<hbm>> -> memref<512xf32, #tpu.memory_space<hbm>>
      %dma_start3A_720 = tpu.memref_slice %arg4[%select_n3A_506, %dma_start3A_715, %multiple_of3A_525] : memref<50x32x16384xf32, #tpu.memory_space<hbm>> -> memref<1x1x512xf32, #tpu.memory_space<hbm>>
      %dma_start3A_721 = tpu.memref_squeeze %dma_start3A_720 : memref<1x1x512xf32, #tpu.memory_space<hbm>> -> memref<512xf32, #tpu.memory_space<hbm>>
      %dma_start3A_722 = arith.constant 10920 : i32
      %dma_start3A_723 = tpu.memref_slice %arg10[%dma_start3A_722] : memref<16640xf32, #tpu.memory_space<vmem>> -> memref<512xf32, #tpu.memory_space<vmem>>
      tpu.enqueue_dma source(%dma_start3A_723 : memref<512xf32, #tpu.memory_space<vmem>>) target(%dma_start3A_721 : memref<512xf32, #tpu.memory_space<hbm>>) target_semaphore(%arg16 : memref<!tpu.dma_semaphore, #tpu.memory_space<semaphore_mem>>)
      %dma_start3A_724 = arith.constant 22 : i32
      %dma_start3A_725 = arith.constant 11440 : i32
      %dma_start3A_726 = tpu.memref_slice %arg10[%dma_start3A_725] : memref<16640xf32, #tpu.memory_space<vmem>> -> memref<512xf32, #tpu.memory_space<vmem>>
      %dma_start3A_727 = tpu.memref_slice %arg4[%select_n3A_506, %dma_start3A_724, %multiple_of3A_525] : memref<50x32x16384xf32, #tpu.memory_space<hbm>> -> memref<1x1x512xf32, #tpu.memory_space<hbm>>
      %dma_start3A_728 = tpu.memref_squeeze %dma_start3A_727 : memref<1x1x512xf32, #tpu.memory_space<hbm>> -> memref<512xf32, #tpu.memory_space<hbm>>
      %dma_start3A_729 = tpu.memref_slice %arg4[%select_n3A_506, %dma_start3A_724, %multiple_of3A_525] : memref<50x32x16384xf32, #tpu.memory_space<hbm>> -> memref<1x1x512xf32, #tpu.memory_space<hbm>>
      %dma_start3A_730 = tpu.memref_squeeze %dma_start3A_729 : memref<1x1x512xf32, #tpu.memory_space<hbm>> -> memref<512xf32, #tpu.memory_space<hbm>>
      %dma_start3A_731 = arith.constant 11440 : i32
      %dma_start3A_732 = tpu.memref_slice %arg10[%dma_start3A_731] : memref<16640xf32, #tpu.memory_space<vmem>> -> memref<512xf32, #tpu.memory_space<vmem>>
      tpu.enqueue_dma source(%dma_start3A_732 : memref<512xf32, #tpu.memory_space<vmem>>) target(%dma_start3A_730 : memref<512xf32, #tpu.memory_space<hbm>>) target_semaphore(%arg16 : memref<!tpu.dma_semaphore, #tpu.memory_space<semaphore_mem>>)
      %dma_start3A_733 = arith.constant 23 : i32
      %dma_start3A_734 = arith.constant 11960 : i32
      %dma_start3A_735 = tpu.memref_slice %arg10[%dma_start3A_734] : memref<16640xf32, #tpu.memory_space<vmem>> -> memref<512xf32, #tpu.memory_space<vmem>>
      %dma_start3A_736 = tpu.memref_slice %arg4[%select_n3A_506, %dma_start3A_733, %multiple_of3A_525] : memref<50x32x16384xf32, #tpu.memory_space<hbm>> -> memref<1x1x512xf32, #tpu.memory_space<hbm>>
      %dma_start3A_737 = tpu.memref_squeeze %dma_start3A_736 : memref<1x1x512xf32, #tpu.memory_space<hbm>> -> memref<512xf32, #tpu.memory_space<hbm>>
      %dma_start3A_738 = tpu.memref_slice %arg4[%select_n3A_506, %dma_start3A_733, %multiple_of3A_525] : memref<50x32x16384xf32, #tpu.memory_space<hbm>> -> memref<1x1x512xf32, #tpu.memory_space<hbm>>
      %dma_start3A_739 = tpu.memref_squeeze %dma_start3A_738 : memref<1x1x512xf32, #tpu.memory_space<hbm>> -> memref<512xf32, #tpu.memory_space<hbm>>
      %dma_start3A_740 = arith.constant 11960 : i32
      %dma_start3A_741 = tpu.memref_slice %arg10[%dma_start3A_740] : memref<16640xf32, #tpu.memory_space<vmem>> -> memref<512xf32, #tpu.memory_space<vmem>>
      tpu.enqueue_dma source(%dma_start3A_741 : memref<512xf32, #tpu.memory_space<vmem>>) target(%dma_start3A_739 : memref<512xf32, #tpu.memory_space<hbm>>) target_semaphore(%arg16 : memref<!tpu.dma_semaphore, #tpu.memory_space<semaphore_mem>>)
      %dma_start3A_742 = arith.constant 24 : i32
      %dma_start3A_743 = arith.constant 12480 : i32
      %dma_start3A_744 = tpu.memref_slice %arg10[%dma_start3A_743] : memref<16640xf32, #tpu.memory_space<vmem>> -> memref<512xf32, #tpu.memory_space<vmem>>
      %dma_start3A_745 = tpu.memref_slice %arg4[%select_n3A_506, %dma_start3A_742, %multiple_of3A_525] : memref<50x32x16384xf32, #tpu.memory_space<hbm>> -> memref<1x1x512xf32, #tpu.memory_space<hbm>>
      %dma_start3A_746 = tpu.memref_squeeze %dma_start3A_745 : memref<1x1x512xf32, #tpu.memory_space<hbm>> -> memref<512xf32, #tpu.memory_space<hbm>>
      %dma_start3A_747 = tpu.memref_slice %arg4[%select_n3A_506, %dma_start3A_742, %multiple_of3A_525] : memref<50x32x16384xf32, #tpu.memory_space<hbm>> -> memref<1x1x512xf32, #tpu.memory_space<hbm>>
      %dma_start3A_748 = tpu.memref_squeeze %dma_start3A_747 : memref<1x1x512xf32, #tpu.memory_space<hbm>> -> memref<512xf32, #tpu.memory_space<hbm>>
      %dma_start3A_749 = arith.constant 12480 : i32
      %dma_start3A_750 = tpu.memref_slice %arg10[%dma_start3A_749] : memref<16640xf32, #tpu.memory_space<vmem>> -> memref<512xf32, #tpu.memory_space<vmem>>
      tpu.enqueue_dma source(%dma_start3A_750 : memref<512xf32, #tpu.memory_space<vmem>>) target(%dma_start3A_748 : memref<512xf32, #tpu.memory_space<hbm>>) target_semaphore(%arg16 : memref<!tpu.dma_semaphore, #tpu.memory_space<semaphore_mem>>)
      %dma_start3A_751 = arith.constant 25 : i32
      %dma_start3A_752 = arith.constant 13000 : i32
      %dma_start3A_753 = tpu.memref_slice %arg10[%dma_start3A_752] : memref<16640xf32, #tpu.memory_space<vmem>> -> memref<512xf32, #tpu.memory_space<vmem>>
      %dma_start3A_754 = tpu.memref_slice %arg4[%select_n3A_506, %dma_start3A_751, %multiple_of3A_525] : memref<50x32x16384xf32, #tpu.memory_space<hbm>> -> memref<1x1x512xf32, #tpu.memory_space<hbm>>
      %dma_start3A_755 = tpu.memref_squeeze %dma_start3A_754 : memref<1x1x512xf32, #tpu.memory_space<hbm>> -> memref<512xf32, #tpu.memory_space<hbm>>
      %dma_start3A_756 = tpu.memref_slice %arg4[%select_n3A_506, %dma_start3A_751, %multiple_of3A_525] : memref<50x32x16384xf32, #tpu.memory_space<hbm>> -> memref<1x1x512xf32, #tpu.memory_space<hbm>>
      %dma_start3A_757 = tpu.memref_squeeze %dma_start3A_756 : memref<1x1x512xf32, #tpu.memory_space<hbm>> -> memref<512xf32, #tpu.memory_space<hbm>>
      %dma_start3A_758 = arith.constant 13000 : i32
      %dma_start3A_759 = tpu.memref_slice %arg10[%dma_start3A_758] : memref<16640xf32, #tpu.memory_space<vmem>> -> memref<512xf32, #tpu.memory_space<vmem>>
      tpu.enqueue_dma source(%dma_start3A_759 : memref<512xf32, #tpu.memory_space<vmem>>) target(%dma_start3A_757 : memref<512xf32, #tpu.memory_space<hbm>>) target_semaphore(%arg16 : memref<!tpu.dma_semaphore, #tpu.memory_space<semaphore_mem>>)
      %dma_start3A_760 = arith.constant 26 : i32
      %dma_start3A_761 = arith.constant 13520 : i32
      %dma_start3A_762 = tpu.memref_slice %arg10[%dma_start3A_761] : memref<16640xf32, #tpu.memory_space<vmem>> -> memref<512xf32, #tpu.memory_space<vmem>>
      %dma_start3A_763 = tpu.memref_slice %arg4[%select_n3A_506, %dma_start3A_760, %multiple_of3A_525] : memref<50x32x16384xf32, #tpu.memory_space<hbm>> -> memref<1x1x512xf32, #tpu.memory_space<hbm>>
      %dma_start3A_764 = tpu.memref_squeeze %dma_start3A_763 : memref<1x1x512xf32, #tpu.memory_space<hbm>> -> memref<512xf32, #tpu.memory_space<hbm>>
      %dma_start3A_765 = tpu.memref_slice %arg4[%select_n3A_506, %dma_start3A_760, %multiple_of3A_525] : memref<50x32x16384xf32, #tpu.memory_space<hbm>> -> memref<1x1x512xf32, #tpu.memory_space<hbm>>
      %dma_start3A_766 = tpu.memref_squeeze %dma_start3A_765 : memref<1x1x512xf32, #tpu.memory_space<hbm>> -> memref<512xf32, #tpu.memory_space<hbm>>
      %dma_start3A_767 = arith.constant 13520 : i32
      %dma_start3A_768 = tpu.memref_slice %arg10[%dma_start3A_767] : memref<16640xf32, #tpu.memory_space<vmem>> -> memref<512xf32, #tpu.memory_space<vmem>>
      tpu.enqueue_dma source(%dma_start3A_768 : memref<512xf32, #tpu.memory_space<vmem>>) target(%dma_start3A_766 : memref<512xf32, #tpu.memory_space<hbm>>) target_semaphore(%arg16 : memref<!tpu.dma_semaphore, #tpu.memory_space<semaphore_mem>>)
      %dma_start3A_769 = arith.constant 27 : i32
      %dma_start3A_770 = arith.constant 14040 : i32
      %dma_start3A_771 = tpu.memref_slice %arg10[%dma_start3A_770] : memref<16640xf32, #tpu.memory_space<vmem>> -> memref<512xf32, #tpu.memory_space<vmem>>
      %dma_start3A_772 = tpu.memref_slice %arg4[%select_n3A_506, %dma_start3A_769, %multiple_of3A_525] : memref<50x32x16384xf32, #tpu.memory_space<hbm>> -> memref<1x1x512xf32, #tpu.memory_space<hbm>>
      %dma_start3A_773 = tpu.memref_squeeze %dma_start3A_772 : memref<1x1x512xf32, #tpu.memory_space<hbm>> -> memref<512xf32, #tpu.memory_space<hbm>>
      %dma_start3A_774 = tpu.memref_slice %arg4[%select_n3A_506, %dma_start3A_769, %multiple_of3A_525] : memref<50x32x16384xf32, #tpu.memory_space<hbm>> -> memref<1x1x512xf32, #tpu.memory_space<hbm>>
      %dma_start3A_775 = tpu.memref_squeeze %dma_start3A_774 : memref<1x1x512xf32, #tpu.memory_space<hbm>> -> memref<512xf32, #tpu.memory_space<hbm>>
      %dma_start3A_776 = arith.constant 14040 : i32
      %dma_start3A_777 = tpu.memref_slice %arg10[%dma_start3A_776] : memref<16640xf32, #tpu.memory_space<vmem>> -> memref<512xf32, #tpu.memory_space<vmem>>
      tpu.enqueue_dma source(%dma_start3A_777 : memref<512xf32, #tpu.memory_space<vmem>>) target(%dma_start3A_775 : memref<512xf32, #tpu.memory_space<hbm>>) target_semaphore(%arg16 : memref<!tpu.dma_semaphore, #tpu.memory_space<semaphore_mem>>)
      %dma_start3A_778 = arith.constant 28 : i32
      %dma_start3A_779 = arith.constant 14560 : i32
      %dma_start3A_780 = tpu.memref_slice %arg10[%dma_start3A_779] : memref<16640xf32, #tpu.memory_space<vmem>> -> memref<512xf32, #tpu.memory_space<vmem>>
      %dma_start3A_781 = tpu.memref_slice %arg4[%select_n3A_506, %dma_start3A_778, %multiple_of3A_525] : memref<50x32x16384xf32, #tpu.memory_space<hbm>> -> memref<1x1x512xf32, #tpu.memory_space<hbm>>
      %dma_start3A_782 = tpu.memref_squeeze %dma_start3A_781 : memref<1x1x512xf32, #tpu.memory_space<hbm>> -> memref<512xf32, #tpu.memory_space<hbm>>
      %dma_start3A_783 = tpu.memref_slice %arg4[%select_n3A_506, %dma_start3A_778, %multiple_of3A_525] : memref<50x32x16384xf32, #tpu.memory_space<hbm>> -> memref<1x1x512xf32, #tpu.memory_space<hbm>>
      %dma_start3A_784 = tpu.memref_squeeze %dma_start3A_783 : memref<1x1x512xf32, #tpu.memory_space<hbm>> -> memref<512xf32, #tpu.memory_space<hbm>>
      %dma_start3A_785 = arith.constant 14560 : i32
      %dma_start3A_786 = tpu.memref_slice %arg10[%dma_start3A_785] : memref<16640xf32, #tpu.memory_space<vmem>> -> memref<512xf32, #tpu.memory_space<vmem>>
      tpu.enqueue_dma source(%dma_start3A_786 : memref<512xf32, #tpu.memory_space<vmem>>) target(%dma_start3A_784 : memref<512xf32, #tpu.memory_space<hbm>>) target_semaphore(%arg16 : memref<!tpu.dma_semaphore, #tpu.memory_space<semaphore_mem>>)
      %dma_start3A_787 = arith.constant 29 : i32
      %dma_start3A_788 = arith.constant 15080 : i32
      %dma_start3A_789 = tpu.memref_slice %arg10[%dma_start3A_788] : memref<16640xf32, #tpu.memory_space<vmem>> -> memref<512xf32, #tpu.memory_space<vmem>>
      %dma_start3A_790 = tpu.memref_slice %arg4[%select_n3A_506, %dma_start3A_787, %multiple_of3A_525] : memref<50x32x16384xf32, #tpu.memory_space<hbm>> -> memref<1x1x512xf32, #tpu.memory_space<hbm>>
      %dma_start3A_791 = tpu.memref_squeeze %dma_start3A_790 : memref<1x1x512xf32, #tpu.memory_space<hbm>> -> memref<512xf32, #tpu.memory_space<hbm>>
      %dma_start3A_792 = tpu.memref_slice %arg4[%select_n3A_506, %dma_start3A_787, %multiple_of3A_525] : memref<50x32x16384xf32, #tpu.memory_space<hbm>> -> memref<1x1x512xf32, #tpu.memory_space<hbm>>
      %dma_start3A_793 = tpu.memref_squeeze %dma_start3A_792 : memref<1x1x512xf32, #tpu.memory_space<hbm>> -> memref<512xf32, #tpu.memory_space<hbm>>
      %dma_start3A_794 = arith.constant 15080 : i32
      %dma_start3A_795 = tpu.memref_slice %arg10[%dma_start3A_794] : memref<16640xf32, #tpu.memory_space<vmem>> -> memref<512xf32, #tpu.memory_space<vmem>>
      tpu.enqueue_dma source(%dma_start3A_795 : memref<512xf32, #tpu.memory_space<vmem>>) target(%dma_start3A_793 : memref<512xf32, #tpu.memory_space<hbm>>) target_semaphore(%arg16 : memref<!tpu.dma_semaphore, #tpu.memory_space<semaphore_mem>>)
      %dma_start3A_796 = arith.constant 30 : i32
      %dma_start3A_797 = arith.constant 15600 : i32
      %dma_start3A_798 = tpu.memref_slice %arg10[%dma_start3A_797] : memref<16640xf32, #tpu.memory_space<vmem>> -> memref<512xf32, #tpu.memory_space<vmem>>
      %dma_start3A_799 = tpu.memref_slice %arg4[%select_n3A_506, %dma_start3A_796, %multiple_of3A_525] : memref<50x32x16384xf32, #tpu.memory_space<hbm>> -> memref<1x1x512xf32, #tpu.memory_space<hbm>>
      %dma_start3A_800 = tpu.memref_squeeze %dma_start3A_799 : memref<1x1x512xf32, #tpu.memory_space<hbm>> -> memref<512xf32, #tpu.memory_space<hbm>>
      %dma_start3A_801 = tpu.memref_slice %arg4[%select_n3A_506, %dma_start3A_796, %multiple_of3A_525] : memref<50x32x16384xf32, #tpu.memory_space<hbm>> -> memref<1x1x512xf32, #tpu.memory_space<hbm>>
      %dma_start3A_802 = tpu.memref_squeeze %dma_start3A_801 : memref<1x1x512xf32, #tpu.memory_space<hbm>> -> memref<512xf32, #tpu.memory_space<hbm>>
      %dma_start3A_803 = arith.constant 15600 : i32
      %dma_start3A_804 = tpu.memref_slice %arg10[%dma_start3A_803] : memref<16640xf32, #tpu.memory_space<vmem>> -> memref<512xf32, #tpu.memory_space<vmem>>
      tpu.enqueue_dma source(%dma_start3A_804 : memref<512xf32, #tpu.memory_space<vmem>>) target(%dma_start3A_802 : memref<512xf32, #tpu.memory_space<hbm>>) target_semaphore(%arg16 : memref<!tpu.dma_semaphore, #tpu.memory_space<semaphore_mem>>)
      %dma_start3A_805 = arith.constant 31 : i32
      %dma_start3A_806 = arith.constant 16120 : i32
      %dma_start3A_807 = tpu.memref_slice %arg10[%dma_start3A_806] : memref<16640xf32, #tpu.memory_space<vmem>> -> memref<512xf32, #tpu.memory_space<vmem>>
      %dma_start3A_808 = tpu.memref_slice %arg4[%select_n3A_506, %dma_start3A_805, %multiple_of3A_525] : memref<50x32x16384xf32, #tpu.memory_space<hbm>> -> memref<1x1x512xf32, #tpu.memory_space<hbm>>
      %dma_start3A_809 = tpu.memref_squeeze %dma_start3A_808 : memref<1x1x512xf32, #tpu.memory_space<hbm>> -> memref<512xf32, #tpu.memory_space<hbm>>
      %dma_start3A_810 = tpu.memref_slice %arg4[%select_n3A_506, %dma_start3A_805, %multiple_of3A_525] : memref<50x32x16384xf32, #tpu.memory_space<hbm>> -> memref<1x1x512xf32, #tpu.memory_space<hbm>>
      %dma_start3A_811 = tpu.memref_squeeze %dma_start3A_810 : memref<1x1x512xf32, #tpu.memory_space<hbm>> -> memref<512xf32, #tpu.memory_space<hbm>>
      %dma_start3A_812 = arith.constant 16120 : i32
      %dma_start3A_813 = tpu.memref_slice %arg10[%dma_start3A_812] : memref<16640xf32, #tpu.memory_space<vmem>> -> memref<512xf32, #tpu.memory_space<vmem>>
      tpu.enqueue_dma source(%dma_start3A_813 : memref<512xf32, #tpu.memory_space<vmem>>) target(%dma_start3A_811 : memref<512xf32, #tpu.memory_space<hbm>>) target_semaphore(%arg16 : memref<!tpu.dma_semaphore, #tpu.memory_space<semaphore_mem>>)
      "tpu.trace_stop"() : () -> ()
    }
    %scan3A_70 = arith.constant 25 : i32
    %dma_wait3A_71 = arith.constant 0 : i32
    %dma_wait3A_72 = arith.constant 0 : i32
    %dma_wait3A_73 = arith.constant 0 : i32
    %dma_wait3A_74 = tpu.memref_slice %arg9[%dma_wait3A_73] : memref<16640xf32, #tpu.memory_space<vmem>> -> memref<16384xf32, #tpu.memory_space<vmem>>
    %dma_wait3A_75 = arith.constant 0 : i32
    %dma_wait3A_76 = tpu.memref_slice %arg4[%dma_wait3A_71, %dma_wait3A_72, %dma_wait3A_75] : memref<50x32x16384xf32, #tpu.memory_space<hbm>> -> memref<1x1x16384xf32, #tpu.memory_space<hbm>>
    %dma_wait3A_77 = tpu.memref_squeeze %dma_wait3A_76 : memref<1x1x16384xf32, #tpu.memory_space<hbm>> -> memref<16384xf32, #tpu.memory_space<hbm>>
    %dma_wait3A_78 = arith.constant 0 : i32
    %dma_wait3A_79 = tpu.memref_slice %arg9[%dma_wait3A_78] : memref<16640xf32, #tpu.memory_space<vmem>> -> memref<16384xf32, #tpu.memory_space<vmem>>
    %dma_wait3A_80 = arith.constant 0 : i32
    %dma_wait3A_81 = tpu.memref_slice %arg4[%dma_wait3A_71, %dma_wait3A_72, %dma_wait3A_80] : memref<50x32x16384xf32, #tpu.memory_space<hbm>> -> memref<1x1x16384xf32, #tpu.memory_space<hbm>>
    %dma_wait3A_82 = tpu.memref_squeeze %dma_wait3A_81 : memref<1x1x16384xf32, #tpu.memory_space<hbm>> -> memref<16384xf32, #tpu.memory_space<hbm>>
    tpu.wait_dma2 semaphore(%arg15 : memref<!tpu.dma_semaphore, #tpu.memory_space<semaphore_mem>>) src(%dma_wait3A_82 : memref<16384xf32, #tpu.memory_space<hbm>>) dst(%dma_wait3A_79 : memref<16384xf32, #tpu.memory_space<vmem>>)
    %dma_wait3A_83 = arith.constant 0 : i32
    %dma_wait3A_84 = arith.constant 0 : i32
    %dma_wait3A_85 = arith.constant 0 : i32
    %dma_wait3A_86 = tpu.memref_slice %arg10[%dma_wait3A_85] : memref<16640xf32, #tpu.memory_space<vmem>> -> memref<16384xf32, #tpu.memory_space<vmem>>
    %dma_wait3A_87 = arith.constant 0 : i32
    %dma_wait3A_88 = tpu.memref_slice %arg4[%dma_wait3A_83, %dma_wait3A_84, %dma_wait3A_87] : memref<50x32x16384xf32, #tpu.memory_space<hbm>> -> memref<1x1x16384xf32, #tpu.memory_space<hbm>>
    %dma_wait3A_89 = tpu.memref_squeeze %dma_wait3A_88 : memref<1x1x16384xf32, #tpu.memory_space<hbm>> -> memref<16384xf32, #tpu.memory_space<hbm>>
    %dma_wait3A_90 = arith.constant 0 : i32
    %dma_wait3A_91 = tpu.memref_slice %arg10[%dma_wait3A_90] : memref<16640xf32, #tpu.memory_space<vmem>> -> memref<16384xf32, #tpu.memory_space<vmem>>
    %dma_wait3A_92 = arith.constant 0 : i32
    %dma_wait3A_93 = tpu.memref_slice %arg4[%dma_wait3A_83, %dma_wait3A_84, %dma_wait3A_92] : memref<50x32x16384xf32, #tpu.memory_space<hbm>> -> memref<1x1x16384xf32, #tpu.memory_space<hbm>>
    %dma_wait3A_94 = tpu.memref_squeeze %dma_wait3A_93 : memref<1x1x16384xf32, #tpu.memory_space<hbm>> -> memref<16384xf32, #tpu.memory_space<hbm>>
    tpu.wait_dma2 semaphore(%arg16 : memref<!tpu.dma_semaphore, #tpu.memory_space<semaphore_mem>>) src(%dma_wait3A_94 : memref<16384xf32, #tpu.memory_space<hbm>>) dst(%dma_wait3A_91 : memref<16384xf32, #tpu.memory_space<vmem>>)
    return
  }
}

module attributes {stable_mosaic.version = 14 : i64} {
  func.func @_combine_body(%arg0: i32, %arg1: memref<64x16384xf32, #tpu.memory_space<vmem>>, %arg2: memref<32x16384xf32, #tpu.memory_space<vmem>>, %arg3: memref<384x128xbf16, #tpu.memory_space<vmem>>, %arg4: memref<4096x128xf32, #tpu.memory_space<vmem>>) attributes {dimension_semantics = [#tpu.dimension_semantics<arbitrary>], iteration_bounds = array<i64: 62>, scalar_prefetch = 0 : i64, scratch_operands = 0 : i64, tpu.core_type = #tpu.core_type<tc>, window_params = [{transform_indices = @transform_0, window_bounds = array<i64: 64, 16384>}, {transform_indices = @transform_1, window_bounds = array<i64: 32, 16384>}, {pipeline_mode = #tpu.pipeline_mode<synchronous>, transform_indices = @transform_2, window_bounds = array<i64: 384, 128>}, {transform_indices = @transform_3, window_bounds = array<i64: 4096, 128>}]} {
    %get3A = arith.constant 0 : index
    %get3A_0 = arith.constant 0 : index
    %get3A_1 = vector.load %arg1[%get3A, %get3A_0] : memref<64x16384xf32, #tpu.memory_space<vmem>>, vector<64x16384xf32>
    %convert_element_type3A = arith.truncf %get3A_1 : vector<64x16384xf32> to vector<64x16384xbf16>
    %get3A_2 = arith.constant 0 : index
    %get3A_3 = arith.constant 0 : index
    %get3A_4 = vector.load %arg2[%get3A_2, %get3A_3] : memref<32x16384xf32, #tpu.memory_space<vmem>>, vector<32x16384xf32>
    %convert_element_type3A_5 = arith.truncf %get3A_4 : vector<32x16384xf32> to vector<32x16384xbf16>
    %lt3A = arith.constant 61 : i32
    %lt3A_6 = arith.cmpi slt, %arg0, %lt3A : i32
    %convert_element_type3A_7 = arith.extui %lt3A_6 : i1 to i32
    %cond3A = arith.constant 0 : i32
    %cond3A_8 = arith.cmpi ne, %convert_element_type3A_7, %cond3A : i32
    scf.if %cond3A_8 {
      %slice3A = vector.extract_strided_slice %convert_element_type3A {offsets = [0, 0], sizes = [64, 4096], strides = [1, 1]} : vector<64x16384xbf16> to vector<64x4096xbf16>
      %get3A_13 = arith.constant 0 : index
      %get3A_14 = arith.constant 0 : index
      %get3A_15 = vector.load %arg3[%get3A_13, %get3A_14] : memref<384x128xbf16, #tpu.memory_space<vmem>>, vector<64x128xbf16>
      %dot_general3A = arith.constant dense<0.000000e+00> : vector<4096x128xf32>
      %dot_general3A_16 = tpu.matmul %slice3A, %get3A_15, %dot_general3A {dimension_numbers = #tpu.dot_dimension_numbers<[0], [0], [1], [1], [0, 1, 1, 1], [], []>, transpose_lhs_hint = false} : vector<64x4096xbf16>, vector<64x128xbf16>, vector<4096x128xf32> -> vector<4096x128xf32>
      %slice3A_17 = vector.extract_strided_slice %convert_element_type3A_5 {offsets = [0, 0], sizes = [32, 4096], strides = [1, 1]} : vector<32x16384xbf16> to vector<32x4096xbf16>
      %get3A_18 = arith.constant 64 : index
      %get3A_19 = arith.constant 0 : index
      %get3A_20 = vector.load %arg3[%get3A_18, %get3A_19] : memref<384x128xbf16, #tpu.memory_space<vmem>>, vector<32x128xbf16>
      %dot_general3A_21 = arith.constant dense<0.000000e+00> : vector<4096x128xf32>
      %dot_general3A_22 = tpu.matmul %slice3A_17, %get3A_20, %dot_general3A_21 {dimension_numbers = #tpu.dot_dimension_numbers<[0], [0], [1], [1], [0, 1, 1, 1], [], []>, transpose_lhs_hint = false} : vector<32x4096xbf16>, vector<32x128xbf16>, vector<4096x128xf32> -> vector<4096x128xf32>
      %add3A = arith.addf %dot_general3A_16, %dot_general3A_22 : vector<4096x128xf32>
      %slice3A_23 = vector.extract_strided_slice %convert_element_type3A {offsets = [0, 4096], sizes = [64, 4096], strides = [1, 1]} : vector<64x16384xbf16> to vector<64x4096xbf16>
      %get3A_24 = arith.constant 96 : index
      %get3A_25 = arith.constant 0 : index
      %get3A_26 = vector.load %arg3[%get3A_24, %get3A_25] : memref<384x128xbf16, #tpu.memory_space<vmem>>, vector<64x128xbf16>
      %dot_general3A_27 = arith.constant dense<0.000000e+00> : vector<4096x128xf32>
      %dot_general3A_28 = tpu.matmul %slice3A_23, %get3A_26, %dot_general3A_27 {dimension_numbers = #tpu.dot_dimension_numbers<[0], [0], [1], [1], [0, 1, 1, 1], [], []>, transpose_lhs_hint = false} : vector<64x4096xbf16>, vector<64x128xbf16>, vector<4096x128xf32> -> vector<4096x128xf32>
      %slice3A_29 = vector.extract_strided_slice %convert_element_type3A_5 {offsets = [0, 4096], sizes = [32, 4096], strides = [1, 1]} : vector<32x16384xbf16> to vector<32x4096xbf16>
      %get3A_30 = arith.constant 160 : index
      %get3A_31 = arith.constant 0 : index
      %get3A_32 = vector.load %arg3[%get3A_30, %get3A_31] : memref<384x128xbf16, #tpu.memory_space<vmem>>, vector<32x128xbf16>
      %dot_general3A_33 = arith.constant dense<0.000000e+00> : vector<4096x128xf32>
      %dot_general3A_34 = tpu.matmul %slice3A_29, %get3A_32, %dot_general3A_33 {dimension_numbers = #tpu.dot_dimension_numbers<[0], [0], [1], [1], [0, 1, 1, 1], [], []>, transpose_lhs_hint = false} : vector<32x4096xbf16>, vector<32x128xbf16>, vector<4096x128xf32> -> vector<4096x128xf32>
      %add3A_35 = arith.addf %dot_general3A_28, %dot_general3A_34 : vector<4096x128xf32>
      %add3A_36 = arith.addf %add3A, %add3A_35 : vector<4096x128xf32>
      %slice3A_37 = vector.extract_strided_slice %convert_element_type3A {offsets = [0, 8192], sizes = [64, 4096], strides = [1, 1]} : vector<64x16384xbf16> to vector<64x4096xbf16>
      %get3A_38 = arith.constant 192 : index
      %get3A_39 = arith.constant 0 : index
      %get3A_40 = vector.load %arg3[%get3A_38, %get3A_39] : memref<384x128xbf16, #tpu.memory_space<vmem>>, vector<64x128xbf16>
      %dot_general3A_41 = arith.constant dense<0.000000e+00> : vector<4096x128xf32>
      %dot_general3A_42 = tpu.matmul %slice3A_37, %get3A_40, %dot_general3A_41 {dimension_numbers = #tpu.dot_dimension_numbers<[0], [0], [1], [1], [0, 1, 1, 1], [], []>, transpose_lhs_hint = false} : vector<64x4096xbf16>, vector<64x128xbf16>, vector<4096x128xf32> -> vector<4096x128xf32>
      %slice3A_43 = vector.extract_strided_slice %convert_element_type3A_5 {offsets = [0, 8192], sizes = [32, 4096], strides = [1, 1]} : vector<32x16384xbf16> to vector<32x4096xbf16>
      %get3A_44 = arith.constant 256 : index
      %get3A_45 = arith.constant 0 : index
      %get3A_46 = vector.load %arg3[%get3A_44, %get3A_45] : memref<384x128xbf16, #tpu.memory_space<vmem>>, vector<32x128xbf16>
      %dot_general3A_47 = arith.constant dense<0.000000e+00> : vector<4096x128xf32>
      %dot_general3A_48 = tpu.matmul %slice3A_43, %get3A_46, %dot_general3A_47 {dimension_numbers = #tpu.dot_dimension_numbers<[0], [0], [1], [1], [0, 1, 1, 1], [], []>, transpose_lhs_hint = false} : vector<32x4096xbf16>, vector<32x128xbf16>, vector<4096x128xf32> -> vector<4096x128xf32>
      %add3A_49 = arith.addf %dot_general3A_42, %dot_general3A_48 : vector<4096x128xf32>
      %add3A_50 = arith.addf %add3A_36, %add3A_49 : vector<4096x128xf32>
      %slice3A_51 = vector.extract_strided_slice %convert_element_type3A {offsets = [0, 12288], sizes = [64, 4096], strides = [1, 1]} : vector<64x16384xbf16> to vector<64x4096xbf16>
      %get3A_52 = arith.constant 288 : index
      %get3A_53 = arith.constant 0 : index
      %get3A_54 = vector.load %arg3[%get3A_52, %get3A_53] : memref<384x128xbf16, #tpu.memory_space<vmem>>, vector<64x128xbf16>
      %dot_general3A_55 = arith.constant dense<0.000000e+00> : vector<4096x128xf32>
      %dot_general3A_56 = tpu.matmul %slice3A_51, %get3A_54, %dot_general3A_55 {dimension_numbers = #tpu.dot_dimension_numbers<[0], [0], [1], [1], [0, 1, 1, 1], [], []>, transpose_lhs_hint = false} : vector<64x4096xbf16>, vector<64x128xbf16>, vector<4096x128xf32> -> vector<4096x128xf32>
      %slice3A_57 = vector.extract_strided_slice %convert_element_type3A_5 {offsets = [0, 12288], sizes = [32, 4096], strides = [1, 1]} : vector<32x16384xbf16> to vector<32x4096xbf16>
      %get3A_58 = arith.constant 352 : index
      %get3A_59 = arith.constant 0 : index
      %get3A_60 = vector.load %arg3[%get3A_58, %get3A_59] : memref<384x128xbf16, #tpu.memory_space<vmem>>, vector<32x128xbf16>
      %dot_general3A_61 = arith.constant dense<0.000000e+00> : vector<4096x128xf32>
      %dot_general3A_62 = tpu.matmul %slice3A_57, %get3A_60, %dot_general3A_61 {dimension_numbers = #tpu.dot_dimension_numbers<[0], [0], [1], [1], [0, 1, 1, 1], [], []>, transpose_lhs_hint = false} : vector<32x4096xbf16>, vector<32x128xbf16>, vector<4096x128xf32> -> vector<4096x128xf32>
      %add3A_63 = arith.addf %dot_general3A_56, %dot_general3A_62 : vector<4096x128xf32>
      %add3A_64 = arith.addf %add3A_50, %add3A_63 : vector<4096x128xf32>
      %swap3A = arith.constant 0 : index
      %swap3A_65 = arith.constant 0 : index
      %swap3A_66 = vector.load %arg4[%swap3A, %swap3A_65] : memref<4096x128xf32, #tpu.memory_space<vmem>>, vector<4096x128xf32>
      tpu.vector_store %arg4[%swap3A, %swap3A_65], %add3A_64 {strides = array<i32>} : memref<4096x128xf32, #tpu.memory_space<vmem>>, vector<4096x128xf32>,
    } else {
    }
    %eq3A = arith.constant 61 : i32
    %eq3A_9 = arith.cmpi eq, %arg0, %eq3A : i32
    %convert_element_type3A_10 = arith.extui %eq3A_9 : i1 to i32
    %cond3A_11 = arith.constant 0 : i32
    %cond3A_12 = arith.cmpi ne, %convert_element_type3A_10, %cond3A_11 : i32
    scf.if %cond3A_12 {
      %slice3A = vector.extract_strided_slice %convert_element_type3A {offsets = [0, 0], sizes = [64, 4096], strides = [1, 1]} : vector<64x16384xbf16> to vector<64x4096xbf16>
      %get3A_13 = arith.constant 0 : index
      %get3A_14 = arith.constant 0 : index
      %get3A_15 = vector.load %arg3[%get3A_13, %get3A_14] : memref<384x128xbf16, #tpu.memory_space<vmem>>, vector<64x128xbf16>
      %dot_general3A = arith.constant dense<0.000000e+00> : vector<4096x128xf32>
      %dot_general3A_16 = tpu.matmul %slice3A, %get3A_15, %dot_general3A {dimension_numbers = #tpu.dot_dimension_numbers<[0], [0], [1], [1], [0, 1, 1, 1], [], []>, transpose_lhs_hint = false} : vector<64x4096xbf16>, vector<64x128xbf16>, vector<4096x128xf32> -> vector<4096x128xf32>
      %slice3A_17 = vector.extract_strided_slice %convert_element_type3A_5 {offsets = [0, 0], sizes = [32, 4096], strides = [1, 1]} : vector<32x16384xbf16> to vector<32x4096xbf16>
      %get3A_18 = arith.constant 64 : index
      %get3A_19 = arith.constant 0 : index
      %get3A_20 = vector.load %arg3[%get3A_18, %get3A_19] : memref<384x128xbf16, #tpu.memory_space<vmem>>, vector<32x128xbf16>
      %dot_general3A_21 = arith.constant dense<0.000000e+00> : vector<4096x128xf32>
      %dot_general3A_22 = tpu.matmul %slice3A_17, %get3A_20, %dot_general3A_21 {dimension_numbers = #tpu.dot_dimension_numbers<[0], [0], [1], [1], [0, 1, 1, 1], [], []>, transpose_lhs_hint = false} : vector<32x4096xbf16>, vector<32x128xbf16>, vector<4096x128xf32> -> vector<4096x128xf32>
      %add3A = arith.addf %dot_general3A_16, %dot_general3A_22 : vector<4096x128xf32>
      %iota3A = tpu.iota {dimensions = array<i32: 1>} : vector<4096x128xi32>
      %mul3A = arith.constant 4 : i32
      %mul3A_23 = arith.muli %arg0, %mul3A : i32
      %mul3A_24 = arith.constant 4096 : i32
      %mul3A_25 = arith.muli %mul3A_23, %mul3A_24 : i32
      %iota3A_26 = tpu.iota {dimensions = array<i32: 0>} : vector<4096x128xi32>
      %add3A_27 = vector.broadcast %mul3A_25 : i32 to vector<4096x128xi32>
      %add3A_28 = arith.addi %add3A_27, %iota3A_26 : vector<4096x128xi32>
      %lt3A_29 = arith.constant 32 : i32
      %lt3A_30 = vector.broadcast %lt3A_29 : i32 to vector<4096x128xi32>
      %lt3A_31 = arith.cmpi slt, %iota3A, %lt3A_30 : vector<4096x128xi32>
      %le3A = arith.constant 999997 : i32
      %le3A_32 = vector.broadcast %le3A : i32 to vector<4096x128xi32>
      %le3A_33 = arith.cmpi sle, %add3A_28, %le3A_32 : vector<4096x128xi32>
      %and3A = arith.andi %lt3A_31, %le3A_33 : vector<4096x128xi1>
      %jit3A = arith.constant 0.000000e+00 : f32
      %broadcast_in_dim3A = vector.broadcast %jit3A : f32 to vector<4096x128xf32>
      %select_n3A = arith.select %and3A, %add3A, %broadcast_in_dim3A : vector<4096x128xi1>, vector<4096x128xf32>
      %swap3A = arith.constant 0 : index
      %swap3A_34 = arith.constant 0 : index
      %swap3A_35 = vector.load %arg4[%swap3A, %swap3A_34] : memref<4096x128xf32, #tpu.memory_space<vmem>>, vector<4096x128xf32>
      tpu.vector_store %arg4[%swap3A, %swap3A_34], %select_n3A {strides = array<i32>} : memref<4096x128xf32, #tpu.memory_space<vmem>>, vector<4096x128xf32>,
    } else {
    }
    return
  }
  func.func @transform_0(%arg0: i32) -> (i32, i32) {
    %c0_i32 = arith.constant 0 : i32
    %c0_i32_0 = arith.constant 0 : i32
    return %c0_i32, %arg0 : i32, i32
  }
  func.func @transform_1(%arg0: i32) -> (i32, i32) {
    %c0_i32 = arith.constant 0 : i32
    %c0_i32_0 = arith.constant 0 : i32
    return %c0_i32, %arg0 : i32, i32
  }
  func.func @transform_2(%arg0: i32) -> (i32, i32) {
    %c0_i32 = arith.constant 0 : i32
    %c0_i32_0 = arith.constant 0 : i32
    %c0_i32_1 = arith.constant 0 : i32
    return %c0_i32, %c0_i32_0 : i32, i32
  }
  func.func @transform_3(%arg0: i32) -> (i32, i32) {
    %c0_i32 = arith.constant 0 : i32
    %c0_i32_0 = arith.constant 0 : i32
    return %arg0, %c0_i32 : i32, i32
  }
}

</mosaic_0001>

<sc_bundles>
// kernel: kernel.4.cloned.1.call-start
scs
__scs_entry_jumppad:
0x0: {  	(pc) =	sbr.rel $0x88, $3  }
0x1: {  	(tag) =	ssettag $0x0;
	lr =	simm.s32 $0x1  }
0x2: {  	[smem:$0x3F9D] =	sst lr;
	_ =	strace $0xD0000000  }
0x3: {  	_ = 	snop  }
0x4: {  	_ = 	snop  }
0x5: {  	_ = 	snop  }
0x6: {  	_ = 	snop  }
0x7: {  	_ = 	snop  }
__scs_overlays_trampoline_lowered:
0x8: {  	[smem:$0x3FAC] =	sst s0  }
0x9: {  	[smem:$0x3FAD] =	sst s1  }
0xa: {  	[smem:$0x3FAE] =	sst s2  }
0xb: {  	[smem:$0x3FAF] =	sst s3  }
0xc: {  	[smem:$0x3FB0] =	sst s4  }
0xd: {  	[smem:$0x3FB1] =	sst s5  }
0xe: {  	[smem:$0x3FB2] =	sst s6  }
0xf: {  	[smem:$0x3FB3] =	sst s7  }
0x10: {  	[smem:$0x3FB4] =	sst s8  }
0x11: {  	[smem:$0x3FB5] =	sst s9;
	s0 =	simm.s32 @!p0 $0x0  }
0x12: {  	s1 =	sld [smem:$0x3F9B];
	s0 =	simm.s32 @p0 $0x1  }
0x13: {  	[smem:$0x3FB6] =	sst s0;
	s0 =	simm.s32 @!p1 $0x0  }
0x14: {  	s2 =	sld [smem:$0x3F9A];
	s0 =	simm.s32 @p1 $0x1  }
0x15: {  	[smem:$0x3FB7] =	sst s0;
	s0 =	simm.s32 @!p2 $0x0  }
0x16: {  	s3 =	sld [smem:$0x3FDB];
	s0 =	simm.s32 @p2 $0x1  }
0x17: {  	s4 =	simm.s32 $0x1BF5;
	[smem:$0x3FB9] =	sst s0  }
0x18: {  	s0 =	sld [smem:$0x3F9C];
	_ =	swait.ge [sflag:s4], $0x0  }
0x19: {  	s7 =	sld [smem:$0x3F9D]  }
0x1a: {  	s8 =	sadd.s32 $0xFFFFE003, lr  }
0x1b: {  	s9 =	sadd.s32 $0xFFFFFEF7, lr;
	s5 =	simm.s32 $0xFFFFFFFF;
	p2 =	slt.u32 s8, $0xFFFFF086  }
0x1c: {  	p1 =	slt.u32 s9, $0xF7A;
	s5 =	simm.s32 @!p2 $0x0  }
0x1d: {  	s5 =	simm.s32 @p1 $0x1;
	p0 =	seq.s32 s7, s2  }
0x1e: {  	s7 =	smul.u32 @!p0 $0xF7A, s2;
	p2 =	seq.s32 @!p0 s5, $0x0  }
0x1f: {  	s9 =	smul.u32 $0xF7A, s1;
	s8 =	simm.s32 @!p0 $0x1BF5;
	p2 =	por !p2, p0  }
0x20: {  	[sflag:s8] =	ssyncset.s32 @!p0 $0xFFFFF086;
	s6 =	sadd.s32 @!p0 s3, s7;
	s7 =	simm.s32 @!p0 $0x108  }
0x21: {  	s3 =	sadd.s32 s3, s9;
	s6 =	sadd.s32 @!p0 $0x88, s6;
	s7 =	simm.s32 @p2 $0x1082  }
0x22: {  	[simem:s7], [sflag:s8] =	dma.local @!p0 [hbm:s6], $0xF7A  }
0x23: {  	s9 =	sor.u32 $0xD0000000, s2;
	s6 =	simm.s32 $0x108;
	_ =	swait.ge @!p0 [sflag:s8], $0x0  }
0x24: {  	s3 =	sadd.s32 $0x88, s3;
	s6 =	simm.s32 @!p1 $0x1082;
	[sflag:s4] =	ssyncset.s32 $0xFFFFF086  }
0x25: {  	[simem:s6], [sflag:s4] =	dma.local [hbm:s3], $0xF7A  }
0x26: {  	[smem:$0x3F9D] =	sst s1;
	(tag) =	ssettag s2;
	_ =	strace s9  }
0x27: {  	s1 =	sld [smem:$0x3FAD]  }
0x28: {  	s2 =	sld [smem:$0x3FAE]  }
0x29: {  	s4 =	sld [smem:$0x3FB0]  }
0x2a: {  	p0 =	seq.s32 s5, $0x0;
	s5 =	sld [smem:$0x3FB1]  }
0x2b: {  	s6 =	sld [smem:$0x3FB2]  }
0x2c: {  	s7 =	sld [smem:$0x3FB3]  }
0x2d: {  	s3 =	simm.s32 $0x108;
	s8 =	sld [smem:$0x3FB4]  }
0x2e: {  	s3 =	simm.s32 @!p0 $0x1082;
	s9 =	sld [smem:$0x3FB5]  }
0x2f: {  	lr =	sadd.s32 s0, s3;
	s0 =	sld [smem:$0x3FAC]  }
0x30: {  	s3 =	sld [smem:$0x3FAF]  }
0x31: {  	[smem:$0x3FB8] =	sst s10  }
0x32: {  	s10 =	sld [smem:$0x3FB6];
	_ =	sdelay $0x3  }
0x33: {  	p0 =	seq.s32 s10, $0x1;
	s10 =	sld [smem:$0x3FB8];
	_ =	sdelay $0x3  }
0x34: {  	[smem:$0x3FB8] =	sst s10  }
0x35: {  	s10 =	sld [smem:$0x3FB7];
	_ =	sdelay $0x3  }
0x36: {  	p1 =	seq.s32 s10, $0x1;
	s10 =	sld [smem:$0x3FB8];
	_ =	sdelay $0x3  }
0x37: {  	[smem:$0x3FB8] =	sst s10  }
0x38: {  	s10 =	sld [smem:$0x3FB9]  }
0x39: {  	_ = 	snop;
	(pc) =	sbr.ind lr, $3  }
0x3a: {  	_ = 	snop  }
0x3b: {  	_ = 	snop  }
0x3c: {  	p2 =	seq.s32 s10, $0x1;
	s10 =	sld [smem:$0x3FB8]  }
0x3d: {  	_ =	shalt  }
0x3e: {  	_ =	shalt  }
0x3f: {  	_ =	shalt  }
0x40: {  	_ =	shalt  }
0x41: {  	_ =	shalt  }
0x42: {  	_ =	shalt  }
0x43: {  	_ =	shalt  }
0x44: {  	_ =	shalt  }
0x45: {  	_ =	shalt  }
0x46: {  	_ =	shalt  }
0x47: {  	_ =	shalt  }
0x48: {  	_ =	shalt  }
0x49: {  	_ =	shalt  }
0x4a: {  	_ =	shalt  }
0x4b: {  	_ =	shalt  }
0x4c: {  	_ =	shalt  }
0x4d: {  	_ =	shalt  }
0x4e: {  	_ =	shalt  }
0x4f: {  	_ =	shalt  }
0x50: {  	_ =	shalt  }
0x51: {  	_ =	shalt  }
0x52: {  	_ =	shalt  }
0x53: {  	_ =	shalt  }
0x54: {  	_ =	shalt  }
0x55: {  	_ =	shalt  }
0x56: {  	_ =	shalt  }
0x57: {  	_ =	shalt  }
0x58: {  	_ =	shalt  }
0x59: {  	_ =	shalt  }
0x5a: {  	_ =	shalt  }
0x5b: {  	_ =	shalt  }
0x5c: {  	_ =	shalt  }
0x5d: {  	_ =	shalt  }
0x5e: {  	_ =	shalt  }
0x5f: {  	_ =	shalt  }
0x60: {  	_ =	shalt  }
0x61: {  	_ =	shalt  }
0x62: {  	_ =	shalt  }
0x63: {  	_ =	shalt  }
0x64: {  	_ =	shalt  }
0x65: {  	_ =	shalt  }
0x66: {  	_ =	shalt  }
0x67: {  	_ =	shalt  }
0x68: {  	_ =	shalt  }
0x69: {  	_ =	shalt  }
0x6a: {  	_ =	shalt  }
0x6b: {  	_ =	shalt  }
0x6c: {  	_ =	shalt  }
0x6d: {  	_ =	shalt  }
0x6e: {  	_ =	shalt  }
0x6f: {  	_ =	shalt  }
0x70: {  	_ =	shalt  }
0x71: {  	_ =	shalt  }
0x72: {  	_ =	shalt  }
0x73: {  	_ =	shalt  }
0x74: {  	_ =	shalt  }
0x75: {  	_ =	shalt  }
0x76: {  	_ =	shalt  }
0x77: {  	_ =	shalt  }
0x78: {  	_ =	shalt  }
0x79: {  	_ =	shalt  }
0x7a: {  	_ =	shalt  }
0x7b: {  	_ =	shalt  }
0x7c: {  	_ =	shalt  }
0x7d: {  	_ =	shalt  }
0x7e: {  	_ =	shalt  }
0x7f: {  	_ =	shalt  }
0x80: {  	_ =	shalt  }
0x81: {  	_ =	shalt  }
0x82: {  	_ =	shalt  }
0x83: {  	_ =	shalt  }
0x84: {  	_ =	shalt  }
0x85: {  	_ =	shalt  }
0x86: {  	_ =	shalt  }
0x87: {  	_ =	shalt  }
.Lfunc_end0:
.L_simem_size_0:
called_computation_lowered:
.L_overlay_start_0:
0x88: {  	s2 =	sld [smem:$0x3FD9]  }
0x89: {  	s3 =	sld [smem:$0x3FFE];
	_ =	sdelay $0x1  }
0x8a: {  	s1 =	srdreg.scid  }
0x8b: {  	s0 =	sand.u32 $0x1, s1  }
0x8c: {  	s17 =	sshll.u32 s0, $0xA;
	s2 =	sadd.s32 s3, s2  }
0x8d: {  	s2 =	sadd.s32 s2, s17  }
0x8e: {  	[smem:$0x3FC4] =	sst s2  }
0x8f: {  	_ = 	snop  }
0x90: {  	s2 =	sld [smem:$0x3FD0];
	(tm) =	ssettm $0x1  }
0x91: {  	s18 =	sld [smem:$0x3FFB];
	_ =	sdelay $0x3  }
0x92: {  	_ =	strace s18  }
0x93: {  	s3 =	sld [smem:$0x3FFC];
	_ =	sdelay $0x3  }
0x94: {  	_ =	strace s3  }
0x95: {  	s3 =	sld [smem:$0x3FFD];
	_ =	sdelay $0x3  }
0x96: {  	_ =	strace s3  }
0x97: {  	_ =	strace $0x8FFFFFFF  }
0x98: {  	s19 =	sld [smem:$0x3FDB];
	_ =	sdelay $0x1  }
0x99: {  	s4 =	simm.s32 $_scs_section_size  }
0x9a: {  	s5 =	simm.s32 $_size__tile_overlayer_lowered;
	s6 =	simm.s32 $_tile_overlayer_lowered  }
0x9b: {  	s22 =	simm.s32 $0x1BFF;
	s21 =	sshll.u32 s6, $0x1;
	s3 =	sadd.s32 s4, s19  }
0x9c: {  	s7 =	simm.s32 $0x0;
	s20 =	sshll.u32 s5, $0x1;
	s5 =	sadd.s32 s21, s3  }
0x9d: {  	[timem:s7], [sflag:s22] =	dma.local [hbm:s5], s20  }
0x9e: {  	_ =	swait.ge [sflag:s22], s20  }
0x9f: {  	s4 =	ssub.s32 $0x0, s20;
	[sflag:s22] =	ssyncset.done $0x0  }
0xa0: {  	[sflag:s22] =	ssyncadd.s32 s4;
	_ =	sdelay $0x1  }
0xa1: {  	s23 =	simm.s32 $0x1B8B  }
0xa2: {  	_ =	swait.ge [sflag:s23], $0x1  }
0xa3: {  	[sflag:s23] =	ssyncset.done $0x0  }
0xa4: {  	s25 =	simm.s32 $0x1B8E;
	s24 =	sld [smem:$0x3FFE];
	[sflag:s23] =	ssyncadd.s32 $0xFFFFFFFF  }
0xa5: {  	s26 =	simm.s32 $execute0_lowered;
	[smem:$0x3FD2] =	sst s25  }
0xa6: {  	s5 =	sshll.u32 s26, $0x1;
	_ =	strace $0x80000046;
	[dreg:$0x1] =	wrdreg $0xFFFFFFFF  }
0xa7: {  	s28 =	simm.s32 $_size_execute0_lowered;
	s3 =	sadd.s32 s3, s5;
	[dreg:$0x0] =	wrdreg $0x0  }
0xa8: {  	s5 =	sshll.u32 s28, $0x1;
	[dreg:$0x2] =	wrdreg s3  }
0xa9: {  	[dreg:$0x3] =	wrdreg s5  }
0xaa: {  	[dreg:$0x4] =	wrdreg $0xC0  }
0xab: {  	_ =	task [dreg:s7], $0x5FFFF  }
0xac: {  	[dreg:$0x1] =	wrdreg $0xFFFFFFFF  }
0xad: {  	[dreg:$0x0] =	wrdreg $0x60  }
0xae: {  	[dreg:$0x2] =	wrdreg s24  }
0xaf: {  	[dreg:$0x3] =	wrdreg s2  }
0xb0: {  	[dreg:$0x4] =	wrdreg $0x9  }
0xb1: {  	_ =	task.clear_ibuf [dreg:s7], $0x5FFFF;
	_ =	strace $0x90000046  }
0xb2: {  	s29 =	simm.s32 $0x9;
	_ =	strace $0x80000050  }
0xb3: {  	_ =	swait.ge [sflag:s29], $0x1  }
0xb4: {  	[sflag:s29] =	ssyncadd.s32 $0xFFFFFFFF  }
0xb5: {  	_ =	strace $0x90000050  }
0xb6: {  	_ =	sfence  }
0xb7: {  	s30 =	sld [smem:$0x0];
	_ =	sdelay $0x2  }
0xb8: {  	s31 =	sshll.u32 s1, $0xD;
	s1 =	sshrl.u32 s1, $0x2  }
0xb9: {  	s3 =	sand.u32 $0x4000, s31;
	s1 =	sadd.s32 s1, s30  }
0xba: {  	s0 =	sor.u32 s3, s0;
	s1 =	sshll.u32 s1, $0x11  }
0xbb: {  	s0 =	sor.u32 s1, s0  }
0xbc: {  	s0 =	sadd.s32 $0x8F2B, s0  }
0xbd: {  	[sflag:s0] =	ssyncadd.remote.s32 $0x1  }
0xbe: {  	_ =	sfence.sel $0xFFFF  }
0xbf: {  	[dreg:$0x0] =	wrdreg $0xFFFFFFFF;
	(pc) =	sbr.abs _section_cstart, $3  }
0xc0: {  	[dreg:$0x1] =	wrdreg $0xFFFFFFFF  }
0xc1: {  	_ =	task.clear_ibuf [dreg:s7], $0x2FFFF;
	_ =	strace $0x9FFFFFFF  }
0xc2: {  	(tm) =	ssettm $0x7FFFFFFF  }
0xc3: {  	_ =	shalt  }
tec
execute0_lowered:
.L_overlay_start_1:
0x0: {  	(tag) =	ssettag $0x1  }
0x1: {  	s8 =	rddreg [dreg:$0x0]  }
0x2: {  	s11 =	rddreg [dreg:$0x1];
	s3 =	simm.s32 $0x0;
	s0 =	srdreg.scid  }
0x3: {  	s1 =	stileid.u32;
	[smem:$0x7FF] =	sst s3  }
0x4: {  	s0 =	sand.u32 $0x1, s0;
	s1 =	sshll.u32 s1, $0x1;
	s2 =	sadd.s32 $0x3E0400, s8  }
0x5: {  	s24 =	sadd.s32 $0x3E0C00, s8;
	_ =	strace $0x80000047;
	[dreg:$0x3] =	wrdreg s2  }
0x6: {  	s5 =	sadd.s32 $0x400, s8;
	s25 =	sadd.s32 $0x3E1400, s8;
	[dreg:$0x5] =	wrdreg s24  }
0x7: {  	s26 =	sadd.s32 $0x3E1C00, s8;
	s4 =	sadd.s32 $0x3E2400, s8;
	[dreg:$0x6] =	wrdreg s25  }
0x8: {  	s6 =	sadd.s32 $0x3E2C00, s8;
	s9 =	sadd.s32 $0x3E3400, s8;
	[dreg:$0x7] =	wrdreg s26  }
0x9: {  	s10 =	sadd.s32 $0x3E3C00, s8;
	s12 =	sadd.s32 $0x3E4400, s8;
	[dreg:$0x8] =	wrdreg s4  }
0xa: {  	s13 =	sadd.s32 $0x3E4C00, s8;
	s14 =	sadd.s32 $0x3E5400, s8;
	[dreg:$0x9] =	wrdreg s6  }
0xb: {  	s15 =	sadd.s32 $0x3E5C00, s8;
	s16 =	sadd.s32 $0x3E6400, s8;
	[dreg:$0xa] =	wrdreg s9  }
0xc: {  	s17 =	sadd.s32 $0x3E6C00, s8;
	s20 =	sadd.s32 $0x3E7400, s8;
	[dreg:$0xb] =	wrdreg s10  }
0xd: {  	s21 =	sadd.s32 $0x3E7C00, s8;
	s22 =	sadd.s32 $0x3E8400, s8;
	[dreg:$0xc] =	wrdreg s12  }
0xe: {  	s28 =	sadd.s32 $0x3EAC00, s8;
	s29 =	sadd.s32 $0x3EB400, s8;
	[dreg:$0xd] =	wrdreg s13  }
0xf: {  	s30 =	sadd.s32 $0x3EBC00, s8;
	s31 =	sadd.s32 $0x3EC400, s8;
	[dreg:$0xe] =	wrdreg s14  }
0x10: {  	s1 =	sor.u32 s0, s1;
	[dreg:$0xf] =	wrdreg s15;
	s24 =	sadd.s32 $0x3E9400, s8  }
0x11: {  	[dreg:$0x10] =	wrdreg s16;
	s25 =	sadd.s32 $0x3E9C00, s8;
	s26 =	sadd.s32 $0x3EA400, s8  }
0x12: {  	s4 =	ssub.s32 $0x2, s0;
	s0 =	sadd.s32 $0x3ECC00, s8;
	s7 =	smul.u32 $0xC80, s1  }
0x13: {  	[dreg:$0x11] =	wrdreg s17;
	s2 =	sadd.s32 $0x3EDC00, s8;
	s23 =	smul.u32 $0x32, s1  }
0x14: {  	s14 =	simm.s32 $0x0;
	s9 =	smul.u32 $0x6400, s1;
	s6 =	sshrl.u32 s4, $0x1  }
0x15: {  	s1 =	sadd.s32 $0x3ED400, s8;
	s10 =	ssub.s32 s4, s6;
	s4 =	sadd.s32 $0x3EE400, s8  }
0x16: {  	s6 =	sadd.s32 $0x3EEC00, s8;
	[dreg:$0x4] =	wrdreg s23;
	s12 =	sadd.s32 $0x400, s9  }
0x17: {  	s23 =	sadd.s32 $0x3E8C00, s8;
	s9 =	sadd.s32 $0x600, s9;
	[dreg:$0x13] =	wrdreg s12  }
0x18: {  	v0 =	vlaneseq.u32;
	s11 =	sadd.s32 s11, s7;
	s18 =	smax.u32 s10, $0x1;
	[dreg:$0x14] =	wrdreg s9  }
0x19: {  	v0 =	vmul.u32 $0x208, v0;
	s7 =	sadd.s32 $0x3EF400, s8;
	s8 =	sadd.s32 $0x3EFC00, s8;
	[dreg:$0x15] =	wrdreg s18  }
0x1a: {  	s10 =	simm.s32 $0x8400;
	[dreg:$0x12] =	wrdreg s11;
	s19 =	sadd.s32 $0x40, s11  }
0x1b: {  	v1 =	vadd.s32 $0x2080, v0;
	s9 =	simm.s32 $0x80;
	s11 =	simm.s32 $0xC500;
	[dreg:$0x16] =	wrdreg s19  }
.LBB2_1:
0x1c: {  	s12 =	rddreg [dreg:$0x12]  }
0x1d: {  	[tilespmem:s3], [sflag:$0x1] =	stream.linear.gather [hbm4b:s12+s3], $0x200, $0x38;
	[tilespmem:$0x10600] =	vst v63  }
0x1e: {  	s19 =	rddreg [dreg:$0x16];
	s13 =	simm.s32 $0x200  }
0x1f: {  	[tilespmem:s13], [sflag:$0x2] =	stream.linear.gather [hbm4b:s19+s3], $0x200, $0x38;
	[tilespmem:$0x10600] =	vst v63  }
0x20: {  	[dreg:$0x17] =	wrdreg s14;
	s13 =	simm.s32 $0x1  }
0x21: {  	_ =	swait.ge [sflag:s13], $0x200  }
0x22: {  	[sflag:s13] =	ssyncset.done $0x0  }
0x23: {  	s14 =	simm.s32 $0x400;
	[sflag:s13] =	ssyncadd.s32 $0xFFFFFE00  }
0x24: {  	[tilespmem:s14], [sflag:$0x3] =	stream.indirect.gather [hbm4b:s5+s9], $0x20, s3, s9, $0xb8;
	[tilespmem:$0x10600] =	vst v63  }
0x25: {  	s15 =	simm.s32 $0x1400  }
0x26: {  	[tilespmem:s15], [sflag:$0x3] =	stream.indirect.gather [hbm4b:s5+s9], $0x20, s9, s9, $0xb8;
	[tilespmem:$0x10600] =	vst v63  }
0x27: {  	s16 =	simm.s32 $0x100;
	s17 =	simm.s32 $0x2400  }
0x28: {  	[tilespmem:s17], [sflag:$0x3] =	stream.indirect.gather [hbm4b:s5+s9], $0x20, s16, s9, $0xb8;
	[tilespmem:$0x10600] =	vst v63  }
0x29: {  	s18 =	simm.s32 $0x180;
	s12 =	simm.s32 $0x0;
	s19 =	simm.s32 $0x3400  }
0x2a: {  	[tilespmem:s19], [sflag:$0x3] =	stream.indirect.gather [hbm4b:s5+s9], $0x20, s18, s9, $0xb8;
	[tilespmem:$0x10600] =	vst v63  }
.LBB2_2:
0x2b: {  	_ =	strace $0x80000048;
	s13 =	simm.s32 $0x2  }
0x2c: {  	_ =	swait.ge [sflag:s13], $0x200  }
0x2d: {  	[sflag:s13] =	ssyncset.done $0x0  }
0x2e: {  	s19 =	simm.s32 $0x200;
	s14 =	simm.s32 $0x4400;
	[sflag:s13] =	ssyncadd.s32 $0xFFFFFE00  }
0x2f: {  	[tilespmem:s14], [sflag:$0x4] =	stream.indirect.gather [hbm4b:s5+s9], $0x20, s19, s9, $0x2000b8;
	[tilespmem:$0x10600] =	vst v63  }
0x30: {  	s15 =	simm.s32 $0x5400;
	s14 =	simm.s32 $0x280  }
0x31: {  	[tilespmem:s15], [sflag:$0x4] =	stream.indirect.gather [hbm4b:s5+s9], $0x20, s14, s9, $0x2000b8;
	[tilespmem:$0x10600] =	vst v63  }
0x32: {  	s16 =	simm.s32 $0x300;
	s17 =	simm.s32 $0x6400  }
0x33: {  	[tilespmem:s17], [sflag:$0x4] =	stream.indirect.gather [hbm4b:s5+s9], $0x20, s16, s9, $0x2000b8;
	[tilespmem:$0x10600] =	vst v63  }
0x34: {  	s18 =	simm.s32 $0x380;
	s19 =	simm.s32 $0x7400  }
0x35: {  	[tilespmem:s19], [sflag:$0x4] =	stream.indirect.gather [hbm4b:s5+s9], $0x20, s18, s9, $0x2000b8;
	[tilespmem:$0x10600] =	vst v63  }
0x36: {  	p1 =	seq.s32 s12, $0x18;
	_ =	strace $0x90000048  }
0x37: {  	p0 =	seq.s32 @!p1 s12, $0x0;
	s15 =	simm.s32 $0x3;
	_ =	strace $0x80000049  }
0x38: {  	p0 =	por p1, !p0;
	s13 =	sshll.u32 @!p1 s12, $0xA;
	_ =	swait.ge [sflag:s15], $0x4000  }
.Ltmp0:
0x39: {  	s14 =	rddreg [dreg:$0x13];
	[sflag:s15] =	ssyncset.done $0x0;
	(pc) =	sbr.rel @!p0 .LBB2_3-.Ltmp0, $4  }
0x3a: {  	s13 =	sadd.s32 @!p1 s13, s14;
	[sflag:s15] =	ssyncadd.s32 $0xFFFFC000  }
0x3b: {  	s13 =	sshrl.u32 @!p1 s13, $0x3;
	s14 =	rddreg [dreg:$0x1]  }
0x3c: {  	s13 =	sadd.s32 @!p1 s14, s13;
	s14 =	simm.s32 @!p1 $0x0  }
0x3d: {  	[tilespmem:s14], [sflag:$0x1] =	stream.linear.gather @!p1 [hbm4b:s13+s14], $0x200, $0x200038;
	[tilespmem:$0x10600] =	vst v63  }
.Ltmp1:
0x3e: {  	(pc) =	sbr.rel .LBB2_5-.Ltmp1, $4  }
0x3f: {  	s13 =	simm.s32 $0x5  }
0x40: {  	_ =	swait.ge [sflag:s13], $0x4000  }
0x41: {  	[sflag:s13] =	ssyncset.done $0x0  }
0x42: {  	p0 =	por $0x0, $0x0;
	[sflag:s13] =	ssyncadd.s32 $0xFFFFC000  }
.LBB2_3:
0x43: {  	p0 =	por @!p1 $0x1, $0x1  }
.LBB2_5:
0x44: {  	_ =	strace $0x90000049  }
0x45: {  	s13 =	simm.s32 $0x500;
	s14 =	simm.s32 $0xF;
	_ =	strace $0x8000004A  }
0x46: {  	v4 =	vadd.s32 s14, v0;
	v3 =	vld [tilespmem:s13+$0xE0]  }
0x47: {  	s18 =	simm.s32 $0x1;
	v6 =	vadd.s32 s14, v1;
	v5 =	vld [tilespmem:s13+$0xF0]  }
0x48: {  	v8 =	vadd.s32 s18, v0;
	v7 =	vld [tilespmem:s13+$0xFFFFFF20]  }
0x49: {  	s19 =	simm.s32 $0x2;
	v10 =	vadd.s32 s18, v1;
	v9 =	vld [tilespmem:s13+$0xFFFFFF30]  }
0x4a: {  	v12 =	vadd.s32 s19, v0;
	v11 =	vld [tilespmem:s13+$0xFFFFFF40]  }
0x4b: {  	s15 =	simm.s32 $0x3;
	[tilespmem:v4+s10+$0x0] =	vst.idx.msk $0xffff, v3;
	v3 =	vld [tilespmem:s13+$0xFFFFFF50];
	v4 =	vadd.s32 s19, v1  }
0x4c: {  	[tilespmem:v6+s10+$0x0] =	vst.idx.msk $0xffff, v5;
	v5 =	vld [tilespmem:s13+$0xFFFFFF60];
	v6 =	vadd.s32 s15, v0  }
0x4d: {  	s16 =	simm.s32 $0x4;
	[tilespmem:v8+s10+$0x0] =	vst.idx.msk $0xffff, v7;
	v7 =	vld [tilespmem:s13+$0xFFFFFF70];
	v8 =	vadd.s32 s15, v1  }
0x4e: {  	[tilespmem:v10+s10+$0x0] =	vst.idx.msk $0xffff, v9;
	v9 =	vld [tilespmem:s13+$0xFFFFFF80];
	v10 =	vadd.s32 s16, v0  }
0x4f: {  	s17 =	simm.s32 $0x5;
	[tilespmem:v12+s10+$0x0] =	vst.idx.msk $0xffff, v11;
	v11 =	vld [tilespmem:s13+$0xFFFFFF90];
	v12 =	vadd.s32 s16, v1  }
0x50: {  	[tilespmem:v4+s10+$0x0] =	vst.idx.msk $0xffff, v3;
	v3 =	vld [tilespmem:s13+$0xFFFFFFA0];
	v4 =	vadd.s32 s17, v0  }
0x51: {  	s18 =	simm.s32 $0x6;
	[tilespmem:v6+s10+$0x0] =	vst.idx.msk $0xffff, v5;
	v5 =	vld [tilespmem:s13+$0xFFFFFFB0];
	v6 =	vadd.s32 s17, v1  }
0x52: {  	[tilespmem:v8+s10+$0x0] =	vst.idx.msk $0xffff, v7;
	v7 =	vld [tilespmem:s13+$0xFFFFFFC0];
	v8 =	vadd.s32 s18, v0  }
0x53: {  	s19 =	simm.s32 $0x7;
	[tilespmem:v10+s10+$0x0] =	vst.idx.msk $0xffff, v9;
	v9 =	vld [tilespmem:s13+$0xFFFFFFD0];
	v10 =	vadd.s32 s18, v1  }
0x54: {  	[tilespmem:v12+s10+$0x0] =	vst.idx.msk $0xffff, v11;
	v11 =	vld [tilespmem:s13+$0xFFFFFFE0];
	v12 =	vadd.s32 s19, v0  }
0x55: {  	[tilespmem:v4+s10+$0x0] =	vst.idx.msk $0xffff, v3  }
0x56: {  	s15 =	simm.s32 $0x8;
	v3 =	vld [tilespmem:s13+$0xFFFFFFF0];
	v4 =	vadd.s32 s19, v1;
	[tilespmem:v6+s10+$0x0] =	vst.idx.msk $0xffff, v5  }
0x57: {  	s16 =	simm.s32 $0x9;
	v5 =	vld [tilespmem:s13+$0x0];
	v6 =	vadd.s32 s15, v0;
	[tilespmem:v8+s10+$0x0] =	vst.idx.msk $0xffff, v7  }
0x58: {  	[tilespmem:v10+s10+$0x0] =	vst.idx.msk $0xffff, v9;
	v9 =	vld [tilespmem:s13+$0x20];
	v10 =	vadd.s32 s16, v0  }
0x59: {  	[tilespmem:v12+s10+$0x0] =	vst.idx.msk $0xffff, v11;
	v11 =	vld [tilespmem:s13+$0x30];
	v12 =	vadd.s32 s16, v1  }
0x5a: {  	v2 =	vld [tilespmem:s13+$0xFFFFFF10]  }
0x5b: {  	s17 =	simm.s32 $0xA;
	v7 =	vld [tilespmem:s13+$0x10];
	v8 =	vadd.s32 s15, v1;
	[tilespmem:v4+s10+$0x0] =	vst.idx.msk $0xffff, v3  }
0x5c: {  	v3 =	vld [tilespmem:s13+$0x40];
	v4 =	vadd.s32 s17, v0;
	[tilespmem:v6+s10+$0x0] =	vst.idx.msk $0xffff, v5  }
0x5d: {  	s19 =	simm.s32 $0xC;
	v5 =	vld [tilespmem:s13+$0x50];
	v6 =	vadd.s32 s17, v1;
	[tilespmem:v10+s10+$0x0] =	vst.idx.msk $0xffff, v9  }
0x5e: {  	s15 =	simm.s32 $0xD;
	[tilespmem:v12+s10+$0x0] =	vst.idx.msk $0xffff, v11;
	v11 =	vld [tilespmem:s13+$0x80];
	v12 =	vadd.s32 s19, v0  }
0x5f: {  	v15 =	vld [tilespmem:s13+$0xA0];
	s18 =	simm.s32 $0xB;
	v16 =	vadd.s32 s15, v0  }
0x60: {  	[tilespmem:v8+s10+$0x0] =	vst.idx.msk $0xffff, v7;
	v7 =	vld [tilespmem:s13+$0x60];
	v8 =	vadd.s32 s18, v0  }
0x61: {  	v9 =	vld [tilespmem:s13+$0x70];
	v10 =	vadd.s32 s18, v1;
	[tilespmem:v4+s10+$0x0] =	vst.idx.msk $0xffff, v3  }
0x62: {  	v13 =	vld [tilespmem:s13+$0x90];
	v14 =	vadd.s32 s19, v1;
	[tilespmem:v6+s10+$0x0] =	vst.idx.msk $0xffff, v5  }
0x63: {  	s16 =	simm.s32 $0xE;
	v6 =	vld [tilespmem:s13+$0xB0];
	[tilespmem:v12+s10+$0x0] =	vst.idx.msk $0xffff, v11;
	v12 =	vadd.s32 s15, v1  }
0x64: {  	v4 =	vld [tilespmem:s13+$0xC0];
	[tilespmem:v16+s10+$0x0] =	vst.idx.msk $0xffff, v15;
	v11 =	vadd.s32 s16, v0  }
0x65: {  	s17 =	simm.s32 $0x0;
	v3 =	vld [tilespmem:s13+$0xD0];
	[tilespmem:v8+s10+$0x0] =	vst.idx.msk $0xffff, v7;
	v7 =	vadd.s32 s16, v1  }
0x66: {  	s14 =	sshll.u32 s12, $0x1;
	s19 =	simm.s32 $0x1F;
	v5 =	vld [tilespmem:s13+$0xFFFFFF00];
	[tilespmem:v10+s10+$0x0] =	vst.idx.msk $0xffff, v9;
	v9 =	vadd.s32 s17, v0;
	s15 =	simm.s32 $0x700  }
0x67: {  	s18 =	simm.s32 $0x20;
	s13 =	sshllo.u32 s12, $0x1;
	v10 =	vadd.s32 s19, v0;
	s16 =	simm.s32 $0x10;
	[tilespmem:v14+s10+$0x0] =	vst.idx.msk $0xffff, v13;
	v8 =	vld [tilespmem:s15+$0xE0]  }
.LBB2_6:
0x68: {  	p2 =	slt.u32 s18, $0x1F0;
	v13 =	vld [tilespmem:s15+$0xF0];
	v14 =	vadd.s32 s19, v1;
	[tilespmem:v12+s10+$0x0] =	vst.idx.msk $0xffff, v6  }
0x69: {  	s19 =	sadd.s32 $0x1, s16;
	v12 =	vadd.s32 s17, v1;
	s17 =	smov.u32 s16;
	s16 =	smov.u32 s18;
	v6 =	vld [tilespmem:s15+$0xFFFFFF10];
	[tilespmem:v11+s10+$0x0] =	vst.idx.msk $0xffff, v4  }
0x6a: {  	v11 =	vadd.s32 s19, v0;
	v4 =	vld [tilespmem:s15+$0xFFFFFF20];
	[tilespmem:v7+s10+$0x0] =	vst.idx.msk $0xffff, v3  }
0x6b: {  	v7 =	vadd.s32 s19, v1;
	s19 =	sadd.s32 $0x2, s17;
	v3 =	vld [tilespmem:s15+$0xFFFFFF30];
	[tilespmem:v9+s10+$0x0] =	vst.idx.msk $0xffff, v5  }
0x6c: {  	v9 =	vadd.s32 s19, v0;
	v5 =	vld [tilespmem:s15+$0xFFFFFF40];
	[tilespmem:v10+s10+$0x0] =	vst.idx.msk $0xffff, v8  }
0x6d: {  	v10 =	vadd.s32 s19, v1;
	s19 =	sadd.s32 $0x3, s17;
	v8 =	vld [tilespmem:s15+$0xFFFFFF50];
	[tilespmem:v14+s10+$0x0] =	vst.idx.msk $0xffff, v13  }
0x6e: {  	v14 =	vadd.s32 s19, v0;
	v13 =	vld [tilespmem:s15+$0xFFFFFF60];
	[tilespmem:v12+s10+$0x0] =	vst.idx.msk $0xffff, v2;
	v2 =	vmov v6  }
0x6f: {  	v6 =	vadd.s32 s19, v1;
	s19 =	sadd.s32 $0x4, s17;
	[tilespmem:v11+s10+$0x0] =	vst.idx.msk $0xffff, v4;
	v4 =	vld [tilespmem:s15+$0xFFFFFF70]  }
0x70: {  	[tilespmem:v7+s10+$0x0] =	vst.idx.msk $0xffff, v3;
	v3 =	vld [tilespmem:s15+$0xFFFFFF80];
	v7 =	vadd.s32 s19, v0  }
0x71: {  	[tilespmem:v9+s10+$0x0] =	vst.idx.msk $0xffff, v5;
	v5 =	vld [tilespmem:s15+$0xFFFFFF90];
	v9 =	vadd.s32 s19, v1;
	s19 =	sadd.s32 $0x5, s17  }
0x72: {  	[tilespmem:v10+s10+$0x0] =	vst.idx.msk $0xffff, v8;
	v8 =	vld [tilespmem:s15+$0xFFFFFFA0];
	v10 =	vadd.s32 s19, v0  }
0x73: {  	v12 =	vadd.s32 s19, v1;
	s19 =	sadd.s32 $0x6, s17;
	[tilespmem:v14+s10+$0x0] =	vst.idx.msk $0xffff, v13;
	v11 =	vld [tilespmem:s15+$0xFFFFFFB0]  }
0x74: {  	[tilespmem:v6+s10+$0x0] =	vst.idx.msk $0xffff, v4;
	v4 =	vld [tilespmem:s15+$0xFFFFFFC0];
	v6 =	vadd.s32 s19, v0  }
0x75: {  	[tilespmem:v7+s10+$0x0] =	vst.idx.msk $0xffff, v3;
	v3 =	vld [tilespmem:s15+$0xFFFFFFD0];
	v7 =	vadd.s32 s19, v1;
	s19 =	sadd.s32 $0x7, s17  }
0x76: {  	[tilespmem:v9+s10+$0x0] =	vst.idx.msk $0xffff, v5;
	v5 =	vld [tilespmem:s15+$0xFFFFFFE0];
	v9 =	vadd.s32 s19, v0  }
0x77: {  	[tilespmem:v10+s10+$0x0] =	vst.idx.msk $0xffff, v8;
	v8 =	vld [tilespmem:s15+$0xFFFFFFF0];
	v10 =	vadd.s32 s19, v1;
	s19 =	sadd.s32 $0x8, s17  }
0x78: {  	[tilespmem:v12+s10+$0x0] =	vst.idx.msk $0xffff, v11;
	v11 =	vld [tilespmem:s15+$0x0];
	v12 =	vadd.s32 s19, v0  }
0x79: {  	[tilespmem:v6+s10+$0x0] =	vst.idx.msk $0xffff, v4;
	v4 =	vld [tilespmem:s15+$0x10];
	v6 =	vadd.s32 s19, v1;
	s19 =	sadd.s32 $0x9, s17  }
0x7a: {  	[tilespmem:v7+s10+$0x0] =	vst.idx.msk $0xffff, v3;
	v3 =	vld [tilespmem:s15+$0x20];
	v7 =	vadd.s32 s19, v0  }
0x7b: {  	[tilespmem:v9+s10+$0x0] =	vst.idx.msk $0xffff, v5;
	v5 =	vld [tilespmem:s15+$0x30];
	v9 =	vadd.s32 s19, v1;
	s19 =	sadd.s32 $0xA, s17  }
0x7c: {  	[tilespmem:v10+s10+$0x0] =	vst.idx.msk $0xffff, v8;
	v8 =	vld [tilespmem:s15+$0x40];
	v10 =	vadd.s32 s19, v0  }
0x7d: {  	[tilespmem:v12+s10+$0x0] =	vst.idx.msk $0xffff, v11;
	v11 =	vld [tilespmem:s15+$0x50];
	v12 =	vadd.s32 s19, v1;
	s19 =	sadd.s32 $0xB, s17  }
0x7e: {  	[tilespmem:v6+s10+$0x0] =	vst.idx.msk $0xffff, v4;
	v4 =	vld [tilespmem:s15+$0x60];
	v6 =	vadd.s32 s19, v0  }
0x7f: {  	[tilespmem:v7+s10+$0x0] =	vst.idx.msk $0xffff, v3;
	v3 =	vld [tilespmem:s15+$0x70];
	v7 =	vadd.s32 s19, v1;
	s19 =	sadd.s32 $0xC, s17  }
0x80: {  	[tilespmem:v9+s10+$0x0] =	vst.idx.msk $0xffff, v5;
	v5 =	vld [tilespmem:s15+$0x80];
	v9 =	vadd.s32 s19, v0  }
0x81: {  	[tilespmem:v10+s10+$0x0] =	vst.idx.msk $0xffff, v8;
	v8 =	vld [tilespmem:s15+$0x90];
	v10 =	vadd.s32 s19, v1;
	s19 =	sadd.s32 $0xD, s17  }
0x82: {  	[tilespmem:v12+s10+$0x0] =	vst.idx.msk $0xffff, v11;
	v13 =	vld [tilespmem:s15+$0xA0];
	v14 =	vadd.s32 s19, v0  }
.Ltmp2:
0x83: {  	v12 =	vadd.s32 s19, v1;
	s19 =	sadd.s32 $0xE, s17;
	[tilespmem:v6+s10+$0x0] =	vst.idx.msk $0xffff, v4;
	v6 =	vld [tilespmem:s15+$0xB0];
	(pc) =	sbr.rel @p2 .LBB2_6-.Ltmp2, $4  }
0x84: {  	v11 =	vadd.s32 s19, v0;
	[tilespmem:v7+s10+$0x0] =	vst.idx.msk $0xffff, v3;
	v4 =	vld [tilespmem:s15+$0xC0]  }
0x85: {  	v7 =	vadd.s32 s19, v1;
	[tilespmem:v9+s10+$0x0] =	vst.idx.msk $0xffff, v5;
	v3 =	vld [tilespmem:s15+$0xD0]  }
0x86: {  	s19 =	sadd.s32 $0xF, s18;
	v9 =	vadd.s32 s17, v0;
	v5 =	vld [tilespmem:s15+$0xFFFFFF00];
	[tilespmem:v10+s10+$0x0] =	vst.idx.msk $0xffff, v8;
	s15 =	sadd.s32 $0x200, s15  }
0x87: {  	s18 =	sadd.s32 $0x10, s18;
	v10 =	vadd.s32 s19, v0;
	v8 =	vld [tilespmem:s15+$0xE0];
	[tilespmem:v14+s10+$0x0] =	vst.idx.msk $0xffff, v13  }
0x88: {  	_ =	sdelay $0x2  }
0x89: {  	v14 =	vld [tilespmem:s15+$0xF0]  }
0x8a: {  	v13 =	vadd.s32 s19, v1;
	[tilespmem:v12+s10+$0x0] =	vst.idx.msk $0xffff, v6;
	v63 =	vld [tilespmem:s15+$0xFFFFFF20]  }
0x8b: {  	v62 =	vadd.s32 s17, v1;
	s18 =	sadd.s32 $0x1, s16;
	v18 =	vld [tilespmem:s15+$0xFFFFFF40];
	[tilespmem:v11+s10+$0x0] =	vst.idx.msk $0xffff, v4  }
0x8c: {  	v20 =	vld [tilespmem:s15+$0xFFFFFF50];
	v16 =	vadd.s32 s18, v0;
	[tilespmem:v7+s10+$0x0] =	vst.idx.msk $0xffff, v3  }
0x8d: {  	s19 =	sadd.s32 $0x2, s16;
	v17 =	vadd.s32 s18, v1;
	v3 =	vld [tilespmem:s15+$0xFFFFFF30];
	[tilespmem:v9+s10+$0x0] =	vst.idx.msk $0xffff, v5  }
0x8e: {  	v22 =	vld [tilespmem:s15+$0xFFFFFF60];
	v19 =	vadd.s32 s19, v0;
	[tilespmem:v10+s10+$0x0] =	vst.idx.msk $0xffff, v8  }
0x8f: {  	v26 =	vld [tilespmem:s15+$0xFFFFFF90];
	v21 =	vadd.s32 s19, v1;
	s18 =	sadd.s32 $0x3, s16;
	[tilespmem:v13+s10+$0x0] =	vst.idx.msk $0xffff, v14  }
0x90: {  	v28 =	vld [tilespmem:s15+$0xFFFFFFA0];
	v23 =	vadd.s32 s18, v0;
	[tilespmem:v62+s10+$0x0] =	vst.idx.msk $0xffff, v2  }
0x91: {  	s19 =	sadd.s32 $0x4, s16;
	v24 =	vadd.s32 s18, v1;
	v2 =	vld [tilespmem:s15+$0xFFFFFF70];
	[tilespmem:v16+s10+$0x0] =	vst.idx.msk $0xffff, v63  }
0x92: {  	v25 =	vadd.s32 s19, v0;
	s18 =	sadd.s32 $0x5, s16;
	[tilespmem:v17+s10+$0x0] =	vst.idx.msk $0xffff, v3;
	v3 =	vld [tilespmem:s15+$0xFFFFFF80]  }
0x93: {  	v30 =	vld [tilespmem:s15+$0xFFFFFFB0];
	v29 =	vadd.s32 s18, v0;
	[tilespmem:v19+s10+$0x0] =	vst.idx.msk $0xffff, v18  }
0x94: {  	v34 =	vld [tilespmem:s15+$0xFFFFFFE0];
	v31 =	vadd.s32 s18, v1;
	s18 =	sadd.s32 $0x7, s16;
	[tilespmem:v21+s10+$0x0] =	vst.idx.msk $0xffff, v20  }
0x95: {  	v36 =	vld [tilespmem:s15+$0xFFFFFFF0];
	v27 =	vadd.s32 s19, v1;
	s19 =	sadd.s32 $0x6, s16;
	v35 =	vadd.s32 s18, v0;
	[tilespmem:v23+s10+$0x0] =	vst.idx.msk $0xffff, v22  }
0x96: {  	v32 =	vadd.s32 s19, v0;
	[tilespmem:v24+s10+$0x0] =	vst.idx.msk $0xffff, v2;
	v2 =	vld [tilespmem:s15+$0xFFFFFFC0]  }
0x97: {  	v33 =	vadd.s32 s19, v1;
	s19 =	sadd.s32 $0x8, s16;
	[tilespmem:v25+s10+$0x0] =	vst.idx.msk $0xffff, v3;
	v3 =	vld [tilespmem:s15+$0xFFFFFFD0]  }
0x98: {  	v38 =	vld [tilespmem:s15+$0x0];
	v37 =	vadd.s32 s18, v1;
	v39 =	vadd.s32 s19, v0;
	v40 =	vadd.s32 s19, v1;
	s19 =	sadd.s32 $0xA, s16;
	[tilespmem:v29+s10+$0x0] =	vst.idx.msk $0xffff, v28  }
0x99: {  	v44 =	vld [tilespmem:s15+$0x40];
	v45 =	vadd.s32 s19, v0;
	[tilespmem:v31+s10+$0x0] =	vst.idx.msk $0xffff, v30  }
0x9a: {  	v42 =	vld [tilespmem:s15+$0x30];
	[tilespmem:v35+s10+$0x0] =	vst.idx.msk $0xffff, v34  }
0x9b: {  	s18 =	sadd.s32 $0x9, s16;
	[tilespmem:v32+s10+$0x0] =	vst.idx.msk $0xffff, v2;
	v2 =	vld [tilespmem:s15+$0x10]  }
0x9c: {  	v41 =	vadd.s32 s18, v0;
	[tilespmem:v33+s10+$0x0] =	vst.idx.msk $0xffff, v3;
	v3 =	vld [tilespmem:s15+$0x20]  }
0x9d: {  	v46 =	vld [tilespmem:s15+$0x50];
	v47 =	vadd.s32 s19, v1;
	s19 =	sadd.s32 $0xC, s16;
	[tilespmem:v37+s10+$0x0] =	vst.idx.msk $0xffff, v36  }
0x9e: {  	v50 =	vld [tilespmem:s15+$0x80];
	v51 =	vadd.s32 s19, v0;
	[tilespmem:v45+s10+$0x0] =	vst.idx.msk $0xffff, v44  }
0x9f: {  	v52 =	vld [tilespmem:s15+$0x90];
	v43 =	vadd.s32 s18, v1;
	s18 =	sadd.s32 $0xB, s16;
	v53 =	vadd.s32 s19, v1;
	[tilespmem:v39+s10+$0x0] =	vst.idx.msk $0xffff, v38  }
0xa0: {  	v48 =	vadd.s32 s18, v0;
	[tilespmem:v40+s10+$0x0] =	vst.idx.msk $0xffff, v2;
	v2 =	vld [tilespmem:s15+$0x60]  }
0xa1: {  	v49 =	vadd.s32 s18, v1;
	[tilespmem:v41+s10+$0x0] =	vst.idx.msk $0xffff, v3;
	v3 =	vld [tilespmem:s15+$0x70]  }
0xa2: {  	[tilespmem:v47+s10+$0x0] =	vst.idx.msk $0xffff, v46  }
0xa3: {  	s18 =	sadd.s32 $0xD, s16;
	[tilespmem:v51+s10+$0x0] =	vst.idx.msk $0xffff, v50  }
0xa4: {  	v54 =	vld [tilespmem:s15+$0xA0];
	v55 =	vadd.s32 s18, v0;
	[tilespmem:v53+s10+$0x0] =	vst.idx.msk $0xffff, v52  }
0xa5: {  	s19 =	sadd.s32 $0xE, s16;
	v56 =	vadd.s32 s18, v1;
	[tilespmem:v48+s10+$0x0] =	vst.idx.msk $0xffff, v2;
	v2 =	vld [tilespmem:s15+$0xB0]  }
0xa6: {  	v57 =	vadd.s32 s19, v0;
	[tilespmem:v49+s10+$0x0] =	vst.idx.msk $0xffff, v3;
	v3 =	vld [tilespmem:s15+$0xC0]  }
0xa7: {  	v59 =	vld [tilespmem:s15+$0xD0];
	v58 =	vadd.s32 s19, v1;
	[tilespmem:v27+s10+$0x0] =	vst.idx.msk $0xffff, v26  }
0xa8: {  	v60 =	vld [tilespmem:s15+$0xFFFFFF00];
	v61 =	vadd.s32 s16, v0;
	[tilespmem:v43+s10+$0x0] =	vst.idx.msk $0xffff, v42  }
0xa9: {  	v62 =	vld [tilespmem:s15+$0xFFFFFF10];
	v63 =	vadd.s32 s16, v1;
	[tilespmem:v55+s10+$0x0] =	vst.idx.msk $0xffff, v54  }
0xaa: {  	[tilespmem:v56+s10+$0x0] =	vst.idx.msk $0xffff, v2  }
0xab: {  	[tilespmem:v57+s10+$0x0] =	vst.idx.msk $0xffff, v3  }
0xac: {  	[tilespmem:v58+s10+$0x0] =	vst.idx.msk $0xffff, v59  }
0xad: {  	s16 =	rddreg [dreg:$0x4];
	[tilespmem:v61+s10+$0x0] =	vst.idx.msk $0xffff, v60  }
0xae: {  	s14 =	sadd.s32 s16, s14;
	[tilespmem:v63+s10+$0x0] =	vst.idx.msk $0xffff, v62  }
0xaf: {  	s15 =	sshll.u32 s14, $0x6;
	s14 =	sshll.u32 s14, $0xB;
	_ =	strace $0x9000004A  }
0xb0: {  	s15 =	sand.u32 $0x780, s15;
	s14 =	sand.u32 $0xFFF0000, s14;
	_ =	strace $0x8000004B  }
0xb1: {  	s14 =	sor.u32 s15, s14;
	s19 =	rddreg [dreg:$0x3]  }
0xb2: {  	s17 =	rddreg [dreg:$0x5];
	s15 =	sadd.s32 s19, s14  }
0xb3: {  	[hbm4b:s15+s3] =	stream.linear.scatter [tilespmem:s10], [sflag:$0x5], $0x200, $0x200038;
	[tilespmem:$0x10600] =	vst v63  }
0xb4: {  	s18 =	simm.s32 $0x8608;
	s15 =	sadd.s32 s14, s17;
	s17 =	rddreg [dreg:$0x6]  }
0xb5: {  	[hbm4b:s15+s3] =	stream.linear.scatter [tilespmem:s18], [sflag:$0x5], $0x200, $0x200038;
	[tilespmem:$0x10600] =	vst v63  }
0xb6: {  	s15 =	sadd.s32 s14, s17;
	s18 =	simm.s32 $0x8810;
	s17 =	rddreg [dreg:$0x7]  }
0xb7: {  	[hbm4b:s15+s3] =	stream.linear.scatter [tilespmem:s18], [sflag:$0x5], $0x200, $0x200038;
	[tilespmem:$0x10600] =	vst v63  }
0xb8: {  	s15 =	sadd.s32 s14, s17;
	s18 =	simm.s32 $0x8A18;
	s17 =	rddreg [dreg:$0x8]  }
0xb9: {  	[hbm4b:s15+s3] =	stream.linear.scatter [tilespmem:s18], [sflag:$0x5], $0x200, $0x200038;
	[tilespmem:$0x10600] =	vst v63  }
0xba: {  	s15 =	sadd.s32 s14, s17;
	s18 =	simm.s32 $0x8C20;
	s17 =	rddreg [dreg:$0x9]  }
0xbb: {  	[hbm4b:s15+s3] =	stream.linear.scatter [tilespmem:s18], [sflag:$0x5], $0x200, $0x200038;
	[tilespmem:$0x10600] =	vst v63  }
0xbc: {  	s15 =	sadd.s32 s14, s17;
	s18 =	simm.s32 $0x8E28;
	s17 =	rddreg [dreg:$0xa]  }
0xbd: {  	[hbm4b:s15+s3] =	stream.linear.scatter [tilespmem:s18], [sflag:$0x5], $0x200, $0x200038;
	[tilespmem:$0x10600] =	vst v63  }
0xbe: {  	s15 =	sadd.s32 s14, s17;
	s18 =	simm.s32 $0x9030;
	s17 =	rddreg [dreg:$0xb]  }
0xbf: {  	[hbm4b:s15+s3] =	stream.linear.scatter [tilespmem:s18], [sflag:$0x5], $0x200, $0x200038;
	[tilespmem:$0x10600] =	vst v63  }
0xc0: {  	s15 =	sadd.s32 s14, s17;
	s18 =	simm.s32 $0x9238;
	s17 =	rddreg [dreg:$0xc]  }
0xc1: {  	[hbm4b:s15+s3] =	stream.linear.scatter [tilespmem:s18], [sflag:$0x5], $0x200, $0x200038;
	[tilespmem:$0x10600] =	vst v63  }
0xc2: {  	s15 =	sadd.s32 s14, s17;
	s18 =	simm.s32 $0x9440;
	s17 =	rddreg [dreg:$0xd]  }
0xc3: {  	[hbm4b:s15+s3] =	stream.linear.scatter [tilespmem:s18], [sflag:$0x5], $0x200, $0x200038;
	[tilespmem:$0x10600] =	vst v63  }
0xc4: {  	s15 =	sadd.s32 s14, s17;
	s18 =	simm.s32 $0x9648;
	s17 =	rddreg [dreg:$0xe]  }
0xc5: {  	[hbm4b:s15+s3] =	stream.linear.scatter [tilespmem:s18], [sflag:$0x5], $0x200, $0x200038;
	[tilespmem:$0x10600] =	vst v63  }
0xc6: {  	s15 =	sadd.s32 s14, s17;
	s18 =	simm.s32 $0x9850;
	s17 =	rddreg [dreg:$0xf]  }
0xc7: {  	[hbm4b:s15+s3] =	stream.linear.scatter [tilespmem:s18], [sflag:$0x5], $0x200, $0x200038;
	[tilespmem:$0x10600] =	vst v63  }
0xc8: {  	s15 =	sadd.s32 s14, s17;
	s18 =	simm.s32 $0x9A58;
	s17 =	rddreg [dreg:$0x10]  }
0xc9: {  	[hbm4b:s15+s3] =	stream.linear.scatter [tilespmem:s18], [sflag:$0x5], $0x200, $0x200038;
	[tilespmem:$0x10600] =	vst v63  }
0xca: {  	s15 =	sadd.s32 s14, s17;
	s18 =	simm.s32 $0x9C60;
	s17 =	rddreg [dreg:$0x11]  }
0xcb: {  	[hbm4b:s15+s3] =	stream.linear.scatter [tilespmem:s18], [sflag:$0x5], $0x200, $0x200038;
	[tilespmem:$0x10600] =	vst v63  }
0xcc: {  	s15 =	sadd.s32 s14, s17;
	s18 =	simm.s32 $0x9E68  }
0xcd: {  	[hbm4b:s15+s3] =	stream.linear.scatter [tilespmem:s18], [sflag:$0x5], $0x200, $0x200038;
	[tilespmem:$0x10600] =	vst v63  }
0xce: {  	s17 =	sadd.s32 s14, s20;
	s18 =	simm.s32 $0xA070  }
0xcf: {  	[hbm4b:s17+s3] =	stream.linear.scatter [tilespmem:s18], [sflag:$0x5], $0x200, $0x200038;
	[tilespmem:$0x10600] =	vst v63  }
0xd0: {  	s17 =	sadd.s32 s14, s21;
	s18 =	simm.s32 $0xA278  }
0xd1: {  	[hbm4b:s17+s3] =	stream.linear.scatter [tilespmem:s18], [sflag:$0x5], $0x200, $0x200038;
	[tilespmem:$0x10600] =	vst v63  }
0xd2: {  	s17 =	sadd.s32 s14, s22;
	s18 =	simm.s32 $0xA480  }
0xd3: {  	[hbm4b:s17+s3] =	stream.linear.scatter [tilespmem:s18], [sflag:$0x5], $0x200, $0x200038;
	[tilespmem:$0x10600] =	vst v63  }
0xd4: {  	s17 =	sadd.s32 s14, s23;
	s18 =	simm.s32 $0xA688  }
0xd5: {  	[hbm4b:s17+s3] =	stream.linear.scatter [tilespmem:s18], [sflag:$0x5], $0x200, $0x200038;
	[tilespmem:$0x10600] =	vst v63  }
0xd6: {  	s17 =	sadd.s32 s14, s24;
	s18 =	simm.s32 $0xA890  }
0xd7: {  	[hbm4b:s17+s3] =	stream.linear.scatter [tilespmem:s18], [sflag:$0x5], $0x200, $0x200038;
	[tilespmem:$0x10600] =	vst v63  }
0xd8: {  	s17 =	sadd.s32 s14, s25;
	s18 =	simm.s32 $0xAA98  }
0xd9: {  	[hbm4b:s17+s3] =	stream.linear.scatter [tilespmem:s18], [sflag:$0x5], $0x200, $0x200038;
	[tilespmem:$0x10600] =	vst v63  }
0xda: {  	s17 =	sadd.s32 s14, s26;
	s18 =	simm.s32 $0xACA0  }
0xdb: {  	[hbm4b:s17+s3] =	stream.linear.scatter [tilespmem:s18], [sflag:$0x5], $0x200, $0x200038;
	[tilespmem:$0x10600] =	vst v63  }
0xdc: {  	s17 =	sadd.s32 s14, s28;
	s18 =	simm.s32 $0xAEA8  }
0xdd: {  	[hbm4b:s17+s3] =	stream.linear.scatter [tilespmem:s18], [sflag:$0x5], $0x200, $0x200038;
	[tilespmem:$0x10600] =	vst v63  }
0xde: {  	s17 =	sadd.s32 s14, s29;
	s18 =	simm.s32 $0xB0B0  }
0xdf: {  	[hbm4b:s17+s3] =	stream.linear.scatter [tilespmem:s18], [sflag:$0x5], $0x200, $0x200038;
	[tilespmem:$0x10600] =	vst v63  }
0xe0: {  	s17 =	sadd.s32 s14, s30;
	s18 =	simm.s32 $0xB2B8  }
0xe1: {  	[hbm4b:s17+s3] =	stream.linear.scatter [tilespmem:s18], [sflag:$0x5], $0x200, $0x200038;
	[tilespmem:$0x10600] =	vst v63  }
0xe2: {  	s17 =	sadd.s32 s14, s31;
	s18 =	simm.s32 $0xB4C0  }
0xe3: {  	[hbm4b:s17+s3] =	stream.linear.scatter [tilespmem:s18], [sflag:$0x5], $0x200, $0x200038;
	[tilespmem:$0x10600] =	vst v63  }
0xe4: {  	s17 =	sadd.s32 s14, s0;
	s18 =	simm.s32 $0xB6C8  }
0xe5: {  	[hbm4b:s17+s3] =	stream.linear.scatter [tilespmem:s18], [sflag:$0x5], $0x200, $0x200038;
	[tilespmem:$0x10600] =	vst v63  }
0xe6: {  	s17 =	sadd.s32 s14, s1;
	s18 =	simm.s32 $0xB8D0  }
0xe7: {  	[hbm4b:s17+s3] =	stream.linear.scatter [tilespmem:s18], [sflag:$0x5], $0x200, $0x200038;
	[tilespmem:$0x10600] =	vst v63  }
0xe8: {  	s17 =	sadd.s32 s14, s2;
	s18 =	simm.s32 $0xBAD8  }
0xe9: {  	[hbm4b:s17+s3] =	stream.linear.scatter [tilespmem:s18], [sflag:$0x5], $0x200, $0x200038;
	[tilespmem:$0x10600] =	vst v63  }
0xea: {  	s17 =	sadd.s32 s14, s4;
	s18 =	simm.s32 $0xBCE0  }
0xeb: {  	[hbm4b:s17+s3] =	stream.linear.scatter [tilespmem:s18], [sflag:$0x5], $0x200, $0x200038;
	[tilespmem:$0x10600] =	vst v63  }
0xec: {  	s17 =	sadd.s32 s14, s6;
	s18 =	simm.s32 $0xBEE8  }
0xed: {  	[hbm4b:s17+s3] =	stream.linear.scatter [tilespmem:s18], [sflag:$0x5], $0x200, $0x200038;
	[tilespmem:$0x10600] =	vst v63  }
0xee: {  	s16 =	sadd.s32 s14, s7;
	s17 =	simm.s32 $0xC0F0  }
0xef: {  	[hbm4b:s16+s3] =	stream.linear.scatter [tilespmem:s17], [sflag:$0x5], $0x200, $0x200038;
	[tilespmem:$0x10600] =	vst v63  }
.Ltmp3:
0xf0: {  	_ = 	snop;
	(pc) =	sbr.rel @!p1 .LBB2_8-.Ltmp3, $4  }
0xf1: {  	s14 =	sadd.s32 s14, s8;
	s18 =	simm.s32 $0xC2F8  }
0xf2: {  	[hbm4b:s14+s3] =	stream.linear.scatter [tilespmem:s18], [sflag:$0x5], $0x200, $0x200038;
	[tilespmem:$0x10600] =	vst v63  }
0xf3: {  	_ =	strace $0x9000004B  }
0xf4: {  	_ =	strace $0x8000004C  }
.Ltmp4:
0xf5: {  	_ =	strace $0x9000004C;
	(pc) =	sbr.rel .LBB2_10-.Ltmp4, $4  }
0xf6: {  	s14 =	simm.s32 $0x4;
	_ =	strace $0x8000004D  }
0xf7: {  	_ =	swait.ge [sflag:s14], $0x4000  }
0xf8: {  	[sflag:s14] =	ssyncset.done $0x0  }
0xf9: {  	[sflag:s14] =	ssyncadd.s32 $0xFFFFC000  }
.LBB2_8:
0xfa: {  	s14 =	simm.s32 $0x1  }
0xfb: {  	_ =	swait.ge [sflag:s14], $0x200  }
0xfc: {  	[sflag:s14] =	ssyncset.done $0x0  }
0xfd: {  	s16 =	simm.s32 $0x400;
	[sflag:s14] =	ssyncadd.s32 $0xFFFFFE00  }
0xfe: {  	[tilespmem:s16], [sflag:$0x3] =	stream.indirect.gather [hbm4b:s5+s9], $0x20, s3, s9, $0x2000b8;
	[tilespmem:$0x10600] =	vst v63  }
0xff: {  	s17 =	simm.s32 $0x1400  }
0x100: {  	[tilespmem:s17], [sflag:$0x3] =	stream.indirect.gather [hbm4b:s5+s9], $0x20, s9, s9, $0x2000b8;
	[tilespmem:$0x10600] =	vst v63  }
0x101: {  	s18 =	simm.s32 $0x100;
	s15 =	simm.s32 $0x2400  }
0x102: {  	[tilespmem:s15], [sflag:$0x3] =	stream.indirect.gather [hbm4b:s5+s9], $0x20, s18, s9, $0x2000b8;
	[tilespmem:$0x10600] =	vst v63  }
0x103: {  	s16 =	simm.s32 $0x3400;
	s15 =	simm.s32 $0x180  }
0x104: {  	[tilespmem:s16], [sflag:$0x3] =	stream.indirect.gather [hbm4b:s5+s9], $0x20, s15, s9, $0x2000b8;
	[tilespmem:$0x10600] =	vst v63  }
0x105: {  	_ =	strace $0x9000004C  }
0x106: {  	s16 =	simm.s32 $0x4;
	_ =	strace $0x8000004D  }
0x107: {  	s17 =	sshll.u32 s12, $0xA;
	_ =	swait.ge [sflag:s16], $0x4000  }
.Ltmp5:
0x108: {  	s18 =	rddreg [dreg:$0x14];
	[sflag:s16] =	ssyncset.done $0x0;
	(pc) =	sbr.rel @p0 .LBB2_11-.Ltmp5, $4  }
0x109: {  	s14 =	sadd.s32 s17, s18;
	[sflag:s16] =	ssyncadd.s32 $0xFFFFC000  }
0x10a: {  	s14 =	sshrl.u32 s14, $0x3;
	s17 =	rddreg [dreg:$0x1]  }
0x10b: {  	s18 =	simm.s32 $0x200;
	s14 =	sadd.s32 s17, s14  }
0x10c: {  	[tilespmem:s18], [sflag:$0x2] =	stream.linear.gather [hbm4b:s14+s3], $0x200, $0x200038;
	[tilespmem:$0x10600] =	vst v63  }
.LBB2_10:
0x10d: {  	s14 =	simm.s32 $0x6  }
0x10e: {  	_ =	swait.ge [sflag:s14], $0x4000  }
0x10f: {  	[sflag:s14] =	ssyncset.done $0x0  }
0x110: {  	[sflag:s14] =	ssyncadd.s32 $0xFFFFC000  }
.LBB2_11:
0x111: {  	_ =	strace $0x9000004D  }
0x112: {  	s14 =	simm.s32 $0x4500;
	s15 =	simm.s32 $0xF;
	_ =	strace $0x8000004E  }
0x113: {  	v4 =	vadd.s32 s15, v0;
	v3 =	vld [tilespmem:s14+$0xE0]  }
0x114: {  	s18 =	simm.s32 $0x1;
	v6 =	vadd.s32 s15, v1;
	v5 =	vld [tilespmem:s14+$0xF0]  }
0x115: {  	v8 =	vadd.s32 s18, v0;
	v7 =	vld [tilespmem:s14+$0xFFFFFF20]  }
0x116: {  	s16 =	simm.s32 $0x2;
	v10 =	vadd.s32 s18, v1;
	v9 =	vld [tilespmem:s14+$0xFFFFFF30]  }
0x117: {  	v12 =	vadd.s32 s16, v0;
	v11 =	vld [tilespmem:s14+$0xFFFFFF40]  }
0x118: {  	s17 =	simm.s32 $0x3;
	[tilespmem:v4+s11+$0x0] =	vst.idx.msk $0xffff, v3;
	v3 =	vld [tilespmem:s14+$0xFFFFFF50];
	v4 =	vadd.s32 s16, v1  }
0x119: {  	[tilespmem:v6+s11+$0x0] =	vst.idx.msk $0xffff, v5;
	v5 =	vld [tilespmem:s14+$0xFFFFFF60];
	v6 =	vadd.s32 s17, v0  }
0x11a: {  	s18 =	simm.s32 $0x4;
	[tilespmem:v8+s11+$0x0] =	vst.idx.msk $0xffff, v7;
	v7 =	vld [tilespmem:s14+$0xFFFFFF70];
	v8 =	vadd.s32 s17, v1  }
0x11b: {  	[tilespmem:v10+s11+$0x0] =	vst.idx.msk $0xffff, v9;
	v9 =	vld [tilespmem:s14+$0xFFFFFF80];
	v10 =	vadd.s32 s18, v0  }
0x11c: {  	[tilespmem:v12+s11+$0x0] =	vst.idx.msk $0xffff, v11;
	v11 =	vld [tilespmem:s14+$0xFFFFFF90];
	v12 =	vadd.s32 s18, v1;
	s16 =	simm.s32 $0x5  }
0x11d: {  	[tilespmem:v4+s11+$0x0] =	vst.idx.msk $0xffff, v3;
	v3 =	vld [tilespmem:s14+$0xFFFFFFA0];
	v4 =	vadd.s32 s16, v0  }
0x11e: {  	s17 =	simm.s32 $0x6;
	[tilespmem:v6+s11+$0x0] =	vst.idx.msk $0xffff, v5;
	v5 =	vld [tilespmem:s14+$0xFFFFFFB0];
	v6 =	vadd.s32 s16, v1  }
0x11f: {  	[tilespmem:v8+s11+$0x0] =	vst.idx.msk $0xffff, v7;
	v7 =	vld [tilespmem:s14+$0xFFFFFFC0];
	v8 =	vadd.s32 s17, v0  }
0x120: {  	s18 =	simm.s32 $0x7;
	[tilespmem:v10+s11+$0x0] =	vst.idx.msk $0xffff, v9;
	v9 =	vld [tilespmem:s14+$0xFFFFFFD0];
	v10 =	vadd.s32 s17, v1  }
0x121: {  	[tilespmem:v12+s11+$0x0] =	vst.idx.msk $0xffff, v11;
	v11 =	vld [tilespmem:s14+$0xFFFFFFE0];
	v12 =	vadd.s32 s18, v0  }
0x122: {  	[tilespmem:v4+s11+$0x0] =	vst.idx.msk $0xffff, v3  }
0x123: {  	s16 =	simm.s32 $0x8;
	v3 =	vld [tilespmem:s14+$0xFFFFFFF0];
	v4 =	vadd.s32 s18, v1;
	[tilespmem:v6+s11+$0x0] =	vst.idx.msk $0xffff, v5  }
0x124: {  	s17 =	simm.s32 $0x9;
	v5 =	vld [tilespmem:s14+$0x0];
	v6 =	vadd.s32 s16, v0;
	[tilespmem:v8+s11+$0x0] =	vst.idx.msk $0xffff, v7  }
0x125: {  	[tilespmem:v10+s11+$0x0] =	vst.idx.msk $0xffff, v9;
	v9 =	vld [tilespmem:s14+$0x20];
	v10 =	vadd.s32 s17, v0  }
0x126: {  	[tilespmem:v12+s11+$0x0] =	vst.idx.msk $0xffff, v11;
	v11 =	vld [tilespmem:s14+$0x30];
	v12 =	vadd.s32 s17, v1  }
0x127: {  	v7 =	vld [tilespmem:s14+$0x10];
	v8 =	vadd.s32 s16, v1  }
0x128: {  	v2 =	vld [tilespmem:s14+$0xFFFFFF10];
	s18 =	simm.s32 $0xA;
	[tilespmem:v4+s11+$0x0] =	vst.idx.msk $0xffff, v3  }
0x129: {  	v3 =	vld [tilespmem:s14+$0x40];
	v4 =	vadd.s32 s18, v0;
	[tilespmem:v6+s11+$0x0] =	vst.idx.msk $0xffff, v5  }
0x12a: {  	s17 =	simm.s32 $0xC;
	v5 =	vld [tilespmem:s14+$0x50];
	v6 =	vadd.s32 s18, v1;
	[tilespmem:v10+s11+$0x0] =	vst.idx.msk $0xffff, v9  }
0x12b: {  	s16 =	simm.s32 $0xB;
	[tilespmem:v12+s11+$0x0] =	vst.idx.msk $0xffff, v11;
	v11 =	vld [tilespmem:s14+$0x80];
	v12 =	vadd.s32 s17, v0  }
0x12c: {  	s18 =	simm.s32 $0xD;
	[tilespmem:v8+s11+$0x0] =	vst.idx.msk $0xffff, v7;
	v7 =	vld [tilespmem:s14+$0x60];
	v8 =	vadd.s32 s16, v0  }
0x12d: {  	v15 =	vld [tilespmem:s14+$0xA0];
	v16 =	vadd.s32 s18, v0  }
0x12e: {  	v9 =	vld [tilespmem:s14+$0x70];
	v10 =	vadd.s32 s16, v1;
	[tilespmem:v4+s11+$0x0] =	vst.idx.msk $0xffff, v3  }
0x12f: {  	v13 =	vld [tilespmem:s14+$0x90];
	v14 =	vadd.s32 s17, v1;
	[tilespmem:v6+s11+$0x0] =	vst.idx.msk $0xffff, v5  }
0x130: {  	s17 =	simm.s32 $0xE;
	v6 =	vld [tilespmem:s14+$0xB0];
	[tilespmem:v12+s11+$0x0] =	vst.idx.msk $0xffff, v11;
	v12 =	vadd.s32 s18, v1  }
0x131: {  	v5 =	vld [tilespmem:s14+$0xC0];
	[tilespmem:v8+s11+$0x0] =	vst.idx.msk $0xffff, v7;
	v11 =	vadd.s32 s17, v0  }
0x132: {  	s16 =	simm.s32 $0x0;
	v3 =	vld [tilespmem:s14+$0xD0];
	v8 =	vadd.s32 s17, v1;
	[tilespmem:v16+s11+$0x0] =	vst.idx.msk $0xffff, v15  }
0x133: {  	s15 =	simm.s32 $0x4700;
	v4 =	vld [tilespmem:s14+$0xFFFFFF00];
	[tilespmem:v10+s11+$0x0] =	vst.idx.msk $0xffff, v9;
	v9 =	vadd.s32 s16, v0;
	s18 =	simm.s32 $0x1F  }
0x134: {  	s14 =	simm.s32 $0x10;
	v7 =	vld [tilespmem:s15+$0xE0];
	s17 =	simm.s32 $0x20;
	[tilespmem:v14+s11+$0x0] =	vst.idx.msk $0xffff, v13;
	v10 =	vadd.s32 s18, v0  }
.LBB2_12:
0x135: {  	p0 =	slt.u32 s17, $0x1F0;
	v13 =	vld [tilespmem:s15+$0xF0];
	v14 =	vadd.s32 s18, v1;
	[tilespmem:v12+s11+$0x0] =	vst.idx.msk $0xffff, v6  }
0x136: {  	s18 =	sadd.s32 $0x1, s14;
	v12 =	vadd.s32 s16, v1;
	s16 =	smov.u32 s14;
	s14 =	smov.u32 s17;
	v6 =	vld [tilespmem:s15+$0xFFFFFF10];
	[tilespmem:v11+s11+$0x0] =	vst.idx.msk $0xffff, v5  }
0x137: {  	v11 =	vadd.s32 s18, v0;
	v5 =	vld [tilespmem:s15+$0xFFFFFF20];
	[tilespmem:v8+s11+$0x0] =	vst.idx.msk $0xffff, v3  }
0x138: {  	v8 =	vadd.s32 s18, v1;
	s18 =	sadd.s32 $0x2, s16;
	v3 =	vld [tilespmem:s15+$0xFFFFFF30];
	[tilespmem:v9+s11+$0x0] =	vst.idx.msk $0xffff, v4  }
0x139: {  	v9 =	vadd.s32 s18, v0;
	v4 =	vld [tilespmem:s15+$0xFFFFFF40];
	[tilespmem:v10+s11+$0x0] =	vst.idx.msk $0xffff, v7  }
0x13a: {  	v10 =	vadd.s32 s18, v1;
	s18 =	sadd.s32 $0x3, s16;
	v7 =	vld [tilespmem:s15+$0xFFFFFF50];
	[tilespmem:v14+s11+$0x0] =	vst.idx.msk $0xffff, v13  }
0x13b: {  	v14 =	vadd.s32 s18, v0;
	v13 =	vld [tilespmem:s15+$0xFFFFFF60];
	[tilespmem:v12+s11+$0x0] =	vst.idx.msk $0xffff, v2;
	v2 =	vmov v6  }
0x13c: {  	v6 =	vadd.s32 s18, v1;
	s18 =	sadd.s32 $0x4, s16;
	[tilespmem:v11+s11+$0x0] =	vst.idx.msk $0xffff, v5;
	v5 =	vld [tilespmem:s15+$0xFFFFFF70]  }
0x13d: {  	[tilespmem:v8+s11+$0x0] =	vst.idx.msk $0xffff, v3;
	v3 =	vld [tilespmem:s15+$0xFFFFFF80];
	v8 =	vadd.s32 s18, v0  }
0x13e: {  	[tilespmem:v9+s11+$0x0] =	vst.idx.msk $0xffff, v4;
	v4 =	vld [tilespmem:s15+$0xFFFFFF90];
	v9 =	vadd.s32 s18, v1;
	s18 =	sadd.s32 $0x5, s16  }
0x13f: {  	[tilespmem:v10+s11+$0x0] =	vst.idx.msk $0xffff, v7;
	v7 =	vld [tilespmem:s15+$0xFFFFFFA0];
	v10 =	vadd.s32 s18, v0  }
0x140: {  	v12 =	vadd.s32 s18, v1;
	s18 =	sadd.s32 $0x6, s16;
	[tilespmem:v14+s11+$0x0] =	vst.idx.msk $0xffff, v13;
	v11 =	vld [tilespmem:s15+$0xFFFFFFB0]  }
0x141: {  	[tilespmem:v6+s11+$0x0] =	vst.idx.msk $0xffff, v5;
	v5 =	vld [tilespmem:s15+$0xFFFFFFC0];
	v6 =	vadd.s32 s18, v0  }
0x142: {  	[tilespmem:v8+s11+$0x0] =	vst.idx.msk $0xffff, v3;
	v3 =	vld [tilespmem:s15+$0xFFFFFFD0];
	v8 =	vadd.s32 s18, v1;
	s18 =	sadd.s32 $0x7, s16  }
0x143: {  	[tilespmem:v9+s11+$0x0] =	vst.idx.msk $0xffff, v4;
	v4 =	vld [tilespmem:s15+$0xFFFFFFE0];
	v9 =	vadd.s32 s18, v0  }
0x144: {  	[tilespmem:v10+s11+$0x0] =	vst.idx.msk $0xffff, v7;
	v7 =	vld [tilespmem:s15+$0xFFFFFFF0];
	v10 =	vadd.s32 s18, v1;
	s18 =	sadd.s32 $0x8, s16  }
0x145: {  	[tilespmem:v12+s11+$0x0] =	vst.idx.msk $0xffff, v11;
	v11 =	vld [tilespmem:s15+$0x0];
	v12 =	vadd.s32 s18, v0  }
0x146: {  	[tilespmem:v6+s11+$0x0] =	vst.idx.msk $0xffff, v5;
	v5 =	vld [tilespmem:s15+$0x10];
	v6 =	vadd.s32 s18, v1;
	s18 =	sadd.s32 $0x9, s16  }
0x147: {  	[tilespmem:v8+s11+$0x0] =	vst.idx.msk $0xffff, v3;
	v3 =	vld [tilespmem:s15+$0x20];
	v8 =	vadd.s32 s18, v0  }
0x148: {  	[tilespmem:v9+s11+$0x0] =	vst.idx.msk $0xffff, v4;
	v4 =	vld [tilespmem:s15+$0x30];
	v9 =	vadd.s32 s18, v1;
	s18 =	sadd.s32 $0xA, s16  }
0x149: {  	[tilespmem:v10+s11+$0x0] =	vst.idx.msk $0xffff, v7;
	v7 =	vld [tilespmem:s15+$0x40];
	v10 =	vadd.s32 s18, v0  }
0x14a: {  	[tilespmem:v12+s11+$0x0] =	vst.idx.msk $0xffff, v11;
	v11 =	vld [tilespmem:s15+$0x50];
	v12 =	vadd.s32 s18, v1;
	s18 =	sadd.s32 $0xB, s16  }
0x14b: {  	[tilespmem:v6+s11+$0x0] =	vst.idx.msk $0xffff, v5;
	v5 =	vld [tilespmem:s15+$0x60];
	v6 =	vadd.s32 s18, v0  }
0x14c: {  	[tilespmem:v8+s11+$0x0] =	vst.idx.msk $0xffff, v3;
	v3 =	vld [tilespmem:s15+$0x70];
	v8 =	vadd.s32 s18, v1;
	s18 =	sadd.s32 $0xC, s16  }
0x14d: {  	[tilespmem:v9+s11+$0x0] =	vst.idx.msk $0xffff, v4;
	v4 =	vld [tilespmem:s15+$0x80];
	v9 =	vadd.s32 s18, v0  }
0x14e: {  	[tilespmem:v10+s11+$0x0] =	vst.idx.msk $0xffff, v7;
	v7 =	vld [tilespmem:s15+$0x90];
	v10 =	vadd.s32 s18, v1;
	s18 =	sadd.s32 $0xD, s16  }
0x14f: {  	[tilespmem:v12+s11+$0x0] =	vst.idx.msk $0xffff, v11;
	v13 =	vld [tilespmem:s15+$0xA0];
	v14 =	vadd.s32 s18, v0  }
.Ltmp6:
0x150: {  	v12 =	vadd.s32 s18, v1;
	s18 =	sadd.s32 $0xE, s16;
	[tilespmem:v6+s11+$0x0] =	vst.idx.msk $0xffff, v5;
	v6 =	vld [tilespmem:s15+$0xB0];
	(pc) =	sbr.rel @p0 .LBB2_12-.Ltmp6, $4  }
0x151: {  	v11 =	vadd.s32 s18, v0;
	[tilespmem:v8+s11+$0x0] =	vst.idx.msk $0xffff, v3;
	v5 =	vld [tilespmem:s15+$0xC0]  }
0x152: {  	v8 =	vadd.s32 s18, v1;
	[tilespmem:v9+s11+$0x0] =	vst.idx.msk $0xffff, v4;
	v3 =	vld [tilespmem:s15+$0xD0]  }
0x153: {  	s18 =	sadd.s32 $0xF, s17;
	v9 =	vadd.s32 s16, v0;
	v4 =	vld [tilespmem:s15+$0xFFFFFF00];
	[tilespmem:v10+s11+$0x0] =	vst.idx.msk $0xffff, v7;
	s15 =	sadd.s32 $0x200, s15  }
0x154: {  	s17 =	sadd.s32 $0x10, s17;
	v10 =	vadd.s32 s18, v0;
	v7 =	vld [tilespmem:s15+$0xE0];
	[tilespmem:v14+s11+$0x0] =	vst.idx.msk $0xffff, v13  }
0x155: {  	_ =	sdelay $0x2  }
0x156: {  	v14 =	vld [tilespmem:s15+$0xF0]  }
0x157: {  	v13 =	vadd.s32 s18, v1;
	[tilespmem:v12+s11+$0x0] =	vst.idx.msk $0xffff, v6;
	v63 =	vld [tilespmem:s15+$0xFFFFFF20]  }
0x158: {  	v62 =	vadd.s32 s16, v1;
	s17 =	sadd.s32 $0x1, s14;
	v18 =	vld [tilespmem:s15+$0xFFFFFF40];
	[tilespmem:v11+s11+$0x0] =	vst.idx.msk $0xffff, v5  }
0x159: {  	v20 =	vld [tilespmem:s15+$0xFFFFFF50];
	v16 =	vadd.s32 s17, v0;
	[tilespmem:v8+s11+$0x0] =	vst.idx.msk $0xffff, v3  }
0x15a: {  	s18 =	sadd.s32 $0x2, s14;
	v17 =	vadd.s32 s17, v1;
	v3 =	vld [tilespmem:s15+$0xFFFFFF30];
	[tilespmem:v9+s11+$0x0] =	vst.idx.msk $0xffff, v4  }
0x15b: {  	v22 =	vld [tilespmem:s15+$0xFFFFFF60];
	v19 =	vadd.s32 s18, v0;
	[tilespmem:v10+s11+$0x0] =	vst.idx.msk $0xffff, v7  }
0x15c: {  	v26 =	vld [tilespmem:s15+$0xFFFFFF90];
	v21 =	vadd.s32 s18, v1;
	s17 =	sadd.s32 $0x3, s14;
	[tilespmem:v13+s11+$0x0] =	vst.idx.msk $0xffff, v14  }
0x15d: {  	v28 =	vld [tilespmem:s15+$0xFFFFFFA0];
	v23 =	vadd.s32 s17, v0;
	[tilespmem:v62+s11+$0x0] =	vst.idx.msk $0xffff, v2  }
0x15e: {  	s18 =	sadd.s32 $0x4, s14;
	v24 =	vadd.s32 s17, v1;
	v2 =	vld [tilespmem:s15+$0xFFFFFF70];
	[tilespmem:v16+s11+$0x0] =	vst.idx.msk $0xffff, v63  }
0x15f: {  	v25 =	vadd.s32 s18, v0;
	s17 =	sadd.s32 $0x5, s14;
	[tilespmem:v17+s11+$0x0] =	vst.idx.msk $0xffff, v3;
	v3 =	vld [tilespmem:s15+$0xFFFFFF80]  }
0x160: {  	v30 =	vld [tilespmem:s15+$0xFFFFFFB0];
	v29 =	vadd.s32 s17, v0;
	[tilespmem:v19+s11+$0x0] =	vst.idx.msk $0xffff, v18  }
0x161: {  	v34 =	vld [tilespmem:s15+$0xFFFFFFE0];
	v31 =	vadd.s32 s17, v1;
	s17 =	sadd.s32 $0x7, s14;
	[tilespmem:v21+s11+$0x0] =	vst.idx.msk $0xffff, v20  }
0x162: {  	v36 =	vld [tilespmem:s15+$0xFFFFFFF0];
	v27 =	vadd.s32 s18, v1;
	s18 =	sadd.s32 $0x6, s14;
	v35 =	vadd.s32 s17, v0;
	[tilespmem:v23+s11+$0x0] =	vst.idx.msk $0xffff, v22  }
0x163: {  	v32 =	vadd.s32 s18, v0;
	[tilespmem:v24+s11+$0x0] =	vst.idx.msk $0xffff, v2;
	v2 =	vld [tilespmem:s15+$0xFFFFFFC0]  }
0x164: {  	v33 =	vadd.s32 s18, v1;
	s18 =	sadd.s32 $0x8, s14;
	[tilespmem:v25+s11+$0x0] =	vst.idx.msk $0xffff, v3;
	v3 =	vld [tilespmem:s15+$0xFFFFFFD0]  }
0x165: {  	v38 =	vld [tilespmem:s15+$0x0];
	v37 =	vadd.s32 s17, v1;
	v39 =	vadd.s32 s18, v0;
	v40 =	vadd.s32 s18, v1;
	s18 =	sadd.s32 $0xA, s14;
	[tilespmem:v29+s11+$0x0] =	vst.idx.msk $0xffff, v28  }
0x166: {  	v44 =	vld [tilespmem:s15+$0x40];
	v45 =	vadd.s32 s18, v0;
	[tilespmem:v31+s11+$0x0] =	vst.idx.msk $0xffff, v30  }
0x167: {  	v42 =	vld [tilespmem:s15+$0x30];
	[tilespmem:v35+s11+$0x0] =	vst.idx.msk $0xffff, v34  }
0x168: {  	s17 =	sadd.s32 $0x9, s14;
	[tilespmem:v32+s11+$0x0] =	vst.idx.msk $0xffff, v2;
	v2 =	vld [tilespmem:s15+$0x10]  }
0x169: {  	v41 =	vadd.s32 s17, v0;
	[tilespmem:v33+s11+$0x0] =	vst.idx.msk $0xffff, v3;
	v3 =	vld [tilespmem:s15+$0x20]  }
0x16a: {  	v46 =	vld [tilespmem:s15+$0x50];
	v47 =	vadd.s32 s18, v1;
	s18 =	sadd.s32 $0xC, s14;
	[tilespmem:v37+s11+$0x0] =	vst.idx.msk $0xffff, v36  }
0x16b: {  	v50 =	vld [tilespmem:s15+$0x80];
	v51 =	vadd.s32 s18, v0;
	[tilespmem:v45+s11+$0x0] =	vst.idx.msk $0xffff, v44  }
0x16c: {  	v52 =	vld [tilespmem:s15+$0x90];
	v43 =	vadd.s32 s17, v1;
	s17 =	sadd.s32 $0xB, s14;
	v53 =	vadd.s32 s18, v1;
	[tilespmem:v39+s11+$0x0] =	vst.idx.msk $0xffff, v38  }
0x16d: {  	v48 =	vadd.s32 s17, v0;
	[tilespmem:v40+s11+$0x0] =	vst.idx.msk $0xffff, v2;
	v2 =	vld [tilespmem:s15+$0x60]  }
0x16e: {  	v49 =	vadd.s32 s17, v1;
	[tilespmem:v41+s11+$0x0] =	vst.idx.msk $0xffff, v3;
	v3 =	vld [tilespmem:s15+$0x70]  }
0x16f: {  	[tilespmem:v47+s11+$0x0] =	vst.idx.msk $0xffff, v46  }
0x170: {  	s17 =	sadd.s32 $0xD, s14;
	[tilespmem:v51+s11+$0x0] =	vst.idx.msk $0xffff, v50  }
0x171: {  	v54 =	vld [tilespmem:s15+$0xA0];
	v55 =	vadd.s32 s17, v0;
	[tilespmem:v53+s11+$0x0] =	vst.idx.msk $0xffff, v52  }
0x172: {  	s18 =	sadd.s32 $0xE, s14;
	v56 =	vadd.s32 s17, v1;
	[tilespmem:v48+s11+$0x0] =	vst.idx.msk $0xffff, v2;
	v2 =	vld [tilespmem:s15+$0xB0]  }
0x173: {  	v57 =	vadd.s32 s18, v0;
	[tilespmem:v49+s11+$0x0] =	vst.idx.msk $0xffff, v3;
	v3 =	vld [tilespmem:s15+$0xC0]  }
0x174: {  	v59 =	vld [tilespmem:s15+$0xD0];
	v58 =	vadd.s32 s18, v1;
	[tilespmem:v27+s11+$0x0] =	vst.idx.msk $0xffff, v26  }
0x175: {  	[tilespmem:v43+s11+$0x0] =	vst.idx.msk $0xffff, v42  }
0x176: {  	v60 =	vld [tilespmem:s15+$0xFFFFFF00];
	v61 =	vadd.s32 s14, v0;
	[tilespmem:v55+s11+$0x0] =	vst.idx.msk $0xffff, v54  }
0x177: {  	v62 =	vld [tilespmem:s15+$0xFFFFFF10];
	v63 =	vadd.s32 s14, v1;
	[tilespmem:v56+s11+$0x0] =	vst.idx.msk $0xffff, v2  }
0x178: {  	[tilespmem:v57+s11+$0x0] =	vst.idx.msk $0xffff, v3  }
0x179: {  	[tilespmem:v58+s11+$0x0] =	vst.idx.msk $0xffff, v59  }
0x17a: {  	s15 =	rddreg [dreg:$0x4]  }
0x17b: {  	[tilespmem:v61+s11+$0x0] =	vst.idx.msk $0xffff, v60;
	s13 =	sadd.s32 s15, s13  }
0x17c: {  	[tilespmem:v63+s11+$0x0] =	vst.idx.msk $0xffff, v62;
	s14 =	sshll.u32 s13, $0x6;
	s13 =	sshll.u32 s13, $0xB  }
0x17d: {  	_ =	strace $0x9000004E;
	s14 =	sand.u32 $0x7C0, s14;
	s13 =	sand.u32 $0xFFF0000, s13  }
0x17e: {  	_ =	strace $0x8000004F;
	s13 =	sor.u32 s14, s13  }
0x17f: {  	s16 =	rddreg [dreg:$0x5];
	s14 =	sadd.s32 s19, s13  }
0x180: {  	[hbm4b:s14+s3] =	stream.linear.scatter [tilespmem:s11], [sflag:$0x6], $0x200, $0x200038;
	[tilespmem:$0x10600] =	vst v63  }
0x181: {  	s17 =	simm.s32 $0xC708;
	s18 =	rddreg [dreg:$0x6];
	s14 =	sadd.s32 s13, s16  }
0x182: {  	[hbm4b:s14+s3] =	stream.linear.scatter [tilespmem:s17], [sflag:$0x6], $0x200, $0x200038;
	[tilespmem:$0x10600] =	vst v63  }
0x183: {  	s19 =	simm.s32 $0xC910;
	s16 =	rddreg [dreg:$0x7];
	s14 =	sadd.s32 s13, s18  }
0x184: {  	[hbm4b:s14+s3] =	stream.linear.scatter [tilespmem:s19], [sflag:$0x6], $0x200, $0x200038;
	[tilespmem:$0x10600] =	vst v63  }
0x185: {  	s17 =	simm.s32 $0xCB18;
	s18 =	rddreg [dreg:$0x8];
	s14 =	sadd.s32 s13, s16  }
0x186: {  	[hbm4b:s14+s3] =	stream.linear.scatter [tilespmem:s17], [sflag:$0x6], $0x200, $0x200038;
	[tilespmem:$0x10600] =	vst v63  }
0x187: {  	s19 =	simm.s32 $0xCD20;
	s16 =	rddreg [dreg:$0x9];
	s14 =	sadd.s32 s13, s18  }
0x188: {  	[hbm4b:s14+s3] =	stream.linear.scatter [tilespmem:s19], [sflag:$0x6], $0x200, $0x200038;
	[tilespmem:$0x10600] =	vst v63  }
0x189: {  	s17 =	simm.s32 $0xCF28;
	s18 =	rddreg [dreg:$0xa];
	s14 =	sadd.s32 s13, s16  }
0x18a: {  	[hbm4b:s14+s3] =	stream.linear.scatter [tilespmem:s17], [sflag:$0x6], $0x200, $0x200038;
	[tilespmem:$0x10600] =	vst v63  }
0x18b: {  	s19 =	simm.s32 $0xD130;
	s16 =	rddreg [dreg:$0xb];
	s14 =	sadd.s32 s13, s18  }
0x18c: {  	[hbm4b:s14+s3] =	stream.linear.scatter [tilespmem:s19], [sflag:$0x6], $0x200, $0x200038;
	[tilespmem:$0x10600] =	vst v63  }
0x18d: {  	s17 =	simm.s32 $0xD338;
	s18 =	rddreg [dreg:$0xc];
	s14 =	sadd.s32 s13, s16  }
0x18e: {  	[hbm4b:s14+s3] =	stream.linear.scatter [tilespmem:s17], [sflag:$0x6], $0x200, $0x200038;
	[tilespmem:$0x10600] =	vst v63  }
0x18f: {  	s19 =	simm.s32 $0xD540;
	s16 =	rddreg [dreg:$0xd];
	s14 =	sadd.s32 s13, s18  }
0x190: {  	[hbm4b:s14+s3] =	stream.linear.scatter [tilespmem:s19], [sflag:$0x6], $0x200, $0x200038;
	[tilespmem:$0x10600] =	vst v63  }
0x191: {  	s17 =	simm.s32 $0xD748;
	s18 =	rddreg [dreg:$0xe];
	s14 =	sadd.s32 s13, s16  }
0x192: {  	[hbm4b:s14+s3] =	stream.linear.scatter [tilespmem:s17], [sflag:$0x6], $0x200, $0x200038;
	[tilespmem:$0x10600] =	vst v63  }
0x193: {  	s19 =	simm.s32 $0xD950;
	s16 =	rddreg [dreg:$0xf];
	s14 =	sadd.s32 s13, s18  }
0x194: {  	[hbm4b:s14+s3] =	stream.linear.scatter [tilespmem:s19], [sflag:$0x6], $0x200, $0x200038;
	[tilespmem:$0x10600] =	vst v63  }
0x195: {  	s17 =	simm.s32 $0xDB58;
	s18 =	rddreg [dreg:$0x10];
	s14 =	sadd.s32 s13, s16  }
0x196: {  	[hbm4b:s14+s3] =	stream.linear.scatter [tilespmem:s17], [sflag:$0x6], $0x200, $0x200038;
	[tilespmem:$0x10600] =	vst v63  }
0x197: {  	s19 =	simm.s32 $0xDD60;
	s16 =	rddreg [dreg:$0x11];
	s14 =	sadd.s32 s13, s18  }
0x198: {  	[hbm4b:s14+s3] =	stream.linear.scatter [tilespmem:s19], [sflag:$0x6], $0x200, $0x200038;
	[tilespmem:$0x10600] =	vst v63  }
0x199: {  	s17 =	simm.s32 $0xDF68;
	s14 =	sadd.s32 s13, s16  }
0x19a: {  	[hbm4b:s14+s3] =	stream.linear.scatter [tilespmem:s17], [sflag:$0x6], $0x200, $0x200038;
	[tilespmem:$0x10600] =	vst v63  }
0x19b: {  	s18 =	sadd.s32 s13, s20;
	s19 =	simm.s32 $0xE170  }
0x19c: {  	[hbm4b:s18+s3] =	stream.linear.scatter [tilespmem:s19], [sflag:$0x6], $0x200, $0x200038;
	[tilespmem:$0x10600] =	vst v63  }
0x19d: {  	s16 =	sadd.s32 s13, s21;
	s17 =	simm.s32 $0xE378  }
0x19e: {  	[hbm4b:s16+s3] =	stream.linear.scatter [tilespmem:s17], [sflag:$0x6], $0x200, $0x200038;
	[tilespmem:$0x10600] =	vst v63  }
0x19f: {  	s18 =	sadd.s32 s13, s22;
	s19 =	simm.s32 $0xE580  }
0x1a0: {  	[hbm4b:s18+s3] =	stream.linear.scatter [tilespmem:s19], [sflag:$0x6], $0x200, $0x200038;
	[tilespmem:$0x10600] =	vst v63  }
0x1a1: {  	s16 =	sadd.s32 s13, s23;
	s17 =	simm.s32 $0xE788  }
0x1a2: {  	[hbm4b:s16+s3] =	stream.linear.scatter [tilespmem:s17], [sflag:$0x6], $0x200, $0x200038;
	[tilespmem:$0x10600] =	vst v63  }
0x1a3: {  	s18 =	sadd.s32 s13, s24;
	s19 =	simm.s32 $0xE990  }
0x1a4: {  	[hbm4b:s18+s3] =	stream.linear.scatter [tilespmem:s19], [sflag:$0x6], $0x200, $0x200038;
	[tilespmem:$0x10600] =	vst v63  }
0x1a5: {  	s16 =	sadd.s32 s13, s25;
	s17 =	simm.s32 $0xEB98  }
0x1a6: {  	[hbm4b:s16+s3] =	stream.linear.scatter [tilespmem:s17], [sflag:$0x6], $0x200, $0x200038;
	[tilespmem:$0x10600] =	vst v63  }
0x1a7: {  	s18 =	sadd.s32 s13, s26;
	s19 =	simm.s32 $0xEDA0  }
0x1a8: {  	[hbm4b:s18+s3] =	stream.linear.scatter [tilespmem:s19], [sflag:$0x6], $0x200, $0x200038;
	[tilespmem:$0x10600] =	vst v63  }
0x1a9: {  	s16 =	sadd.s32 s13, s28;
	s17 =	simm.s32 $0xEFA8  }
0x1aa: {  	[hbm4b:s16+s3] =	stream.linear.scatter [tilespmem:s17], [sflag:$0x6], $0x200, $0x200038;
	[tilespmem:$0x10600] =	vst v63  }
0x1ab: {  	s18 =	sadd.s32 s13, s29;
	s19 =	simm.s32 $0xF1B0  }
0x1ac: {  	[hbm4b:s18+s3] =	stream.linear.scatter [tilespmem:s19], [sflag:$0x6], $0x200, $0x200038;
	[tilespmem:$0x10600] =	vst v63  }
0x1ad: {  	s16 =	sadd.s32 s13, s30;
	s17 =	simm.s32 $0xF3B8  }
0x1ae: {  	[hbm4b:s16+s3] =	stream.linear.scatter [tilespmem:s17], [sflag:$0x6], $0x200, $0x200038;
	[tilespmem:$0x10600] =	vst v63  }
0x1af: {  	s18 =	sadd.s32 s13, s31;
	s19 =	simm.s32 $0xF5C0  }
0x1b0: {  	[hbm4b:s18+s3] =	stream.linear.scatter [tilespmem:s19], [sflag:$0x6], $0x200, $0x200038;
	[tilespmem:$0x10600] =	vst v63  }
0x1b1: {  	s16 =	sadd.s32 s13, s0;
	s17 =	simm.s32 $0xF7C8  }
0x1b2: {  	[hbm4b:s16+s3] =	stream.linear.scatter [tilespmem:s17], [sflag:$0x6], $0x200, $0x200038;
	[tilespmem:$0x10600] =	vst v63  }
0x1b3: {  	s18 =	sadd.s32 s13, s1;
	s19 =	simm.s32 $0xF9D0  }
0x1b4: {  	[hbm4b:s18+s3] =	stream.linear.scatter [tilespmem:s19], [sflag:$0x6], $0x200, $0x200038;
	[tilespmem:$0x10600] =	vst v63  }
0x1b5: {  	s16 =	sadd.s32 s13, s2;
	s17 =	simm.s32 $0xFBD8  }
0x1b6: {  	[hbm4b:s16+s3] =	stream.linear.scatter [tilespmem:s17], [sflag:$0x6], $0x200, $0x200038;
	[tilespmem:$0x10600] =	vst v63  }
0x1b7: {  	s12 =	sadd.s32 $0x1, s12;
	s18 =	sadd.s32 s13, s4;
	s19 =	simm.s32 $0xFDE0  }
0x1b8: {  	[hbm4b:s18+s3] =	stream.linear.scatter [tilespmem:s19], [sflag:$0x6], $0x200, $0x200038;
	[tilespmem:$0x10600] =	vst v63  }
0x1b9: {  	p0 =	sne.s32 s12, $0x19;
	s15 =	sadd.s32 s13, s6;
	s16 =	simm.s32 $0xFFE8  }
0x1ba: {  	[hbm4b:s15+s3] =	stream.linear.scatter [tilespmem:s16], [sflag:$0x6], $0x200, $0x200038;
	[tilespmem:$0x10600] =	vst v63  }
.Ltmp7:
0x1bb: {  	s17 =	sadd.s32 s13, s7;
	s18 =	simm.s32 $0x101F0;
	(pc) =	sbr.rel @p0 .LBB2_2-.Ltmp7, $4  }
0x1bc: {  	[hbm4b:s17+s3] =	stream.linear.scatter [tilespmem:s18], [sflag:$0x6], $0x200, $0x200038;
	[tilespmem:$0x10600] =	vst v63  }
0x1bd: {  	s13 =	sadd.s32 s13, s8;
	s19 =	simm.s32 $0x103F8  }
0x1be: {  	[hbm4b:s13+s3] =	stream.linear.scatter [tilespmem:s19], [sflag:$0x6], $0x200, $0x200038;
	[tilespmem:$0x10600] =	vst v63  }
0x1bf: {  	_ =	strace $0x9000004F  }
0x1c0: {  	s12 =	simm.s32 $0x5  }
0x1c1: {  	_ =	swait.ge [sflag:s12], $0x4000  }
0x1c2: {  	[sflag:s12] =	ssyncset.done $0x0  }
0x1c3: {  	s13 =	simm.s32 $0x6;
	[sflag:s12] =	ssyncadd.s32 $0xFFFFC000  }
0x1c4: {  	_ =	swait.ge [sflag:s13], $0x4000  }
0x1c5: {  	s14 =	rddreg [dreg:$0x17]  }
0x1c6: {  	s19 =	rddreg [dreg:$0x15];
	s14 =	sadd.s32 $0x1, s14  }
0x1c7: {  	p0 =	sne.s32 s14, s19  }
.Ltmp8:
0x1c8: {  	_ = 	snop;
	(pc) =	sbr.rel @p0 .LBB2_1-.Ltmp8, $3  }
0x1c9: {  	_ =	sdelay $0x1  }
0x1ca: {  	[sflag:s13] =	ssyncset.done $0x0  }
0x1cb: {  	[sflag:s13] =	ssyncadd.s32 $0xFFFFC000  }
0x1cc: {  	_ =	sfence.sel $0x180000  }
0x1cd: {  	[bflag:$0x0] =	sbarrier.arrive $0xFFFF  }
0x1ce: {  	_ =	strace $0x90000047  }
0x1cf: {  	s0 =	stileid.u32;
	[bflag:$0x2] =	sbarrier.arrive $0xFFFF  }
0x1d0: {  	p0 =	sne.s32 s0, $0x0;
	s0 =	rddreg [dreg:$0x2]  }
0x1d1: {  	s0 =	sadd.s32 @!p0 $0x100000, s0  }
0x1d2: {  	[sflag:s0] =	ssyncadd.tile.s32 @!p0 $0x1;
	_ =	shalt  }
.Lfunc_end2:
_tile_overlayer_lowered:
.L_overlay_start_2:
0x1d3: {  	(tag) =	ssettag $0x2  }
0x1d4: {  	s0 =	rddreg [dreg:$0x0];
	s2 =	stileid.u32  }
0x1d5: {  	s1 =	rddreg [dreg:$0x1];
	p0 =	sne.s32 s2, $0x0  }
0x1d6: {  	s3 =	rddreg [dreg:$0x2];
	[bflag:$0x3] =	sbarrier.arrive $0xFFFF;
	s2 =	simm.s32 @!p0 $0x1C07  }
0x1d7: {  	[timem:s3], [sflag:s2] =	dma.local @!p0 [hbm:s0], s1  }
0x1d8: {  	s0 =	simm.s32 @!p0 $0x7  }
0x1d9: {  	_ =	swait.ge @!p0 [sflag:s0], s1  }
0x1da: {  	s1 =	ssub.s32 @!p0 $0x0, s1;
	[sflag:s0] =	ssyncset.done @!p0 $0x0  }
0x1db: {  	[sflag:s0] =	ssyncadd.s32 @!p0 s1  }
0x1dc: {  	[bflag:$0x3] =	sbarrier.arrive $0xFFFF  }
0x1dd: {  	_ =	shalt  }

</sc_bundles>
